<compile_context>
chip_gen: v7x
topology: tpu7x:2x2x1
jax: 0.10.2.dev20260603
libtpu: 0.0.44.dev20260713+nightly
codegen_flags: <defaults>
</compile_context>

<pallas_src>
import functools

import jax
import jax.numpy as jnp
from jax import lax
from jax.experimental import pallas as pl
from jax.experimental.pallas import tpu as pltpu
from jax.experimental.pallas import tpu_sc as plsc

B, N, M, O, E, F, K = 4, 65536, 4096, 16, 64, 128, 7
KF = K * F
NC, NS = 2, 16
NW = NC * NS
QT = (B * M) // NW
CQ = 8
RC = CQ * O
NCHUNK = QT // CQ


def _sc_body(x_hbm, xe_hbm, ye_hbm, i_hbm, lt_hbm, out_hbm,
             ye_v, lt_v, i_v, w_v,
             idx_v0, xe_v0, x_v0, out_v0, sem_xe0, sem_x0, sem_o0,
             idx_v1, xe_v1, x_v1, out_v1, sem_xe1, sem_x1, sem_o1):
    cid = lax.axis_index("c")
    sid = lax.axis_index("s")
    wid = sid * NC + cid
    qw = pl.multiple_of(wid * QT, QT)
    bN = (qw // M) * N

    pltpu.sync_copy(ye_hbm.at[pl.ds(qw, QT)], ye_v)
    pltpu.sync_copy(lt_hbm.at[pl.ds(qw, QT)], lt_v)
    pltpu.sync_copy(i_hbm.at[pl.ds(qw, QT)], i_v)

    lanes = lax.broadcasted_iota(jnp.int32, (O,), 0)

    def issue_gathers(c, idx_v, xe_v, x_v, sem_xe, sem_x):
        def idx_body(q, _):
            idx_v[pl.ds(q * O, O)] = i_v[c * CQ + q, :] + bN
            return 0
        lax.fori_loop(0, CQ, idx_body, 0)
        pltpu.async_copy(xe_hbm.at[idx_v], xe_v, sem_xe)
        pltpu.async_copy(x_hbm.at[idx_v], x_v, sem_x)

    def compute_chunk(c, xe_v, x_v, out_v):
        def q_body(q, _):
            qrow = c * CQ + q
            qsplat = jnp.full((O,), qrow, jnp.int32)

            ye_r = [ye_v[qrow, pl.ds(u * 16, 16)] for u in range(4)]

            def o_dist(o, dvec):
                acc = jnp.zeros((O,), jnp.float32)
                for u in range(4):
                    diff = xe_v[q * O + o, pl.ds(u * 16, 16)] - ye_r[u]
                    acc = acc + diff * diff
                return jnp.where(lanes == o, jnp.sum(acc), dvec)
            d = lax.fori_loop(0, O, o_dist, jnp.zeros((O,), jnp.float32))

            temp = jnp.exp(plsc.load_gather(lt_v, [qsplat]))
            logits = -d / temp
            s = jnp.exp(logits - jnp.max(logits))
            w = s / jnp.sum(s)
            for k in range(K):
                w_v[pl.ds(k * O, O)] = w
                if k + 1 < K:
                    w2 = w * jnp.maximum(1.0 - w, 1e-7)
                    w = w2 / jnp.sum(w2)

            for k0, kn in ((0, 4), (4, 3)):
                def o_body(o, accs):
                    xr = [x_v[q * O + o, pl.ds(j * 16, 16)] for j in range(8)]
                    out = []
                    for t in range(kn):
                        ws = plsc.load_gather(
                            w_v, [jnp.full((O,), (k0 + t) * O + o, jnp.int32)])
                        for j in range(8):
                            out.append(accs[t * 8 + j] + ws * xr[j])
                    return tuple(out)
                accs = lax.fori_loop(
                    0, O, o_body,
                    tuple(jnp.zeros((O,), jnp.float32) for _ in range(kn * 8)))
                for t in range(kn):
                    for j in range(8):
                        out_v[q, pl.ds((k0 + t) * F + j * 16, 16)] = accs[t * 8 + j]
            return 0
        lax.fori_loop(0, CQ, q_body, 0)

    def wait_gathers(idx_v, xe_v, x_v, sem_xe, sem_x):
        pltpu.make_async_copy(xe_hbm.at[idx_v], xe_v, sem_xe).wait()
        pltpu.make_async_copy(x_hbm.at[idx_v], x_v, sem_x).wait()

    def store_out(c, out_v, sem_o):
        pltpu.async_copy(out_v, out_hbm.at[pl.ds(qw + c * CQ, CQ)], sem_o)

    def wait_store(c, out_v, sem_o):
        pltpu.make_async_copy(
            out_v, out_hbm.at[pl.ds(qw + c * CQ, CQ)], sem_o).wait()

    issue_gathers(0, idx_v0, xe_v0, x_v0, sem_xe0, sem_x0)

    def pair_body(p, _):
        c0 = p * 2
        c1 = c0 + 1
        issue_gathers(c1, idx_v1, xe_v1, x_v1, sem_xe1, sem_x1)
        wait_gathers(idx_v0, xe_v0, x_v0, sem_xe0, sem_x0)

        @pl.when(p > 0)
        def _():
            wait_store(c0 - 2, out_v0, sem_o0)
        compute_chunk(c0, xe_v0, x_v0, out_v0)
        store_out(c0, out_v0, sem_o0)

        @pl.when(p < NCHUNK // 2 - 1)
        def _():
            issue_gathers(c0 + 2, idx_v0, xe_v0, x_v0, sem_xe0, sem_x0)
        wait_gathers(idx_v1, xe_v1, x_v1, sem_xe1, sem_x1)

        @pl.when(p > 0)
        def _():
            wait_store(c1 - 2, out_v1, sem_o1)
        compute_chunk(c1, xe_v1, x_v1, out_v1)
        store_out(c1, out_v1, sem_o1)
        return 0
    lax.fori_loop(0, NCHUNK // 2, pair_body, 0)
    wait_store(NCHUNK - 2, out_v0, sem_o0)
    wait_store(NCHUNK - 1, out_v1, sem_o1)


@functools.partial(jax.jit, static_argnums=())
def _run(x2, xe2, ye2, i2, lt2):
    f = pl.kernel(
        _sc_body,
        out_type=jax.ShapeDtypeStruct((B * M, KF), jnp.float32),
        mesh=plsc.VectorSubcoreMesh(
            core_axis_name="c", subcore_axis_name="s",
            num_cores=NC, num_subcores=NS),
        compiler_params=pltpu.CompilerParams(
            needs_layout_passes=False, use_tc_tiling_on_sc=False),
        scratch_types=[
            pltpu.VMEM((QT, E), jnp.float32),
            pltpu.VMEM((QT,), jnp.float32),
            pltpu.VMEM((QT, O), jnp.int32),
            pltpu.VMEM((K * O,), jnp.float32),
            pltpu.VMEM((RC,), jnp.int32),
            pltpu.VMEM((RC, E), jnp.float32),
            pltpu.VMEM((RC, F), jnp.float32),
            pltpu.VMEM((CQ, KF), jnp.float32),
            pltpu.SemaphoreType.DMA,
            pltpu.SemaphoreType.DMA,
            pltpu.SemaphoreType.DMA,
            pltpu.VMEM((RC,), jnp.int32),
            pltpu.VMEM((RC, E), jnp.float32),
            pltpu.VMEM((RC, F), jnp.float32),
            pltpu.VMEM((CQ, KF), jnp.float32),
            pltpu.SemaphoreType.DMA,
            pltpu.SemaphoreType.DMA,
            pltpu.SemaphoreType.DMA,
        ],
    )
    return f(x2, xe2, ye2, i2, lt2)


def kernel(x, xe, ye, I, log_temp):
    x2 = x.reshape(B * N, F)
    xe2 = xe.reshape(B * N, E)
    ye2 = ye.reshape(B * M, E)
    i2 = I.astype(jnp.int32).reshape(B * M, O)
    lt2 = log_temp.astype(jnp.float32).reshape(B * M)
    out = _run(x2, xe2, ye2, i2, lt2)
    return out.reshape(B, M, KF)

# --- scband reference (transcript-rebuilt; emitter-appended) ---
"""Pipeline reference for scband-n3-aggregation-base-21912923144704 (READ-ONLY COPY).

The authoritative reference and input builder live on the scoring server;
editing this copy changes nothing except your own understanding.
"""

import jax, jax.numpy as jnp
import numpy as np

K_NEIGH = 7

def _nnn_weights(D, log_temp):
    # D: negative squared distances, shape (B, M, O); log_temp: (B, M, 1)
    # Continuous deterministic relaxation of k-NN (N3Net NeuralNearestNeighbors).
    temp = jnp.exp(log_temp)
    logits = D / temp
    ws = []
    for _ in range(K_NEIGH):
        w = jax.nn.softmax(logits, axis=-1)
        ws.append(w)
        # exclude already-selected mass: logits += log(1 - w)
        logits = logits + jnp.log(jnp.clip(1.0 - w, 1e-7, None))
    return jnp.stack(ws, axis=-1)  # (B, M, O, K)


def setup_inputs(seed: int = 0) -> dict:
    key = jax.random.key(seed)
    k1, k2, k3, k4, k5 = jax.random.split(key, 5)
    B, N, M, O, E, F = 4, 65536, 4096, 16, 64, 128
    x = jax.random.normal(k1, (B, N, F), dtype=jnp.float32)
    xe = jax.random.normal(k2, (B, N, E), dtype=jnp.float32)
    ye = jax.random.normal(k3, (B, M, E), dtype=jnp.float32)
    I = jax.random.randint(k4, (B, M, O), 0, N, dtype=jnp.int64)
    log_temp = jax.random.normal(k5, (B, M, 1), dtype=jnp.float32) * 0.1
    return {"x": x, "xe": xe, "ye": ye, "I": I, "log_temp": log_temp}


def reference(x, xe, ye, I, log_temp):
    # Gather candidate embeddings per query: (B, M, O, E)
    xe_g = jax.vmap(lambda t, idx: t[idx])(xe, I)
    # Negative squared euclidean distances (search returns dists; module negates)
    diff = xe_g - ye[:, :, None, :]
    D = -jnp.sum(diff * diff, axis=-1)  # (B, M, O)
    # Continuous top-k neighbor weights
    W = _nnn_weights(D, log_temp)  # (B, M, O, K)
    # Gather database items and aggregate (weighted patch sum)
    x_g = jax.vmap(lambda t, idx: t[idx])(x, I)  # (B, M, O, F)
    z = jnp.einsum('bmok,bmof->bmkf', W, x_g)  # (B, M, K, F)
    B, M, K, F = z.shape
    return z.reshape(B, M, K * F)


if False:  # reference __main__ guard neutralized (emitter)
    out = reference(**setup_inputs())
    print(out.shape, out.dtype)

if __name__ == "__main__":
    import jax
    _d = setup_inputs()
    print(jax.jit(kernel)(*tuple(_d.values())))

</pallas_src>

<mosaic_0001>
#map = affine_map<(d0, d1) -> (0, 0)>
#map1 = affine_map<(d0, d1) -> (0)>
module attributes {stable_mosaic.version = 14 : i64} {
  func.func @_sc_body(%arg0: i32, %arg1: i32, %arg2: memref<262144x128xf32, #tpu.memory_space<hbm>>, %arg3: memref<262144x64xf32, #tpu.memory_space<hbm>>, %arg4: memref<16384x64xf32, #tpu.memory_space<hbm>>, %arg5: memref<16384x16xi32, #tpu.memory_space<hbm>>, %arg6: memref<16384xf32, #tpu.memory_space<hbm>>, %arg7: memref<16384x896xf32, #tpu.memory_space<hbm>>, %arg8: memref<512x64xf32, #tpu.memory_space<vmem>>, %arg9: memref<512xf32, #tpu.memory_space<vmem>>, %arg10: memref<512x16xi32, #tpu.memory_space<vmem>>, %arg11: memref<112xf32, #tpu.memory_space<vmem>>, %arg12: memref<128xi32, #tpu.memory_space<vmem>>, %arg13: memref<128x64xf32, #tpu.memory_space<vmem>>, %arg14: memref<128x128xf32, #tpu.memory_space<vmem>>, %arg15: memref<8x896xf32, #tpu.memory_space<vmem>>, %arg16: memref<!tpu.dma_semaphore, #tpu.memory_space<semaphore_mem>>, %arg17: memref<!tpu.dma_semaphore, #tpu.memory_space<semaphore_mem>>, %arg18: memref<!tpu.dma_semaphore, #tpu.memory_space<semaphore_mem>>, %arg19: memref<128xi32, #tpu.memory_space<vmem>>, %arg20: memref<128x64xf32, #tpu.memory_space<vmem>>, %arg21: memref<128x128xf32, #tpu.memory_space<vmem>>, %arg22: memref<8x896xf32, #tpu.memory_space<vmem>>, %arg23: memref<!tpu.dma_semaphore, #tpu.memory_space<semaphore_mem>>, %arg24: memref<!tpu.dma_semaphore, #tpu.memory_space<semaphore_mem>>, %arg25: memref<!tpu.dma_semaphore, #tpu.memory_space<semaphore_mem>>) attributes {dimension_semantics = [#tpu.dimension_semantics<core_parallel>, #tpu.dimension_semantics<subcore_parallel>], iteration_bounds = array<i64: 2, 16>, scalar_prefetch = 0 : i64, scratch_operands = 18 : i64, tpu.core_type = #tpu.core_type<sc_vector_subcore>, window_params = [{transform_indices = #map}, {transform_indices = #map}, {transform_indices = #map}, {transform_indices = #map}, {transform_indices = #map1}, {transform_indices = #map}]} {
    %mul3A = arith.constant 2 : i32
    %mul3A_0 = arith.muli %arg1, %mul3A : i32
    %add3A = arith.addi %mul3A_0, %arg0 : i32
    %mul3A_1 = arith.constant 512 : i32
    %mul3A_2 = arith.muli %add3A, %mul3A_1 : i32
    %multiple_of3A = tpu.assume_multiple %mul3A_2, 512 : i32
    %jit3A = arith.constant 4096 : i32
    %div3A = arith.divsi %multiple_of3A, %jit3A : i32
    %sign3A = arith.constant 0 : i32
    %sign3A_3 = arith.cmpi sgt, %multiple_of3A, %sign3A : i32
    %sign3A_4 = arith.extui %sign3A_3 : i1 to i32
    %sign3A_5 = arith.constant 0 : i32
    %sign3A_6 = arith.cmpi slt, %multiple_of3A, %sign3A_5 : i32
    %sign3A_7 = arith.extui %sign3A_6 : i1 to i32
    %sign3A_8 = arith.subi %sign3A_4, %sign3A_7 : i32
    %sign3A_9 = arith.constant 0 : i32
    %sign3A_10 = arith.cmpi sgt, %jit3A, %sign3A_9 : i32
    %sign3A_11 = arith.extui %sign3A_10 : i1 to i32
    %sign3A_12 = arith.constant 0 : i32
    %sign3A_13 = arith.cmpi slt, %jit3A, %sign3A_12 : i32
    %sign3A_14 = arith.extui %sign3A_13 : i1 to i32
    %sign3A_15 = arith.subi %sign3A_11, %sign3A_14 : i32
    %ne3A = arith.cmpi ne, %sign3A_8, %sign3A_15 : i32
    %rem3A = arith.remsi %multiple_of3A, %jit3A : i32
    %ne3A_16 = arith.constant 0 : i32
    %ne3A_17 = arith.cmpi ne, %rem3A, %ne3A_16 : i32
    %and3A = arith.andi %ne3A, %ne3A_17 : i1
    %sub3A = arith.constant 1 : i32
    %sub3A_18 = arith.subi %div3A, %sub3A : i32
    %select_n3A = arith.select %and3A, %sub3A_18, %div3A : i32
    %mul3A_19 = arith.constant 65536 : i32
    %mul3A_20 = arith.muli %select_n3A, %mul3A_19 : i32
    "tpu.region"() ({
      %run_scoped3A = tpu.sem_alloc : memref<!tpu.dma_semaphore, #tpu.memory_space<semaphore_mem>>
      %dma_start3A_50 = arith.constant 0 : i32
      %dma_start3A_51 = tpu.memref_slice %arg4[%multiple_of3A, %dma_start3A_50] : memref<16384x64xf32, #tpu.memory_space<hbm>> -> memref<512x64xf32, #tpu.memory_space<hbm>>
      %dma_start3A_52 = arith.constant 0 : i32
      %dma_start3A_53 = tpu.memref_slice %arg4[%multiple_of3A, %dma_start3A_52] : memref<16384x64xf32, #tpu.memory_space<hbm>> -> memref<512x64xf32, #tpu.memory_space<hbm>>
      tpu.enqueue_dma source(%dma_start3A_53 : memref<512x64xf32, #tpu.memory_space<hbm>>) target(%arg8 : memref<512x64xf32, #tpu.memory_space<vmem>>) target_semaphore(%run_scoped3A : memref<!tpu.dma_semaphore, #tpu.memory_space<semaphore_mem>>)
      %dma_wait3A_54 = arith.constant 0 : i32
      %dma_wait3A_55 = tpu.memref_slice %arg4[%multiple_of3A, %dma_wait3A_54] : memref<16384x64xf32, #tpu.memory_space<hbm>> -> memref<512x64xf32, #tpu.memory_space<hbm>>
      %dma_wait3A_56 = arith.constant 0 : i32
      %dma_wait3A_57 = tpu.memref_slice %arg4[%multiple_of3A, %dma_wait3A_56] : memref<16384x64xf32, #tpu.memory_space<hbm>> -> memref<512x64xf32, #tpu.memory_space<hbm>>
      tpu.wait_dma2 semaphore(%run_scoped3A : memref<!tpu.dma_semaphore, #tpu.memory_space<semaphore_mem>>) src(%dma_wait3A_57 : memref<512x64xf32, #tpu.memory_space<hbm>>) dst(%arg8 : memref<512x64xf32, #tpu.memory_space<vmem>>)
      tpu.yield
    }) : () -> ()
    "tpu.region"() ({
      %run_scoped3A = tpu.sem_alloc : memref<!tpu.dma_semaphore, #tpu.memory_space<semaphore_mem>>
      %dma_start3A_50 = tpu.memref_slice %arg6[%multiple_of3A] : memref<16384xf32, #tpu.memory_space<hbm>> -> memref<512xf32, #tpu.memory_space<hbm>>
      %dma_start3A_51 = tpu.memref_slice %arg6[%multiple_of3A] : memref<16384xf32, #tpu.memory_space<hbm>> -> memref<512xf32, #tpu.memory_space<hbm>>
      tpu.enqueue_dma source(%dma_start3A_51 : memref<512xf32, #tpu.memory_space<hbm>>) target(%arg9 : memref<512xf32, #tpu.memory_space<vmem>>) target_semaphore(%run_scoped3A : memref<!tpu.dma_semaphore, #tpu.memory_space<semaphore_mem>>)
      %dma_wait3A_52 = tpu.memref_slice %arg6[%multiple_of3A] : memref<16384xf32, #tpu.memory_space<hbm>> -> memref<512xf32, #tpu.memory_space<hbm>>
      %dma_wait3A_53 = tpu.memref_slice %arg6[%multiple_of3A] : memref<16384xf32, #tpu.memory_space<hbm>> -> memref<512xf32, #tpu.memory_space<hbm>>
      tpu.wait_dma2 semaphore(%run_scoped3A : memref<!tpu.dma_semaphore, #tpu.memory_space<semaphore_mem>>) src(%dma_wait3A_53 : memref<512xf32, #tpu.memory_space<hbm>>) dst(%arg9 : memref<512xf32, #tpu.memory_space<vmem>>)
      tpu.yield
    }) : () -> ()
    "tpu.region"() ({
      %run_scoped3A = tpu.sem_alloc : memref<!tpu.dma_semaphore, #tpu.memory_space<semaphore_mem>>
      %dma_start3A_50 = arith.constant 0 : i32
      %dma_start3A_51 = tpu.memref_slice %arg5[%multiple_of3A, %dma_start3A_50] : memref<16384x16xi32, #tpu.memory_space<hbm>> -> memref<512x16xi32, #tpu.memory_space<hbm>>
      %dma_start3A_52 = arith.constant 0 : i32
      %dma_start3A_53 = tpu.memref_slice %arg5[%multiple_of3A, %dma_start3A_52] : memref<16384x16xi32, #tpu.memory_space<hbm>> -> memref<512x16xi32, #tpu.memory_space<hbm>>
      tpu.enqueue_dma source(%dma_start3A_53 : memref<512x16xi32, #tpu.memory_space<hbm>>) target(%arg10 : memref<512x16xi32, #tpu.memory_space<vmem>>) target_semaphore(%run_scoped3A : memref<!tpu.dma_semaphore, #tpu.memory_space<semaphore_mem>>)
      %dma_wait3A_54 = arith.constant 0 : i32
      %dma_wait3A_55 = tpu.memref_slice %arg5[%multiple_of3A, %dma_wait3A_54] : memref<16384x16xi32, #tpu.memory_space<hbm>> -> memref<512x16xi32, #tpu.memory_space<hbm>>
      %dma_wait3A_56 = arith.constant 0 : i32
      %dma_wait3A_57 = tpu.memref_slice %arg5[%multiple_of3A, %dma_wait3A_56] : memref<16384x16xi32, #tpu.memory_space<hbm>> -> memref<512x16xi32, #tpu.memory_space<hbm>>
      tpu.wait_dma2 semaphore(%run_scoped3A : memref<!tpu.dma_semaphore, #tpu.memory_space<semaphore_mem>>) src(%dma_wait3A_57 : memref<512x16xi32, #tpu.memory_space<hbm>>) dst(%arg10 : memref<512x16xi32, #tpu.memory_space<vmem>>)
      tpu.yield
    }) : () -> ()
    %iota3A = tpu.iota {dimensions = array<i32: 0>} : vector<16xi32>
    %scan3A = arith.constant 0 : i32
    %scan3A_21 = arith.constant 0 : i32
    %scan3A_22 = arith.constant 8 : i32
    %scan3A_23 = arith.addi %scan3A_21, %scan3A_22 : i32
    %scan3A_24 = arith.constant 1 : i32
    %scan3A_25 = scf.for %scan3A_50 = %scan3A_21 to %scan3A_23 step %scan3A_24 iter_args(%scan3A_51 = %scan3A) -> (i32)  : i32 {
      %add3A_52 = arith.constant 0 : i32
      %add3A_53 = arith.addi %add3A_52, %scan3A_50 : i32
      %get3A = arith.index_cast %add3A_53 : i32 to index
      %get3A_54 = arith.constant 0 : index
      %get3A_55 = tpu.vector_load %arg10[%get3A, %get3A_54] {strides = array<i32>} : memref<512x16xi32, #tpu.memory_space<vmem>>, vector<16xi32>,
      %add3A_56 = vector.broadcast %mul3A_20 : i32 to vector<16xi32>
      %add3A_57 = arith.addi %get3A_55, %add3A_56 : vector<16xi32>
      %mul3A_58 = arith.constant 16 : i32
      %mul3A_59 = arith.muli %scan3A_50, %mul3A_58 : i32
      %swap3A = arith.index_cast %mul3A_59 : i32 to index
      %swap3A_60 = tpu.vector_load %arg12[%swap3A] {strides = array<i32>} : memref<128xi32, #tpu.memory_space<vmem>>, vector<16xi32>,
      tpu.vector_store %arg12[%swap3A], %add3A_57 {strides = array<i32>} : memref<128xi32, #tpu.memory_space<vmem>>, vector<16xi32>,
      %scan3A_61 = arith.constant 0 : i32
      scf.yield %scan3A_61 : i32
    }
    %scan3A_26 = arith.constant 8 : i32
    %dma_start3A = arith.constant 0 : i32
    %dma_start3A_27 = arith.constant 0 : i32
    %dma_start3A_28 = tpu.memref_slice %arg3[%dma_start3A, %dma_start3A_27] : memref<262144x64xf32, #tpu.memory_space<hbm>> -> memref<262144x64xf32, #tpu.memory_space<hbm>>
    tpu.enqueue_indirect_dma source(%dma_start3A_28 : memref<262144x64xf32, #tpu.memory_space<hbm>>) target(%arg13 : memref<128x64xf32, #tpu.memory_space<vmem>>) offsets(%arg12 : memref<128xi32, #tpu.memory_space<vmem>>) semaphore(%arg16 : memref<!tpu.dma_semaphore, #tpu.memory_space<semaphore_mem>>)
    %dma_start3A_29 = arith.constant 0 : i32
    %dma_start3A_30 = arith.constant 0 : i32
    %dma_start3A_31 = tpu.memref_slice %arg2[%dma_start3A_29, %dma_start3A_30] : memref<262144x128xf32, #tpu.memory_space<hbm>> -> memref<262144x128xf32, #tpu.memory_space<hbm>>
    tpu.enqueue_indirect_dma source(%dma_start3A_31 : memref<262144x128xf32, #tpu.memory_space<hbm>>) target(%arg14 : memref<128x128xf32, #tpu.memory_space<vmem>>) offsets(%arg12 : memref<128xi32, #tpu.memory_space<vmem>>) semaphore(%arg17 : memref<!tpu.dma_semaphore, #tpu.memory_space<semaphore_mem>>)
    %scan3A_32 = arith.constant 0 : i32
    %scan3A_33 = arith.constant 0 : i32
    %scan3A_34 = arith.constant 32 : i32
    %scan3A_35 = arith.addi %scan3A_33, %scan3A_34 : i32
    %scan3A_36 = arith.constant 1 : i32
    %scan3A_37 = scf.for %scan3A_50 = %scan3A_33 to %scan3A_35 step %scan3A_36 iter_args(%scan3A_51 = %scan3A_32) -> (i32)  : i32 {
      %mul3A_52 = arith.constant 2 : i32
      %mul3A_53 = arith.muli %scan3A_50, %mul3A_52 : i32
      %add3A_54 = arith.constant 1 : i32
      %add3A_55 = arith.addi %mul3A_53, %add3A_54 : i32
      %scan3A_56 = arith.constant 0 : i32
      %scan3A_57 = arith.constant 0 : i32
      %scan3A_58 = arith.constant 8 : i32
      %scan3A_59 = arith.addi %scan3A_57, %scan3A_58 : i32
      %scan3A_60 = arith.constant 1 : i32
      %scan3A_61 = scf.for %scan3A_121 = %scan3A_57 to %scan3A_59 step %scan3A_60 iter_args(%scan3A_122 = %scan3A_56) -> (i32)  : i32 {
        %mul3A_123 = arith.constant 8 : i32
        %mul3A_124 = arith.muli %add3A_55, %mul3A_123 : i32
        %add3A_125 = arith.addi %mul3A_124, %scan3A_121 : i32
        %get3A = arith.index_cast %add3A_125 : i32 to index
        %get3A_126 = arith.constant 0 : index
        %get3A_127 = tpu.vector_load %arg10[%get3A, %get3A_126] {strides = array<i32>} : memref<512x16xi32, #tpu.memory_space<vmem>>, vector<16xi32>,
        %add3A_128 = vector.broadcast %mul3A_20 : i32 to vector<16xi32>
        %add3A_129 = arith.addi %get3A_127, %add3A_128 : vector<16xi32>
        %mul3A_130 = arith.constant 16 : i32
        %mul3A_131 = arith.muli %scan3A_121, %mul3A_130 : i32
        %swap3A = arith.index_cast %mul3A_131 : i32 to index
        %swap3A_132 = tpu.vector_load %arg19[%swap3A] {strides = array<i32>} : memref<128xi32, #tpu.memory_space<vmem>>, vector<16xi32>,
        tpu.vector_store %arg19[%swap3A], %add3A_129 {strides = array<i32>} : memref<128xi32, #tpu.memory_space<vmem>>, vector<16xi32>,
        %scan3A_133 = arith.constant 0 : i32
        scf.yield %scan3A_133 : i32
      }
      %scan3A_62 = arith.constant 8 : i32
      %dma_start3A_63 = arith.constant 0 : i32
      %dma_start3A_64 = arith.constant 0 : i32
      %dma_start3A_65 = tpu.memref_slice %arg3[%dma_start3A_63, %dma_start3A_64] : memref<262144x64xf32, #tpu.memory_space<hbm>> -> memref<262144x64xf32, #tpu.memory_space<hbm>>
      tpu.enqueue_indirect_dma source(%dma_start3A_65 : memref<262144x64xf32, #tpu.memory_space<hbm>>) target(%arg20 : memref<128x64xf32, #tpu.memory_space<vmem>>) offsets(%arg19 : memref<128xi32, #tpu.memory_space<vmem>>) semaphore(%arg23 : memref<!tpu.dma_semaphore, #tpu.memory_space<semaphore_mem>>)
      %dma_start3A_66 = arith.constant 0 : i32
      %dma_start3A_67 = arith.constant 0 : i32
      %dma_start3A_68 = tpu.memref_slice %arg2[%dma_start3A_66, %dma_start3A_67] : memref<262144x128xf32, #tpu.memory_space<hbm>> -> memref<262144x128xf32, #tpu.memory_space<hbm>>
      tpu.enqueue_indirect_dma source(%dma_start3A_68 : memref<262144x128xf32, #tpu.memory_space<hbm>>) target(%arg21 : memref<128x128xf32, #tpu.memory_space<vmem>>) offsets(%arg19 : memref<128xi32, #tpu.memory_space<vmem>>) semaphore(%arg24 : memref<!tpu.dma_semaphore, #tpu.memory_space<semaphore_mem>>)
      %dma_wait3A_69 = arith.constant 0 : i32
      %dma_wait3A_70 = arith.constant 0 : i32
      %dma_wait3A_71 = tpu.memref_slice %arg3[%dma_wait3A_69, %dma_wait3A_70] : memref<262144x64xf32, #tpu.memory_space<hbm>> -> memref<262144x64xf32, #tpu.memory_space<hbm>>
      tpu.wait_indirect_dma semaphore(%arg16 : memref<!tpu.dma_semaphore, #tpu.memory_space<semaphore_mem>>) src(%dma_wait3A_71 : memref<262144x64xf32, #tpu.memory_space<hbm>>) dst(%arg13 : memref<128x64xf32, #tpu.memory_space<vmem>>)
      %dma_wait3A_72 = arith.constant 0 : i32
      %dma_wait3A_73 = arith.constant 0 : i32
      %dma_wait3A_74 = tpu.memref_slice %arg2[%dma_wait3A_72, %dma_wait3A_73] : memref<262144x128xf32, #tpu.memory_space<hbm>> -> memref<262144x128xf32, #tpu.memory_space<hbm>>
      tpu.wait_indirect_dma semaphore(%arg17 : memref<!tpu.dma_semaphore, #tpu.memory_space<semaphore_mem>>) src(%dma_wait3A_74 : memref<262144x128xf32, #tpu.memory_space<hbm>>) dst(%arg14 : memref<128x128xf32, #tpu.memory_space<vmem>>)
      %gt3A = arith.constant 0 : i32
      %gt3A_75 = arith.cmpi sgt, %scan3A_50, %gt3A : i32
      %convert_element_type3A = arith.extui %gt3A_75 : i1 to i32
      %cond3A = arith.constant 0 : i32
      %cond3A_76 = arith.cmpi ne, %convert_element_type3A, %cond3A : i32
      scf.if %cond3A_76 {
        %sub3A_121 = arith.constant 2 : i32
        %sub3A_122 = arith.subi %mul3A_53, %sub3A_121 : i32
        %mul3A_123 = arith.constant 8 : i32
        %mul3A_124 = arith.muli %sub3A_122, %mul3A_123 : i32
        %add3A_125 = arith.addi %multiple_of3A, %mul3A_124 : i32
        %dma_wait3A_126 = arith.constant 0 : i32
        %dma_wait3A_127 = tpu.memref_slice %arg7[%add3A_125, %dma_wait3A_126] : memref<16384x896xf32, #tpu.memory_space<hbm>> -> memref<8x896xf32, #tpu.memory_space<hbm>>
        %dma_wait3A_128 = arith.constant 0 : i32
        %dma_wait3A_129 = tpu.memref_slice %arg7[%add3A_125, %dma_wait3A_128] : memref<16384x896xf32, #tpu.memory_space<hbm>> -> memref<8x896xf32, #tpu.memory_space<hbm>>
        tpu.wait_dma2 semaphore(%arg18 : memref<!tpu.dma_semaphore, #tpu.memory_space<semaphore_mem>>) src(%arg15 : memref<8x896xf32, #tpu.memory_space<vmem>>) dst(%dma_wait3A_129 : memref<8x896xf32, #tpu.memory_space<hbm>>)
      } else {
      }
      %scan3A_77 = arith.constant 0 : i32
      %scan3A_78 = arith.constant 0 : i32
      %scan3A_79 = arith.constant 8 : i32
      %scan3A_80 = arith.addi %scan3A_78, %scan3A_79 : i32
      %scan3A_81 = arith.constant 1 : i32
      %scan3A_82 = scf.for %scan3A_121 = %scan3A_78 to %scan3A_80 step %scan3A_81 iter_args(%scan3A_122 = %scan3A_77) -> (i32)  : i32 {
        %mul3A_123 = arith.constant 8 : i32
        %mul3A_124 = arith.muli %mul3A_53, %mul3A_123 : i32
        %add3A_125 = arith.addi %mul3A_124, %scan3A_121 : i32
        %broadcast_in_dim3A = vector.broadcast %add3A_125 : i32 to vector<16xi32>
        %get3A = arith.index_cast %add3A_125 : i32 to index
        %get3A_126 = arith.constant 0 : index
        %get3A_127 = tpu.vector_load %arg8[%get3A, %get3A_126] {strides = array<i32>} : memref<512x64xf32, #tpu.memory_space<vmem>>, vector<16xf32>,
        %get3A_128 = arith.index_cast %add3A_125 : i32 to index
        %get3A_129 = arith.constant 16 : index
        %get3A_130 = tpu.vector_load %arg8[%get3A_128, %get3A_129] {strides = array<i32>} : memref<512x64xf32, #tpu.memory_space<vmem>>, vector<16xf32>,
        %get3A_131 = arith.index_cast %add3A_125 : i32 to index
        %get3A_132 = arith.constant 32 : index
        %get3A_133 = tpu.vector_load %arg8[%get3A_131, %get3A_132] {strides = array<i32>} : memref<512x64xf32, #tpu.memory_space<vmem>>, vector<16xf32>,
        %get3A_134 = arith.index_cast %add3A_125 : i32 to index
        %get3A_135 = arith.constant 48 : index
        %get3A_136 = tpu.vector_load %arg8[%get3A_134, %get3A_135] {strides = array<i32>} : memref<512x64xf32, #tpu.memory_space<vmem>>, vector<16xf32>,
        %broadcast_in_dim3A_137 = arith.constant 0.000000e+00 : f32
        %broadcast_in_dim3A_138 = vector.broadcast %broadcast_in_dim3A_137 : f32 to vector<16xf32>
        %scan3A_139 = arith.constant 0 : i32
        %scan3A_140 = arith.constant 16 : i32
        %scan3A_141 = arith.addi %scan3A_139, %scan3A_140 : i32
        %scan3A_142 = arith.constant 1 : i32
        %scan3A_143 = scf.for %scan3A_542 = %scan3A_139 to %scan3A_141 step %scan3A_142 iter_args(%scan3A_543 = %broadcast_in_dim3A_138) -> (vector<16xf32>)  : i32 {
          %broadcast_in_dim3A_544 = arith.constant 0.000000e+00 : f32
          %broadcast_in_dim3A_545 = vector.broadcast %broadcast_in_dim3A_544 : f32 to vector<16xf32>
          %mul3A_546 = arith.constant 16 : i32
          %mul3A_547 = arith.muli %scan3A_121, %mul3A_546 : i32
          %add3A_548 = arith.addi %mul3A_547, %scan3A_542 : i32
          %get3A_549 = arith.index_cast %add3A_548 : i32 to index
          %get3A_550 = arith.constant 0 : index
          %get3A_551 = tpu.vector_load %arg13[%get3A_549, %get3A_550] {strides = array<i32>} : memref<128x64xf32, #tpu.memory_space<vmem>>, vector<16xf32>,
          %sub3A_552 = arith.subf %get3A_551, %get3A_127 : vector<16xf32>
          %mul3A_553 = arith.mulf %sub3A_552, %sub3A_552 : vector<16xf32>
          %add3A_554 = arith.addf %broadcast_in_dim3A_545, %mul3A_553 : vector<16xf32>
          %mul3A_555 = arith.constant 16 : i32
          %mul3A_556 = arith.muli %scan3A_121, %mul3A_555 : i32
          %add3A_557 = arith.addi %mul3A_556, %scan3A_542 : i32
          %get3A_558 = arith.index_cast %add3A_557 : i32 to index
          %get3A_559 = arith.constant 16 : index
          %get3A_560 = tpu.vector_load %arg13[%get3A_558, %get3A_559] {strides = array<i32>} : memref<128x64xf32, #tpu.memory_space<vmem>>, vector<16xf32>,
          %sub3A_561 = arith.subf %get3A_560, %get3A_130 : vector<16xf32>
          %mul3A_562 = arith.mulf %sub3A_561, %sub3A_561 : vector<16xf32>
          %add3A_563 = arith.addf %add3A_554, %mul3A_562 : vector<16xf32>
          %mul3A_564 = arith.constant 16 : i32
          %mul3A_565 = arith.muli %scan3A_121, %mul3A_564 : i32
          %add3A_566 = arith.addi %mul3A_565, %scan3A_542 : i32
          %get3A_567 = arith.index_cast %add3A_566 : i32 to index
          %get3A_568 = arith.constant 32 : index
          %get3A_569 = tpu.vector_load %arg13[%get3A_567, %get3A_568] {strides = array<i32>} : memref<128x64xf32, #tpu.memory_space<vmem>>, vector<16xf32>,
          %sub3A_570 = arith.subf %get3A_569, %get3A_133 : vector<16xf32>
          %mul3A_571 = arith.mulf %sub3A_570, %sub3A_570 : vector<16xf32>
          %add3A_572 = arith.addf %add3A_563, %mul3A_571 : vector<16xf32>
          %mul3A_573 = arith.constant 16 : i32
          %mul3A_574 = arith.muli %scan3A_121, %mul3A_573 : i32
          %add3A_575 = arith.addi %mul3A_574, %scan3A_542 : i32
          %get3A_576 = arith.index_cast %add3A_575 : i32 to index
          %get3A_577 = arith.constant 48 : index
          %get3A_578 = tpu.vector_load %arg13[%get3A_576, %get3A_577] {strides = array<i32>} : memref<128x64xf32, #tpu.memory_space<vmem>>, vector<16xf32>,
          %sub3A_579 = arith.subf %get3A_578, %get3A_136 : vector<16xf32>
          %mul3A_580 = arith.mulf %sub3A_579, %sub3A_579 : vector<16xf32>
          %add3A_581 = arith.addf %add3A_572, %mul3A_580 : vector<16xf32>
          %eq3A = vector.broadcast %scan3A_542 : i32 to vector<16xi32>
          %eq3A_582 = arith.cmpi eq, %iota3A, %eq3A : vector<16xi32>
          %reduce_sum3A_583 = arith.constant true
          %reduce_sum3A_584 = vector.broadcast %reduce_sum3A_583 : i1 to vector<16xi1>
          %reduce_sum3A_585 = tpu.scan <sum>, %add3A_581 masked %reduce_sum3A_584 : vector<16xf32>, vector<16xi1> -> vector<16xf32>
          %reduce_sum3A_586 = vector.extract %reduce_sum3A_585[15] : f32 from vector<16xf32>
          %broadcast_in_dim3A_587 = vector.broadcast %reduce_sum3A_586 : f32 to vector<16xf32>
          %select_n3A_588 = arith.select %eq3A_582, %broadcast_in_dim3A_587, %scan3A_543 : vector<16xi1>, vector<16xf32>
          scf.yield %select_n3A_588 : vector<16xf32>
        }
        %scan3A_144 = arith.constant 16 : i32
        %gather3A = tpu.vector_load_idx %arg9[%broadcast_in_dim3A] : memref<512xf32, #tpu.memory_space<vmem>>[vector<16xi32>], vector<16xf32>,
        %exp3A = math.exp %gather3A : vector<16xf32>
        %neg3A = arith.constant 0.000000e+00 : f32
        %neg3A_145 = vector.broadcast %neg3A : f32 to vector<16xf32>
        %neg3A_146 = arith.subf %neg3A_145, %scan3A_143 : vector<16xf32>
        %div3A_147 = arith.divf %neg3A_146, %exp3A : vector<16xf32>
        %reduce_max3A = arith.constant true
        %reduce_max3A_148 = vector.broadcast %reduce_max3A : i1 to vector<16xi1>
        %reduce_max3A_149 = tpu.scan <max>, %div3A_147 masked %reduce_max3A_148 : vector<16xf32>, vector<16xi1> -> vector<16xf32>
        %reduce_max3A_150 = vector.extract %reduce_max3A_149[15] : f32 from vector<16xf32>
        %sub3A_151 = vector.broadcast %reduce_max3A_150 : f32 to vector<16xf32>
        %sub3A_152 = arith.subf %div3A_147, %sub3A_151 : vector<16xf32>
        %exp3A_153 = math.exp %sub3A_152 : vector<16xf32>
        %reduce_sum3A = arith.constant true
        %reduce_sum3A_154 = vector.broadcast %reduce_sum3A : i1 to vector<16xi1>
        %reduce_sum3A_155 = tpu.scan <sum>, %exp3A_153 masked %reduce_sum3A_154 : vector<16xf32>, vector<16xi1> -> vector<16xf32>
        %reduce_sum3A_156 = vector.extract %reduce_sum3A_155[15] : f32 from vector<16xf32>
        %div3A_157 = vector.broadcast %reduce_sum3A_156 : f32 to vector<16xf32>
        %div3A_158 = arith.divf %exp3A_153, %div3A_157 : vector<16xf32>
        %swap3A = arith.constant 0 : index
        %swap3A_159 = tpu.vector_load %arg11[%swap3A] {strides = array<i32>} : memref<112xf32, #tpu.memory_space<vmem>>, vector<16xf32>,
        tpu.vector_store %arg11[%swap3A], %div3A_158 {strides = array<i32>} : memref<112xf32, #tpu.memory_space<vmem>>, vector<16xf32>,
        %sub3A_160 = arith.constant 1.000000e+00 : f32
        %sub3A_161 = vector.broadcast %sub3A_160 : f32 to vector<16xf32>
        %sub3A_162 = arith.subf %sub3A_161, %div3A_158 : vector<16xf32>
        %max3A = arith.constant 1.000000e-07 : f32
        %max3A_163 = vector.broadcast %max3A : f32 to vector<16xf32>
        %max3A_164 = arith.maximumf %sub3A_162, %max3A_163 : vector<16xf32>
        %mul3A_165 = arith.mulf %div3A_158, %max3A_164 : vector<16xf32>
        %reduce_sum3A_166 = arith.constant true
        %reduce_sum3A_167 = vector.broadcast %reduce_sum3A_166 : i1 to vector<16xi1>
        %reduce_sum3A_168 = tpu.scan <sum>, %mul3A_165 masked %reduce_sum3A_167 : vector<16xf32>, vector<16xi1> -> vector<16xf32>
        %reduce_sum3A_169 = vector.extract %reduce_sum3A_168[15] : f32 from vector<16xf32>
        %div3A_170 = vector.broadcast %reduce_sum3A_169 : f32 to vector<16xf32>
        %div3A_171 = arith.divf %mul3A_165, %div3A_170 : vector<16xf32>
        %swap3A_172 = arith.constant 16 : index
        %swap3A_173 = tpu.vector_load %arg11[%swap3A_172] {strides = array<i32>} : memref<112xf32, #tpu.memory_space<vmem>>, vector<16xf32>,
        tpu.vector_store %arg11[%swap3A_172], %div3A_171 {strides = array<i32>} : memref<112xf32, #tpu.memory_space<vmem>>, vector<16xf32>,
        %sub3A_174 = arith.constant 1.000000e+00 : f32
        %sub3A_175 = vector.broadcast %sub3A_174 : f32 to vector<16xf32>
        %sub3A_176 = arith.subf %sub3A_175, %div3A_171 : vector<16xf32>
        %max3A_177 = arith.constant 1.000000e-07 : f32
        %max3A_178 = vector.broadcast %max3A_177 : f32 to vector<16xf32>
        %max3A_179 = arith.maximumf %sub3A_176, %max3A_178 : vector<16xf32>
        %mul3A_180 = arith.mulf %div3A_171, %max3A_179 : vector<16xf32>
        %reduce_sum3A_181 = arith.constant true
        %reduce_sum3A_182 = vector.broadcast %reduce_sum3A_181 : i1 to vector<16xi1>
        %reduce_sum3A_183 = tpu.scan <sum>, %mul3A_180 masked %reduce_sum3A_182 : vector<16xf32>, vector<16xi1> -> vector<16xf32>
        %reduce_sum3A_184 = vector.extract %reduce_sum3A_183[15] : f32 from vector<16xf32>
        %div3A_185 = vector.broadcast %reduce_sum3A_184 : f32 to vector<16xf32>
        %div3A_186 = arith.divf %mul3A_180, %div3A_185 : vector<16xf32>
        %swap3A_187 = arith.constant 32 : index
        %swap3A_188 = tpu.vector_load %arg11[%swap3A_187] {strides = array<i32>} : memref<112xf32, #tpu.memory_space<vmem>>, vector<16xf32>,
        tpu.vector_store %arg11[%swap3A_187], %div3A_186 {strides = array<i32>} : memref<112xf32, #tpu.memory_space<vmem>>, vector<16xf32>,
        %sub3A_189 = arith.constant 1.000000e+00 : f32
        %sub3A_190 = vector.broadcast %sub3A_189 : f32 to vector<16xf32>
        %sub3A_191 = arith.subf %sub3A_190, %div3A_186 : vector<16xf32>
        %max3A_192 = arith.constant 1.000000e-07 : f32
        %max3A_193 = vector.broadcast %max3A_192 : f32 to vector<16xf32>
        %max3A_194 = arith.maximumf %sub3A_191, %max3A_193 : vector<16xf32>
        %mul3A_195 = arith.mulf %div3A_186, %max3A_194 : vector<16xf32>
        %reduce_sum3A_196 = arith.constant true
        %reduce_sum3A_197 = vector.broadcast %reduce_sum3A_196 : i1 to vector<16xi1>
        %reduce_sum3A_198 = tpu.scan <sum>, %mul3A_195 masked %reduce_sum3A_197 : vector<16xf32>, vector<16xi1> -> vector<16xf32>
        %reduce_sum3A_199 = vector.extract %reduce_sum3A_198[15] : f32 from vector<16xf32>
        %div3A_200 = vector.broadcast %reduce_sum3A_199 : f32 to vector<16xf32>
        %div3A_201 = arith.divf %mul3A_195, %div3A_200 : vector<16xf32>
        %swap3A_202 = arith.constant 48 : index
        %swap3A_203 = tpu.vector_load %arg11[%swap3A_202] {strides = array<i32>} : memref<112xf32, #tpu.memory_space<vmem>>, vector<16xf32>,
        tpu.vector_store %arg11[%swap3A_202], %div3A_201 {strides = array<i32>} : memref<112xf32, #tpu.memory_space<vmem>>, vector<16xf32>,
        %sub3A_204 = arith.constant 1.000000e+00 : f32
        %sub3A_205 = vector.broadcast %sub3A_204 : f32 to vector<16xf32>
        %sub3A_206 = arith.subf %sub3A_205, %div3A_201 : vector<16xf32>
        %max3A_207 = arith.constant 1.000000e-07 : f32
        %max3A_208 = vector.broadcast %max3A_207 : f32 to vector<16xf32>
        %max3A_209 = arith.maximumf %sub3A_206, %max3A_208 : vector<16xf32>
        %mul3A_210 = arith.mulf %div3A_201, %max3A_209 : vector<16xf32>
        %reduce_sum3A_211 = arith.constant true
        %reduce_sum3A_212 = vector.broadcast %reduce_sum3A_211 : i1 to vector<16xi1>
        %reduce_sum3A_213 = tpu.scan <sum>, %mul3A_210 masked %reduce_sum3A_212 : vector<16xf32>, vector<16xi1> -> vector<16xf32>
        %reduce_sum3A_214 = vector.extract %reduce_sum3A_213[15] : f32 from vector<16xf32>
        %div3A_215 = vector.broadcast %reduce_sum3A_214 : f32 to vector<16xf32>
        %div3A_216 = arith.divf %mul3A_210, %div3A_215 : vector<16xf32>
        %swap3A_217 = arith.constant 64 : index
        %swap3A_218 = tpu.vector_load %arg11[%swap3A_217] {strides = array<i32>} : memref<112xf32, #tpu.memory_space<vmem>>, vector<16xf32>,
        tpu.vector_store %arg11[%swap3A_217], %div3A_216 {strides = array<i32>} : memref<112xf32, #tpu.memory_space<vmem>>, vector<16xf32>,
        %sub3A_219 = arith.constant 1.000000e+00 : f32
        %sub3A_220 = vector.broadcast %sub3A_219 : f32 to vector<16xf32>
        %sub3A_221 = arith.subf %sub3A_220, %div3A_216 : vector<16xf32>
        %max3A_222 = arith.constant 1.000000e-07 : f32
        %max3A_223 = vector.broadcast %max3A_222 : f32 to vector<16xf32>
        %max3A_224 = arith.maximumf %sub3A_221, %max3A_223 : vector<16xf32>
        %mul3A_225 = arith.mulf %div3A_216, %max3A_224 : vector<16xf32>
        %reduce_sum3A_226 = arith.constant true
        %reduce_sum3A_227 = vector.broadcast %reduce_sum3A_226 : i1 to vector<16xi1>
        %reduce_sum3A_228 = tpu.scan <sum>, %mul3A_225 masked %reduce_sum3A_227 : vector<16xf32>, vector<16xi1> -> vector<16xf32>
        %reduce_sum3A_229 = vector.extract %reduce_sum3A_228[15] : f32 from vector<16xf32>
        %div3A_230 = vector.broadcast %reduce_sum3A_229 : f32 to vector<16xf32>
        %div3A_231 = arith.divf %mul3A_225, %div3A_230 : vector<16xf32>
        %swap3A_232 = arith.constant 80 : index
        %swap3A_233 = tpu.vector_load %arg11[%swap3A_232] {strides = array<i32>} : memref<112xf32, #tpu.memory_space<vmem>>, vector<16xf32>,
        tpu.vector_store %arg11[%swap3A_232], %div3A_231 {strides = array<i32>} : memref<112xf32, #tpu.memory_space<vmem>>, vector<16xf32>,
        %sub3A_234 = arith.constant 1.000000e+00 : f32
        %sub3A_235 = vector.broadcast %sub3A_234 : f32 to vector<16xf32>
        %sub3A_236 = arith.subf %sub3A_235, %div3A_231 : vector<16xf32>
        %max3A_237 = arith.constant 1.000000e-07 : f32
        %max3A_238 = vector.broadcast %max3A_237 : f32 to vector<16xf32>
        %max3A_239 = arith.maximumf %sub3A_236, %max3A_238 : vector<16xf32>
        %mul3A_240 = arith.mulf %div3A_231, %max3A_239 : vector<16xf32>
        %reduce_sum3A_241 = arith.constant true
        %reduce_sum3A_242 = vector.broadcast %reduce_sum3A_241 : i1 to vector<16xi1>
        %reduce_sum3A_243 = tpu.scan <sum>, %mul3A_240 masked %reduce_sum3A_242 : vector<16xf32>, vector<16xi1> -> vector<16xf32>
        %reduce_sum3A_244 = vector.extract %reduce_sum3A_243[15] : f32 from vector<16xf32>
        %div3A_245 = vector.broadcast %reduce_sum3A_244 : f32 to vector<16xf32>
        %div3A_246 = arith.divf %mul3A_240, %div3A_245 : vector<16xf32>
        %swap3A_247 = arith.constant 96 : index
        %swap3A_248 = tpu.vector_load %arg11[%swap3A_247] {strides = array<i32>} : memref<112xf32, #tpu.memory_space<vmem>>, vector<16xf32>,
        tpu.vector_store %arg11[%swap3A_247], %div3A_246 {strides = array<i32>} : memref<112xf32, #tpu.memory_space<vmem>>, vector<16xf32>,
        %broadcast_in_dim3A_249 = arith.constant 0.000000e+00 : f32
        %broadcast_in_dim3A_250 = vector.broadcast %broadcast_in_dim3A_249 : f32 to vector<16xf32>
        %broadcast_in_dim3A_251 = arith.constant 0.000000e+00 : f32
        %broadcast_in_dim3A_252 = vector.broadcast %broadcast_in_dim3A_251 : f32 to vector<16xf32>
        %broadcast_in_dim3A_253 = arith.constant 0.000000e+00 : f32
        %broadcast_in_dim3A_254 = vector.broadcast %broadcast_in_dim3A_253 : f32 to vector<16xf32>
        %broadcast_in_dim3A_255 = arith.constant 0.000000e+00 : f32
        %broadcast_in_dim3A_256 = vector.broadcast %broadcast_in_dim3A_255 : f32 to vector<16xf32>
        %broadcast_in_dim3A_257 = arith.constant 0.000000e+00 : f32
        %broadcast_in_dim3A_258 = vector.broadcast %broadcast_in_dim3A_257 : f32 to vector<16xf32>
        %broadcast_in_dim3A_259 = arith.constant 0.000000e+00 : f32
        %broadcast_in_dim3A_260 = vector.broadcast %broadcast_in_dim3A_259 : f32 to vector<16xf32>
        %broadcast_in_dim3A_261 = arith.constant 0.000000e+00 : f32
        %broadcast_in_dim3A_262 = vector.broadcast %broadcast_in_dim3A_261 : f32 to vector<16xf32>
        %broadcast_in_dim3A_263 = arith.constant 0.000000e+00 : f32
        %broadcast_in_dim3A_264 = vector.broadcast %broadcast_in_dim3A_263 : f32 to vector<16xf32>
        %broadcast_in_dim3A_265 = arith.constant 0.000000e+00 : f32
        %broadcast_in_dim3A_266 = vector.broadcast %broadcast_in_dim3A_265 : f32 to vector<16xf32>
        %broadcast_in_dim3A_267 = arith.constant 0.000000e+00 : f32
        %broadcast_in_dim3A_268 = vector.broadcast %broadcast_in_dim3A_267 : f32 to vector<16xf32>
        %broadcast_in_dim3A_269 = arith.constant 0.000000e+00 : f32
        %broadcast_in_dim3A_270 = vector.broadcast %broadcast_in_dim3A_269 : f32 to vector<16xf32>
        %broadcast_in_dim3A_271 = arith.constant 0.000000e+00 : f32
        %broadcast_in_dim3A_272 = vector.broadcast %broadcast_in_dim3A_271 : f32 to vector<16xf32>
        %broadcast_in_dim3A_273 = arith.constant 0.000000e+00 : f32
        %broadcast_in_dim3A_274 = vector.broadcast %broadcast_in_dim3A_273 : f32 to vector<16xf32>
        %broadcast_in_dim3A_275 = arith.constant 0.000000e+00 : f32
        %broadcast_in_dim3A_276 = vector.broadcast %broadcast_in_dim3A_275 : f32 to vector<16xf32>
        %broadcast_in_dim3A_277 = arith.constant 0.000000e+00 : f32
        %broadcast_in_dim3A_278 = vector.broadcast %broadcast_in_dim3A_277 : f32 to vector<16xf32>
        %broadcast_in_dim3A_279 = arith.constant 0.000000e+00 : f32
        %broadcast_in_dim3A_280 = vector.broadcast %broadcast_in_dim3A_279 : f32 to vector<16xf32>
        %broadcast_in_dim3A_281 = arith.constant 0.000000e+00 : f32
        %broadcast_in_dim3A_282 = vector.broadcast %broadcast_in_dim3A_281 : f32 to vector<16xf32>
        %broadcast_in_dim3A_283 = arith.constant 0.000000e+00 : f32
        %broadcast_in_dim3A_284 = vector.broadcast %broadcast_in_dim3A_283 : f32 to vector<16xf32>
        %broadcast_in_dim3A_285 = arith.constant 0.000000e+00 : f32
        %broadcast_in_dim3A_286 = vector.broadcast %broadcast_in_dim3A_285 : f32 to vector<16xf32>
        %broadcast_in_dim3A_287 = arith.constant 0.000000e+00 : f32
        %broadcast_in_dim3A_288 = vector.broadcast %broadcast_in_dim3A_287 : f32 to vector<16xf32>
        %broadcast_in_dim3A_289 = arith.constant 0.000000e+00 : f32
        %broadcast_in_dim3A_290 = vector.broadcast %broadcast_in_dim3A_289 : f32 to vector<16xf32>
        %broadcast_in_dim3A_291 = arith.constant 0.000000e+00 : f32
        %broadcast_in_dim3A_292 = vector.broadcast %broadcast_in_dim3A_291 : f32 to vector<16xf32>
        %broadcast_in_dim3A_293 = arith.constant 0.000000e+00 : f32
        %broadcast_in_dim3A_294 = vector.broadcast %broadcast_in_dim3A_293 : f32 to vector<16xf32>
        %broadcast_in_dim3A_295 = arith.constant 0.000000e+00 : f32
        %broadcast_in_dim3A_296 = vector.broadcast %broadcast_in_dim3A_295 : f32 to vector<16xf32>
        %broadcast_in_dim3A_297 = arith.constant 0.000000e+00 : f32
        %broadcast_in_dim3A_298 = vector.broadcast %broadcast_in_dim3A_297 : f32 to vector<16xf32>
        %broadcast_in_dim3A_299 = arith.constant 0.000000e+00 : f32
        %broadcast_in_dim3A_300 = vector.broadcast %broadcast_in_dim3A_299 : f32 to vector<16xf32>
        %broadcast_in_dim3A_301 = arith.constant 0.000000e+00 : f32
        %broadcast_in_dim3A_302 = vector.broadcast %broadcast_in_dim3A_301 : f32 to vector<16xf32>
        %broadcast_in_dim3A_303 = arith.constant 0.000000e+00 : f32
        %broadcast_in_dim3A_304 = vector.broadcast %broadcast_in_dim3A_303 : f32 to vector<16xf32>
        %broadcast_in_dim3A_305 = arith.constant 0.000000e+00 : f32
        %broadcast_in_dim3A_306 = vector.broadcast %broadcast_in_dim3A_305 : f32 to vector<16xf32>
        %broadcast_in_dim3A_307 = arith.constant 0.000000e+00 : f32
        %broadcast_in_dim3A_308 = vector.broadcast %broadcast_in_dim3A_307 : f32 to vector<16xf32>
        %broadcast_in_dim3A_309 = arith.constant 0.000000e+00 : f32
        %broadcast_in_dim3A_310 = vector.broadcast %broadcast_in_dim3A_309 : f32 to vector<16xf32>
        %broadcast_in_dim3A_311 = arith.constant 0.000000e+00 : f32
        %broadcast_in_dim3A_312 = vector.broadcast %broadcast_in_dim3A_311 : f32 to vector<16xf32>
        %scan3A_313 = arith.constant 0 : i32
        %scan3A_314 = arith.constant 16 : i32
        %scan3A_315 = arith.addi %scan3A_313, %scan3A_314 : i32
        %scan3A_316 = arith.constant 1 : i32
        %scan3A_317:32 = scf.for %scan3A_542 = %scan3A_313 to %scan3A_315 step %scan3A_316 iter_args(%scan3A_543 = %broadcast_in_dim3A_250, %scan3A_544 = %broadcast_in_dim3A_252, %scan3A_545 = %broadcast_in_dim3A_254, %scan3A_546 = %broadcast_in_dim3A_256, %scan3A_547 = %broadcast_in_dim3A_258, %scan3A_548 = %broadcast_in_dim3A_260, %scan3A_549 = %broadcast_in_dim3A_262, %scan3A_550 = %broadcast_in_dim3A_264, %scan3A_551 = %broadcast_in_dim3A_266, %scan3A_552 = %broadcast_in_dim3A_268, %scan3A_553 = %broadcast_in_dim3A_270, %scan3A_554 = %broadcast_in_dim3A_272, %scan3A_555 = %broadcast_in_dim3A_274, %scan3A_556 = %broadcast_in_dim3A_276, %scan3A_557 = %broadcast_in_dim3A_278, %scan3A_558 = %broadcast_in_dim3A_280, %scan3A_559 = %broadcast_in_dim3A_282, %scan3A_560 = %broadcast_in_dim3A_284, %scan3A_561 = %broadcast_in_dim3A_286, %scan3A_562 = %broadcast_in_dim3A_288, %scan3A_563 = %broadcast_in_dim3A_290, %scan3A_564 = %broadcast_in_dim3A_292, %scan3A_565 = %broadcast_in_dim3A_294, %scan3A_566 = %broadcast_in_dim3A_296, %scan3A_567 = %broadcast_in_dim3A_298, %scan3A_568 = %broadcast_in_dim3A_300, %scan3A_569 = %broadcast_in_dim3A_302, %scan3A_570 = %broadcast_in_dim3A_304, %scan3A_571 = %broadcast_in_dim3A_306, %scan3A_572 = %broadcast_in_dim3A_308, %scan3A_573 = %broadcast_in_dim3A_310, %scan3A_574 = %broadcast_in_dim3A_312) -> (vector<16xf32>, vector<16xf32>, vector<16xf32>, vector<16xf32>, vector<16xf32>, vector<16xf32>, vector<16xf32>, vector<16xf32>, vector<16xf32>, vector<16xf32>, vector<16xf32>, vector<16xf32>, vector<16xf32>, vector<16xf32>, vector<16xf32>, vector<16xf32>, vector<16xf32>, vector<16xf32>, vector<16xf32>, vector<16xf32>, vector<16xf32>, vector<16xf32>, vector<16xf32>, vector<16xf32>, vector<16xf32>, vector<16xf32>, vector<16xf32>, vector<16xf32>, vector<16xf32>, vector<16xf32>, vector<16xf32>, vector<16xf32>)  : i32 {
          %mul3A_575 = arith.constant 16 : i32
          %mul3A_576 = arith.muli %scan3A_121, %mul3A_575 : i32
          %add3A_577 = arith.addi %mul3A_576, %scan3A_542 : i32
          %get3A_578 = arith.index_cast %add3A_577 : i32 to index
          %get3A_579 = arith.constant 0 : index
          %get3A_580 = tpu.vector_load %arg14[%get3A_578, %get3A_579] {strides = array<i32>} : memref<128x128xf32, #tpu.memory_space<vmem>>, vector<16xf32>,
          %mul3A_581 = arith.constant 16 : i32
          %mul3A_582 = arith.muli %scan3A_121, %mul3A_581 : i32
          %add3A_583 = arith.addi %mul3A_582, %scan3A_542 : i32
          %get3A_584 = arith.index_cast %add3A_583 : i32 to index
          %get3A_585 = arith.constant 16 : index
          %get3A_586 = tpu.vector_load %arg14[%get3A_584, %get3A_585] {strides = array<i32>} : memref<128x128xf32, #tpu.memory_space<vmem>>, vector<16xf32>,
          %mul3A_587 = arith.constant 16 : i32
          %mul3A_588 = arith.muli %scan3A_121, %mul3A_587 : i32
          %add3A_589 = arith.addi %mul3A_588, %scan3A_542 : i32
          %get3A_590 = arith.index_cast %add3A_589 : i32 to index
          %get3A_591 = arith.constant 32 : index
          %get3A_592 = tpu.vector_load %arg14[%get3A_590, %get3A_591] {strides = array<i32>} : memref<128x128xf32, #tpu.memory_space<vmem>>, vector<16xf32>,
          %mul3A_593 = arith.constant 16 : i32
          %mul3A_594 = arith.muli %scan3A_121, %mul3A_593 : i32
          %add3A_595 = arith.addi %mul3A_594, %scan3A_542 : i32
          %get3A_596 = arith.index_cast %add3A_595 : i32 to index
          %get3A_597 = arith.constant 48 : index
          %get3A_598 = tpu.vector_load %arg14[%get3A_596, %get3A_597] {strides = array<i32>} : memref<128x128xf32, #tpu.memory_space<vmem>>, vector<16xf32>,
          %mul3A_599 = arith.constant 16 : i32
          %mul3A_600 = arith.muli %scan3A_121, %mul3A_599 : i32
          %add3A_601 = arith.addi %mul3A_600, %scan3A_542 : i32
          %get3A_602 = arith.index_cast %add3A_601 : i32 to index
          %get3A_603 = arith.constant 64 : index
          %get3A_604 = tpu.vector_load %arg14[%get3A_602, %get3A_603] {strides = array<i32>} : memref<128x128xf32, #tpu.memory_space<vmem>>, vector<16xf32>,
          %mul3A_605 = arith.constant 16 : i32
          %mul3A_606 = arith.muli %scan3A_121, %mul3A_605 : i32
          %add3A_607 = arith.addi %mul3A_606, %scan3A_542 : i32
          %get3A_608 = arith.index_cast %add3A_607 : i32 to index
          %get3A_609 = arith.constant 80 : index
          %get3A_610 = tpu.vector_load %arg14[%get3A_608, %get3A_609] {strides = array<i32>} : memref<128x128xf32, #tpu.memory_space<vmem>>, vector<16xf32>,
          %mul3A_611 = arith.constant 16 : i32
          %mul3A_612 = arith.muli %scan3A_121, %mul3A_611 : i32
          %add3A_613 = arith.addi %mul3A_612, %scan3A_542 : i32
          %get3A_614 = arith.index_cast %add3A_613 : i32 to index
          %get3A_615 = arith.constant 96 : index
          %get3A_616 = tpu.vector_load %arg14[%get3A_614, %get3A_615] {strides = array<i32>} : memref<128x128xf32, #tpu.memory_space<vmem>>, vector<16xf32>,
          %mul3A_617 = arith.constant 16 : i32
          %mul3A_618 = arith.muli %scan3A_121, %mul3A_617 : i32
          %add3A_619 = arith.addi %mul3A_618, %scan3A_542 : i32
          %get3A_620 = arith.index_cast %add3A_619 : i32 to index
          %get3A_621 = arith.constant 112 : index
          %get3A_622 = tpu.vector_load %arg14[%get3A_620, %get3A_621] {strides = array<i32>} : memref<128x128xf32, #tpu.memory_space<vmem>>, vector<16xf32>,
          %add3A_623 = arith.constant 0 : i32
          %add3A_624 = arith.addi %add3A_623, %scan3A_542 : i32
          %broadcast_in_dim3A_625 = vector.broadcast %add3A_624 : i32 to vector<16xi32>
          %gather3A_626 = tpu.vector_load_idx %arg11[%broadcast_in_dim3A_625] : memref<112xf32, #tpu.memory_space<vmem>>[vector<16xi32>], vector<16xf32>,
          %mul3A_627 = arith.mulf %gather3A_626, %get3A_580 : vector<16xf32>
          %add3A_628 = arith.addf %scan3A_543, %mul3A_627 : vector<16xf32>
          %mul3A_629 = arith.mulf %gather3A_626, %get3A_586 : vector<16xf32>
          %add3A_630 = arith.addf %scan3A_544, %mul3A_629 : vector<16xf32>
          %mul3A_631 = arith.mulf %gather3A_626, %get3A_592 : vector<16xf32>
          %add3A_632 = arith.addf %scan3A_545, %mul3A_631 : vector<16xf32>
          %mul3A_633 = arith.mulf %gather3A_626, %get3A_598 : vector<16xf32>
          %add3A_634 = arith.addf %scan3A_546, %mul3A_633 : vector<16xf32>
          %mul3A_635 = arith.mulf %gather3A_626, %get3A_604 : vector<16xf32>
          %add3A_636 = arith.addf %scan3A_547, %mul3A_635 : vector<16xf32>
          %mul3A_637 = arith.mulf %gather3A_626, %get3A_610 : vector<16xf32>
          %add3A_638 = arith.addf %scan3A_548, %mul3A_637 : vector<16xf32>
          %mul3A_639 = arith.mulf %gather3A_626, %get3A_616 : vector<16xf32>
          %add3A_640 = arith.addf %scan3A_549, %mul3A_639 : vector<16xf32>
          %mul3A_641 = arith.mulf %gather3A_626, %get3A_622 : vector<16xf32>
          %add3A_642 = arith.addf %scan3A_550, %mul3A_641 : vector<16xf32>
          %add3A_643 = arith.constant 16 : i32
          %add3A_644 = arith.addi %add3A_643, %scan3A_542 : i32
          %broadcast_in_dim3A_645 = vector.broadcast %add3A_644 : i32 to vector<16xi32>
          %gather3A_646 = tpu.vector_load_idx %arg11[%broadcast_in_dim3A_645] : memref<112xf32, #tpu.memory_space<vmem>>[vector<16xi32>], vector<16xf32>,
          %mul3A_647 = arith.mulf %gather3A_646, %get3A_580 : vector<16xf32>
          %add3A_648 = arith.addf %scan3A_551, %mul3A_647 : vector<16xf32>
          %mul3A_649 = arith.mulf %gather3A_646, %get3A_586 : vector<16xf32>
          %add3A_650 = arith.addf %scan3A_552, %mul3A_649 : vector<16xf32>
          %mul3A_651 = arith.mulf %gather3A_646, %get3A_592 : vector<16xf32>
          %add3A_652 = arith.addf %scan3A_553, %mul3A_651 : vector<16xf32>
          %mul3A_653 = arith.mulf %gather3A_646, %get3A_598 : vector<16xf32>
          %add3A_654 = arith.addf %scan3A_554, %mul3A_653 : vector<16xf32>
          %mul3A_655 = arith.mulf %gather3A_646, %get3A_604 : vector<16xf32>
          %add3A_656 = arith.addf %scan3A_555, %mul3A_655 : vector<16xf32>
          %mul3A_657 = arith.mulf %gather3A_646, %get3A_610 : vector<16xf32>
          %add3A_658 = arith.addf %scan3A_556, %mul3A_657 : vector<16xf32>
          %mul3A_659 = arith.mulf %gather3A_646, %get3A_616 : vector<16xf32>
          %add3A_660 = arith.addf %scan3A_557, %mul3A_659 : vector<16xf32>
          %mul3A_661 = arith.mulf %gather3A_646, %get3A_622 : vector<16xf32>
          %add3A_662 = arith.addf %scan3A_558, %mul3A_661 : vector<16xf32>
          %add3A_663 = arith.constant 32 : i32
          %add3A_664 = arith.addi %add3A_663, %scan3A_542 : i32
          %broadcast_in_dim3A_665 = vector.broadcast %add3A_664 : i32 to vector<16xi32>
          %gather3A_666 = tpu.vector_load_idx %arg11[%broadcast_in_dim3A_665] : memref<112xf32, #tpu.memory_space<vmem>>[vector<16xi32>], vector<16xf32>,
          %mul3A_667 = arith.mulf %gather3A_666, %get3A_580 : vector<16xf32>
          %add3A_668 = arith.addf %scan3A_559, %mul3A_667 : vector<16xf32>
          %mul3A_669 = arith.mulf %gather3A_666, %get3A_586 : vector<16xf32>
          %add3A_670 = arith.addf %scan3A_560, %mul3A_669 : vector<16xf32>
          %mul3A_671 = arith.mulf %gather3A_666, %get3A_592 : vector<16xf32>
          %add3A_672 = arith.addf %scan3A_561, %mul3A_671 : vector<16xf32>
          %mul3A_673 = arith.mulf %gather3A_666, %get3A_598 : vector<16xf32>
          %add3A_674 = arith.addf %scan3A_562, %mul3A_673 : vector<16xf32>
          %mul3A_675 = arith.mulf %gather3A_666, %get3A_604 : vector<16xf32>
          %add3A_676 = arith.addf %scan3A_563, %mul3A_675 : vector<16xf32>
          %mul3A_677 = arith.mulf %gather3A_666, %get3A_610 : vector<16xf32>
          %add3A_678 = arith.addf %scan3A_564, %mul3A_677 : vector<16xf32>
          %mul3A_679 = arith.mulf %gather3A_666, %get3A_616 : vector<16xf32>
          %add3A_680 = arith.addf %scan3A_565, %mul3A_679 : vector<16xf32>
          %mul3A_681 = arith.mulf %gather3A_666, %get3A_622 : vector<16xf32>
          %add3A_682 = arith.addf %scan3A_566, %mul3A_681 : vector<16xf32>
          %add3A_683 = arith.constant 48 : i32
          %add3A_684 = arith.addi %add3A_683, %scan3A_542 : i32
          %broadcast_in_dim3A_685 = vector.broadcast %add3A_684 : i32 to vector<16xi32>
          %gather3A_686 = tpu.vector_load_idx %arg11[%broadcast_in_dim3A_685] : memref<112xf32, #tpu.memory_space<vmem>>[vector<16xi32>], vector<16xf32>,
          %mul3A_687 = arith.mulf %gather3A_686, %get3A_580 : vector<16xf32>
          %add3A_688 = arith.addf %scan3A_567, %mul3A_687 : vector<16xf32>
          %mul3A_689 = arith.mulf %gather3A_686, %get3A_586 : vector<16xf32>
          %add3A_690 = arith.addf %scan3A_568, %mul3A_689 : vector<16xf32>
          %mul3A_691 = arith.mulf %gather3A_686, %get3A_592 : vector<16xf32>
          %add3A_692 = arith.addf %scan3A_569, %mul3A_691 : vector<16xf32>
          %mul3A_693 = arith.mulf %gather3A_686, %get3A_598 : vector<16xf32>
          %add3A_694 = arith.addf %scan3A_570, %mul3A_693 : vector<16xf32>
          %mul3A_695 = arith.mulf %gather3A_686, %get3A_604 : vector<16xf32>
          %add3A_696 = arith.addf %scan3A_571, %mul3A_695 : vector<16xf32>
          %mul3A_697 = arith.mulf %gather3A_686, %get3A_610 : vector<16xf32>
          %add3A_698 = arith.addf %scan3A_572, %mul3A_697 : vector<16xf32>
          %mul3A_699 = arith.mulf %gather3A_686, %get3A_616 : vector<16xf32>
          %add3A_700 = arith.addf %scan3A_573, %mul3A_699 : vector<16xf32>
          %mul3A_701 = arith.mulf %gather3A_686, %get3A_622 : vector<16xf32>
          %add3A_702 = arith.addf %scan3A_574, %mul3A_701 : vector<16xf32>
          scf.yield %add3A_628, %add3A_630, %add3A_632, %add3A_634, %add3A_636, %add3A_638, %add3A_640, %add3A_642, %add3A_648, %add3A_650, %add3A_652, %add3A_654, %add3A_656, %add3A_658, %add3A_660, %add3A_662, %add3A_668, %add3A_670, %add3A_672, %add3A_674, %add3A_676, %add3A_678, %add3A_680, %add3A_682, %add3A_688, %add3A_690, %add3A_692, %add3A_694, %add3A_696, %add3A_698, %add3A_700, %add3A_702 : vector<16xf32>, vector<16xf32>, vector<16xf32>, vector<16xf32>, vector<16xf32>, vector<16xf32>, vector<16xf32>, vector<16xf32>, vector<16xf32>, vector<16xf32>, vector<16xf32>, vector<16xf32>, vector<16xf32>, vector<16xf32>, vector<16xf32>, vector<16xf32>, vector<16xf32>, vector<16xf32>, vector<16xf32>, vector<16xf32>, vector<16xf32>, vector<16xf32>, vector<16xf32>, vector<16xf32>, vector<16xf32>, vector<16xf32>, vector<16xf32>, vector<16xf32>, vector<16xf32>, vector<16xf32>, vector<16xf32>, vector<16xf32>
        }
        %scan3A_318 = arith.constant 16 : i32
        %swap3A_319 = arith.index_cast %scan3A_121 : i32 to index
        %swap3A_320 = arith.constant 0 : index
        %swap3A_321 = tpu.vector_load %arg15[%swap3A_319, %swap3A_320] {strides = array<i32>} : memref<8x896xf32, #tpu.memory_space<vmem>>, vector<16xf32>,
        tpu.vector_store %arg15[%swap3A_319, %swap3A_320], %scan3A_317#0 {strides = array<i32>} : memref<8x896xf32, #tpu.memory_space<vmem>>, vector<16xf32>,
        %swap3A_322 = arith.index_cast %scan3A_121 : i32 to index
        %swap3A_323 = arith.constant 16 : index
        %swap3A_324 = tpu.vector_load %arg15[%swap3A_322, %swap3A_323] {strides = array<i32>} : memref<8x896xf32, #tpu.memory_space<vmem>>, vector<16xf32>,
        tpu.vector_store %arg15[%swap3A_322, %swap3A_323], %scan3A_317#1 {strides = array<i32>} : memref<8x896xf32, #tpu.memory_space<vmem>>, vector<16xf32>,
        %swap3A_325 = arith.index_cast %scan3A_121 : i32 to index
        %swap3A_326 = arith.constant 32 : index
        %swap3A_327 = tpu.vector_load %arg15[%swap3A_325, %swap3A_326] {strides = array<i32>} : memref<8x896xf32, #tpu.memory_space<vmem>>, vector<16xf32>,
        tpu.vector_store %arg15[%swap3A_325, %swap3A_326], %scan3A_317#2 {strides = array<i32>} : memref<8x896xf32, #tpu.memory_space<vmem>>, vector<16xf32>,
        %swap3A_328 = arith.index_cast %scan3A_121 : i32 to index
        %swap3A_329 = arith.constant 48 : index
        %swap3A_330 = tpu.vector_load %arg15[%swap3A_328, %swap3A_329] {strides = array<i32>} : memref<8x896xf32, #tpu.memory_space<vmem>>, vector<16xf32>,
        tpu.vector_store %arg15[%swap3A_328, %swap3A_329], %scan3A_317#3 {strides = array<i32>} : memref<8x896xf32, #tpu.memory_space<vmem>>, vector<16xf32>,
        %swap3A_331 = arith.index_cast %scan3A_121 : i32 to index
        %swap3A_332 = arith.constant 64 : index
        %swap3A_333 = tpu.vector_load %arg15[%swap3A_331, %swap3A_332] {strides = array<i32>} : memref<8x896xf32, #tpu.memory_space<vmem>>, vector<16xf32>,
        tpu.vector_store %arg15[%swap3A_331, %swap3A_332], %scan3A_317#4 {strides = array<i32>} : memref<8x896xf32, #tpu.memory_space<vmem>>, vector<16xf32>,
        %swap3A_334 = arith.index_cast %scan3A_121 : i32 to index
        %swap3A_335 = arith.constant 80 : index
        %swap3A_336 = tpu.vector_load %arg15[%swap3A_334, %swap3A_335] {strides = array<i32>} : memref<8x896xf32, #tpu.memory_space<vmem>>, vector<16xf32>,
        tpu.vector_store %arg15[%swap3A_334, %swap3A_335], %scan3A_317#5 {strides = array<i32>} : memref<8x896xf32, #tpu.memory_space<vmem>>, vector<16xf32>,
        %swap3A_337 = arith.index_cast %scan3A_121 : i32 to index
        %swap3A_338 = arith.constant 96 : index
        %swap3A_339 = tpu.vector_load %arg15[%swap3A_337, %swap3A_338] {strides = array<i32>} : memref<8x896xf32, #tpu.memory_space<vmem>>, vector<16xf32>,
        tpu.vector_store %arg15[%swap3A_337, %swap3A_338], %scan3A_317#6 {strides = array<i32>} : memref<8x896xf32, #tpu.memory_space<vmem>>, vector<16xf32>,
        %swap3A_340 = arith.index_cast %scan3A_121 : i32 to index
        %swap3A_341 = arith.constant 112 : index
        %swap3A_342 = tpu.vector_load %arg15[%swap3A_340, %swap3A_341] {strides = array<i32>} : memref<8x896xf32, #tpu.memory_space<vmem>>, vector<16xf32>,
        tpu.vector_store %arg15[%swap3A_340, %swap3A_341], %scan3A_317#7 {strides = array<i32>} : memref<8x896xf32, #tpu.memory_space<vmem>>, vector<16xf32>,
        %swap3A_343 = arith.index_cast %scan3A_121 : i32 to index
        %swap3A_344 = arith.constant 128 : index
        %swap3A_345 = tpu.vector_load %arg15[%swap3A_343, %swap3A_344] {strides = array<i32>} : memref<8x896xf32, #tpu.memory_space<vmem>>, vector<16xf32>,
        tpu.vector_store %arg15[%swap3A_343, %swap3A_344], %scan3A_317#8 {strides = array<i32>} : memref<8x896xf32, #tpu.memory_space<vmem>>, vector<16xf32>,
        %swap3A_346 = arith.index_cast %scan3A_121 : i32 to index
        %swap3A_347 = arith.constant 144 : index
        %swap3A_348 = tpu.vector_load %arg15[%swap3A_346, %swap3A_347] {strides = array<i32>} : memref<8x896xf32, #tpu.memory_space<vmem>>, vector<16xf32>,
        tpu.vector_store %arg15[%swap3A_346, %swap3A_347], %scan3A_317#9 {strides = array<i32>} : memref<8x896xf32, #tpu.memory_space<vmem>>, vector<16xf32>,
        %swap3A_349 = arith.index_cast %scan3A_121 : i32 to index
        %swap3A_350 = arith.constant 160 : index
        %swap3A_351 = tpu.vector_load %arg15[%swap3A_349, %swap3A_350] {strides = array<i32>} : memref<8x896xf32, #tpu.memory_space<vmem>>, vector<16xf32>,
        tpu.vector_store %arg15[%swap3A_349, %swap3A_350], %scan3A_317#10 {strides = array<i32>} : memref<8x896xf32, #tpu.memory_space<vmem>>, vector<16xf32>,
        %swap3A_352 = arith.index_cast %scan3A_121 : i32 to index
        %swap3A_353 = arith.constant 176 : index
        %swap3A_354 = tpu.vector_load %arg15[%swap3A_352, %swap3A_353] {strides = array<i32>} : memref<8x896xf32, #tpu.memory_space<vmem>>, vector<16xf32>,
        tpu.vector_store %arg15[%swap3A_352, %swap3A_353], %scan3A_317#11 {strides = array<i32>} : memref<8x896xf32, #tpu.memory_space<vmem>>, vector<16xf32>,
        %swap3A_355 = arith.index_cast %scan3A_121 : i32 to index
        %swap3A_356 = arith.constant 192 : index
        %swap3A_357 = tpu.vector_load %arg15[%swap3A_355, %swap3A_356] {strides = array<i32>} : memref<8x896xf32, #tpu.memory_space<vmem>>, vector<16xf32>,
        tpu.vector_store %arg15[%swap3A_355, %swap3A_356], %scan3A_317#12 {strides = array<i32>} : memref<8x896xf32, #tpu.memory_space<vmem>>, vector<16xf32>,
        %swap3A_358 = arith.index_cast %scan3A_121 : i32 to index
        %swap3A_359 = arith.constant 208 : index
        %swap3A_360 = tpu.vector_load %arg15[%swap3A_358, %swap3A_359] {strides = array<i32>} : memref<8x896xf32, #tpu.memory_space<vmem>>, vector<16xf32>,
        tpu.vector_store %arg15[%swap3A_358, %swap3A_359], %scan3A_317#13 {strides = array<i32>} : memref<8x896xf32, #tpu.memory_space<vmem>>, vector<16xf32>,
        %swap3A_361 = arith.index_cast %scan3A_121 : i32 to index
        %swap3A_362 = arith.constant 224 : index
        %swap3A_363 = tpu.vector_load %arg15[%swap3A_361, %swap3A_362] {strides = array<i32>} : memref<8x896xf32, #tpu.memory_space<vmem>>, vector<16xf32>,
        tpu.vector_store %arg15[%swap3A_361, %swap3A_362], %scan3A_317#14 {strides = array<i32>} : memref<8x896xf32, #tpu.memory_space<vmem>>, vector<16xf32>,
        %swap3A_364 = arith.index_cast %scan3A_121 : i32 to index
        %swap3A_365 = arith.constant 240 : index
        %swap3A_366 = tpu.vector_load %arg15[%swap3A_364, %swap3A_365] {strides = array<i32>} : memref<8x896xf32, #tpu.memory_space<vmem>>, vector<16xf32>,
        tpu.vector_store %arg15[%swap3A_364, %swap3A_365], %scan3A_317#15 {strides = array<i32>} : memref<8x896xf32, #tpu.memory_space<vmem>>, vector<16xf32>,
        %swap3A_367 = arith.index_cast %scan3A_121 : i32 to index
        %swap3A_368 = arith.constant 256 : index
        %swap3A_369 = tpu.vector_load %arg15[%swap3A_367, %swap3A_368] {strides = array<i32>} : memref<8x896xf32, #tpu.memory_space<vmem>>, vector<16xf32>,
        tpu.vector_store %arg15[%swap3A_367, %swap3A_368], %scan3A_317#16 {strides = array<i32>} : memref<8x896xf32, #tpu.memory_space<vmem>>, vector<16xf32>,
        %swap3A_370 = arith.index_cast %scan3A_121 : i32 to index
        %swap3A_371 = arith.constant 272 : index
        %swap3A_372 = tpu.vector_load %arg15[%swap3A_370, %swap3A_371] {strides = array<i32>} : memref<8x896xf32, #tpu.memory_space<vmem>>, vector<16xf32>,
        tpu.vector_store %arg15[%swap3A_370, %swap3A_371], %scan3A_317#17 {strides = array<i32>} : memref<8x896xf32, #tpu.memory_space<vmem>>, vector<16xf32>,
        %swap3A_373 = arith.index_cast %scan3A_121 : i32 to index
        %swap3A_374 = arith.constant 288 : index
        %swap3A_375 = tpu.vector_load %arg15[%swap3A_373, %swap3A_374] {strides = array<i32>} : memref<8x896xf32, #tpu.memory_space<vmem>>, vector<16xf32>,
        tpu.vector_store %arg15[%swap3A_373, %swap3A_374], %scan3A_317#18 {strides = array<i32>} : memref<8x896xf32, #tpu.memory_space<vmem>>, vector<16xf32>,
        %swap3A_376 = arith.index_cast %scan3A_121 : i32 to index
        %swap3A_377 = arith.constant 304 : index
        %swap3A_378 = tpu.vector_load %arg15[%swap3A_376, %swap3A_377] {strides = array<i32>} : memref<8x896xf32, #tpu.memory_space<vmem>>, vector<16xf32>,
        tpu.vector_store %arg15[%swap3A_376, %swap3A_377], %scan3A_317#19 {strides = array<i32>} : memref<8x896xf32, #tpu.memory_space<vmem>>, vector<16xf32>,
        %swap3A_379 = arith.index_cast %scan3A_121 : i32 to index
        %swap3A_380 = arith.constant 320 : index
        %swap3A_381 = tpu.vector_load %arg15[%swap3A_379, %swap3A_380] {strides = array<i32>} : memref<8x896xf32, #tpu.memory_space<vmem>>, vector<16xf32>,
        tpu.vector_store %arg15[%swap3A_379, %swap3A_380], %scan3A_317#20 {strides = array<i32>} : memref<8x896xf32, #tpu.memory_space<vmem>>, vector<16xf32>,
        %swap3A_382 = arith.index_cast %scan3A_121 : i32 to index
        %swap3A_383 = arith.constant 336 : index
        %swap3A_384 = tpu.vector_load %arg15[%swap3A_382, %swap3A_383] {strides = array<i32>} : memref<8x896xf32, #tpu.memory_space<vmem>>, vector<16xf32>,
        tpu.vector_store %arg15[%swap3A_382, %swap3A_383], %scan3A_317#21 {strides = array<i32>} : memref<8x896xf32, #tpu.memory_space<vmem>>, vector<16xf32>,
        %swap3A_385 = arith.index_cast %scan3A_121 : i32 to index
        %swap3A_386 = arith.constant 352 : index
        %swap3A_387 = tpu.vector_load %arg15[%swap3A_385, %swap3A_386] {strides = array<i32>} : memref<8x896xf32, #tpu.memory_space<vmem>>, vector<16xf32>,
        tpu.vector_store %arg15[%swap3A_385, %swap3A_386], %scan3A_317#22 {strides = array<i32>} : memref<8x896xf32, #tpu.memory_space<vmem>>, vector<16xf32>,
        %swap3A_388 = arith.index_cast %scan3A_121 : i32 to index
        %swap3A_389 = arith.constant 368 : index
        %swap3A_390 = tpu.vector_load %arg15[%swap3A_388, %swap3A_389] {strides = array<i32>} : memref<8x896xf32, #tpu.memory_space<vmem>>, vector<16xf32>,
        tpu.vector_store %arg15[%swap3A_388, %swap3A_389], %scan3A_317#23 {strides = array<i32>} : memref<8x896xf32, #tpu.memory_space<vmem>>, vector<16xf32>,
        %swap3A_391 = arith.index_cast %scan3A_121 : i32 to index
        %swap3A_392 = arith.constant 384 : index
        %swap3A_393 = tpu.vector_load %arg15[%swap3A_391, %swap3A_392] {strides = array<i32>} : memref<8x896xf32, #tpu.memory_space<vmem>>, vector<16xf32>,
        tpu.vector_store %arg15[%swap3A_391, %swap3A_392], %scan3A_317#24 {strides = array<i32>} : memref<8x896xf32, #tpu.memory_space<vmem>>, vector<16xf32>,
        %swap3A_394 = arith.index_cast %scan3A_121 : i32 to index
        %swap3A_395 = arith.constant 400 : index
        %swap3A_396 = tpu.vector_load %arg15[%swap3A_394, %swap3A_395] {strides = array<i32>} : memref<8x896xf32, #tpu.memory_space<vmem>>, vector<16xf32>,
        tpu.vector_store %arg15[%swap3A_394, %swap3A_395], %scan3A_317#25 {strides = array<i32>} : memref<8x896xf32, #tpu.memory_space<vmem>>, vector<16xf32>,
        %swap3A_397 = arith.index_cast %scan3A_121 : i32 to index
        %swap3A_398 = arith.constant 416 : index
        %swap3A_399 = tpu.vector_load %arg15[%swap3A_397, %swap3A_398] {strides = array<i32>} : memref<8x896xf32, #tpu.memory_space<vmem>>, vector<16xf32>,
        tpu.vector_store %arg15[%swap3A_397, %swap3A_398], %scan3A_317#26 {strides = array<i32>} : memref<8x896xf32, #tpu.memory_space<vmem>>, vector<16xf32>,
        %swap3A_400 = arith.index_cast %scan3A_121 : i32 to index
        %swap3A_401 = arith.constant 432 : index
        %swap3A_402 = tpu.vector_load %arg15[%swap3A_400, %swap3A_401] {strides = array<i32>} : memref<8x896xf32, #tpu.memory_space<vmem>>, vector<16xf32>,
        tpu.vector_store %arg15[%swap3A_400, %swap3A_401], %scan3A_317#27 {strides = array<i32>} : memref<8x896xf32, #tpu.memory_space<vmem>>, vector<16xf32>,
        %swap3A_403 = arith.index_cast %scan3A_121 : i32 to index
        %swap3A_404 = arith.constant 448 : index
        %swap3A_405 = tpu.vector_load %arg15[%swap3A_403, %swap3A_404] {strides = array<i32>} : memref<8x896xf32, #tpu.memory_space<vmem>>, vector<16xf32>,
        tpu.vector_store %arg15[%swap3A_403, %swap3A_404], %scan3A_317#28 {strides = array<i32>} : memref<8x896xf32, #tpu.memory_space<vmem>>, vector<16xf32>,
        %swap3A_406 = arith.index_cast %scan3A_121 : i32 to index
        %swap3A_407 = arith.constant 464 : index
        %swap3A_408 = tpu.vector_load %arg15[%swap3A_406, %swap3A_407] {strides = array<i32>} : memref<8x896xf32, #tpu.memory_space<vmem>>, vector<16xf32>,
        tpu.vector_store %arg15[%swap3A_406, %swap3A_407], %scan3A_317#29 {strides = array<i32>} : memref<8x896xf32, #tpu.memory_space<vmem>>, vector<16xf32>,
        %swap3A_409 = arith.index_cast %scan3A_121 : i32 to index
        %swap3A_410 = arith.constant 480 : index
        %swap3A_411 = tpu.vector_load %arg15[%swap3A_409, %swap3A_410] {strides = array<i32>} : memref<8x896xf32, #tpu.memory_space<vmem>>, vector<16xf32>,
        tpu.vector_store %arg15[%swap3A_409, %swap3A_410], %scan3A_317#30 {strides = array<i32>} : memref<8x896xf32, #tpu.memory_space<vmem>>, vector<16xf32>,
        %swap3A_412 = arith.index_cast %scan3A_121 : i32 to index
        %swap3A_413 = arith.constant 496 : index
        %swap3A_414 = tpu.vector_load %arg15[%swap3A_412, %swap3A_413] {strides = array<i32>} : memref<8x896xf32, #tpu.memory_space<vmem>>, vector<16xf32>,
        tpu.vector_store %arg15[%swap3A_412, %swap3A_413], %scan3A_317#31 {strides = array<i32>} : memref<8x896xf32, #tpu.memory_space<vmem>>, vector<16xf32>,
        %broadcast_in_dim3A_415 = arith.constant 0.000000e+00 : f32
        %broadcast_in_dim3A_416 = vector.broadcast %broadcast_in_dim3A_415 : f32 to vector<16xf32>
        %broadcast_in_dim3A_417 = arith.constant 0.000000e+00 : f32
        %broadcast_in_dim3A_418 = vector.broadcast %broadcast_in_dim3A_417 : f32 to vector<16xf32>
        %broadcast_in_dim3A_419 = arith.constant 0.000000e+00 : f32
        %broadcast_in_dim3A_420 = vector.broadcast %broadcast_in_dim3A_419 : f32 to vector<16xf32>
        %broadcast_in_dim3A_421 = arith.constant 0.000000e+00 : f32
        %broadcast_in_dim3A_422 = vector.broadcast %broadcast_in_dim3A_421 : f32 to vector<16xf32>
        %broadcast_in_dim3A_423 = arith.constant 0.000000e+00 : f32
        %broadcast_in_dim3A_424 = vector.broadcast %broadcast_in_dim3A_423 : f32 to vector<16xf32>
        %broadcast_in_dim3A_425 = arith.constant 0.000000e+00 : f32
        %broadcast_in_dim3A_426 = vector.broadcast %broadcast_in_dim3A_425 : f32 to vector<16xf32>
        %broadcast_in_dim3A_427 = arith.constant 0.000000e+00 : f32
        %broadcast_in_dim3A_428 = vector.broadcast %broadcast_in_dim3A_427 : f32 to vector<16xf32>
        %broadcast_in_dim3A_429 = arith.constant 0.000000e+00 : f32
        %broadcast_in_dim3A_430 = vector.broadcast %broadcast_in_dim3A_429 : f32 to vector<16xf32>
        %broadcast_in_dim3A_431 = arith.constant 0.000000e+00 : f32
        %broadcast_in_dim3A_432 = vector.broadcast %broadcast_in_dim3A_431 : f32 to vector<16xf32>
        %broadcast_in_dim3A_433 = arith.constant 0.000000e+00 : f32
        %broadcast_in_dim3A_434 = vector.broadcast %broadcast_in_dim3A_433 : f32 to vector<16xf32>
        %broadcast_in_dim3A_435 = arith.constant 0.000000e+00 : f32
        %broadcast_in_dim3A_436 = vector.broadcast %broadcast_in_dim3A_435 : f32 to vector<16xf32>
        %broadcast_in_dim3A_437 = arith.constant 0.000000e+00 : f32
        %broadcast_in_dim3A_438 = vector.broadcast %broadcast_in_dim3A_437 : f32 to vector<16xf32>
        %broadcast_in_dim3A_439 = arith.constant 0.000000e+00 : f32
        %broadcast_in_dim3A_440 = vector.broadcast %broadcast_in_dim3A_439 : f32 to vector<16xf32>
        %broadcast_in_dim3A_441 = arith.constant 0.000000e+00 : f32
        %broadcast_in_dim3A_442 = vector.broadcast %broadcast_in_dim3A_441 : f32 to vector<16xf32>
        %broadcast_in_dim3A_443 = arith.constant 0.000000e+00 : f32
        %broadcast_in_dim3A_444 = vector.broadcast %broadcast_in_dim3A_443 : f32 to vector<16xf32>
        %broadcast_in_dim3A_445 = arith.constant 0.000000e+00 : f32
        %broadcast_in_dim3A_446 = vector.broadcast %broadcast_in_dim3A_445 : f32 to vector<16xf32>
        %broadcast_in_dim3A_447 = arith.constant 0.000000e+00 : f32
        %broadcast_in_dim3A_448 = vector.broadcast %broadcast_in_dim3A_447 : f32 to vector<16xf32>
        %broadcast_in_dim3A_449 = arith.constant 0.000000e+00 : f32
        %broadcast_in_dim3A_450 = vector.broadcast %broadcast_in_dim3A_449 : f32 to vector<16xf32>
        %broadcast_in_dim3A_451 = arith.constant 0.000000e+00 : f32
        %broadcast_in_dim3A_452 = vector.broadcast %broadcast_in_dim3A_451 : f32 to vector<16xf32>
        %broadcast_in_dim3A_453 = arith.constant 0.000000e+00 : f32
        %broadcast_in_dim3A_454 = vector.broadcast %broadcast_in_dim3A_453 : f32 to vector<16xf32>
        %broadcast_in_dim3A_455 = arith.constant 0.000000e+00 : f32
        %broadcast_in_dim3A_456 = vector.broadcast %broadcast_in_dim3A_455 : f32 to vector<16xf32>
        %broadcast_in_dim3A_457 = arith.constant 0.000000e+00 : f32
        %broadcast_in_dim3A_458 = vector.broadcast %broadcast_in_dim3A_457 : f32 to vector<16xf32>
        %broadcast_in_dim3A_459 = arith.constant 0.000000e+00 : f32
        %broadcast_in_dim3A_460 = vector.broadcast %broadcast_in_dim3A_459 : f32 to vector<16xf32>
        %broadcast_in_dim3A_461 = arith.constant 0.000000e+00 : f32
        %broadcast_in_dim3A_462 = vector.broadcast %broadcast_in_dim3A_461 : f32 to vector<16xf32>
        %scan3A_463 = arith.constant 0 : i32
        %scan3A_464 = arith.constant 16 : i32
        %scan3A_465 = arith.addi %scan3A_463, %scan3A_464 : i32
        %scan3A_466 = arith.constant 1 : i32
        %scan3A_467:24 = scf.for %scan3A_542 = %scan3A_463 to %scan3A_465 step %scan3A_466 iter_args(%scan3A_543 = %broadcast_in_dim3A_416, %scan3A_544 = %broadcast_in_dim3A_418, %scan3A_545 = %broadcast_in_dim3A_420, %scan3A_546 = %broadcast_in_dim3A_422, %scan3A_547 = %broadcast_in_dim3A_424, %scan3A_548 = %broadcast_in_dim3A_426, %scan3A_549 = %broadcast_in_dim3A_428, %scan3A_550 = %broadcast_in_dim3A_430, %scan3A_551 = %broadcast_in_dim3A_432, %scan3A_552 = %broadcast_in_dim3A_434, %scan3A_553 = %broadcast_in_dim3A_436, %scan3A_554 = %broadcast_in_dim3A_438, %scan3A_555 = %broadcast_in_dim3A_440, %scan3A_556 = %broadcast_in_dim3A_442, %scan3A_557 = %broadcast_in_dim3A_444, %scan3A_558 = %broadcast_in_dim3A_446, %scan3A_559 = %broadcast_in_dim3A_448, %scan3A_560 = %broadcast_in_dim3A_450, %scan3A_561 = %broadcast_in_dim3A_452, %scan3A_562 = %broadcast_in_dim3A_454, %scan3A_563 = %broadcast_in_dim3A_456, %scan3A_564 = %broadcast_in_dim3A_458, %scan3A_565 = %broadcast_in_dim3A_460, %scan3A_566 = %broadcast_in_dim3A_462) -> (vector<16xf32>, vector<16xf32>, vector<16xf32>, vector<16xf32>, vector<16xf32>, vector<16xf32>, vector<16xf32>, vector<16xf32>, vector<16xf32>, vector<16xf32>, vector<16xf32>, vector<16xf32>, vector<16xf32>, vector<16xf32>, vector<16xf32>, vector<16xf32>, vector<16xf32>, vector<16xf32>, vector<16xf32>, vector<16xf32>, vector<16xf32>, vector<16xf32>, vector<16xf32>, vector<16xf32>)  : i32 {
          %mul3A_567 = arith.constant 16 : i32
          %mul3A_568 = arith.muli %scan3A_121, %mul3A_567 : i32
          %add3A_569 = arith.addi %mul3A_568, %scan3A_542 : i32
          %get3A_570 = arith.index_cast %add3A_569 : i32 to index
          %get3A_571 = arith.constant 0 : index
          %get3A_572 = tpu.vector_load %arg14[%get3A_570, %get3A_571] {strides = array<i32>} : memref<128x128xf32, #tpu.memory_space<vmem>>, vector<16xf32>,
          %mul3A_573 = arith.constant 16 : i32
          %mul3A_574 = arith.muli %scan3A_121, %mul3A_573 : i32
          %add3A_575 = arith.addi %mul3A_574, %scan3A_542 : i32
          %get3A_576 = arith.index_cast %add3A_575 : i32 to index
          %get3A_577 = arith.constant 16 : index
          %get3A_578 = tpu.vector_load %arg14[%get3A_576, %get3A_577] {strides = array<i32>} : memref<128x128xf32, #tpu.memory_space<vmem>>, vector<16xf32>,
          %mul3A_579 = arith.constant 16 : i32
          %mul3A_580 = arith.muli %scan3A_121, %mul3A_579 : i32
          %add3A_581 = arith.addi %mul3A_580, %scan3A_542 : i32
          %get3A_582 = arith.index_cast %add3A_581 : i32 to index
          %get3A_583 = arith.constant 32 : index
          %get3A_584 = tpu.vector_load %arg14[%get3A_582, %get3A_583] {strides = array<i32>} : memref<128x128xf32, #tpu.memory_space<vmem>>, vector<16xf32>,
          %mul3A_585 = arith.constant 16 : i32
          %mul3A_586 = arith.muli %scan3A_121, %mul3A_585 : i32
          %add3A_587 = arith.addi %mul3A_586, %scan3A_542 : i32
          %get3A_588 = arith.index_cast %add3A_587 : i32 to index
          %get3A_589 = arith.constant 48 : index
          %get3A_590 = tpu.vector_load %arg14[%get3A_588, %get3A_589] {strides = array<i32>} : memref<128x128xf32, #tpu.memory_space<vmem>>, vector<16xf32>,
          %mul3A_591 = arith.constant 16 : i32
          %mul3A_592 = arith.muli %scan3A_121, %mul3A_591 : i32
          %add3A_593 = arith.addi %mul3A_592, %scan3A_542 : i32
          %get3A_594 = arith.index_cast %add3A_593 : i32 to index
          %get3A_595 = arith.constant 64 : index
          %get3A_596 = tpu.vector_load %arg14[%get3A_594, %get3A_595] {strides = array<i32>} : memref<128x128xf32, #tpu.memory_space<vmem>>, vector<16xf32>,
          %mul3A_597 = arith.constant 16 : i32
          %mul3A_598 = arith.muli %scan3A_121, %mul3A_597 : i32
          %add3A_599 = arith.addi %mul3A_598, %scan3A_542 : i32
          %get3A_600 = arith.index_cast %add3A_599 : i32 to index
          %get3A_601 = arith.constant 80 : index
          %get3A_602 = tpu.vector_load %arg14[%get3A_600, %get3A_601] {strides = array<i32>} : memref<128x128xf32, #tpu.memory_space<vmem>>, vector<16xf32>,
          %mul3A_603 = arith.constant 16 : i32
          %mul3A_604 = arith.muli %scan3A_121, %mul3A_603 : i32
          %add3A_605 = arith.addi %mul3A_604, %scan3A_542 : i32
          %get3A_606 = arith.index_cast %add3A_605 : i32 to index
          %get3A_607 = arith.constant 96 : index
          %get3A_608 = tpu.vector_load %arg14[%get3A_606, %get3A_607] {strides = array<i32>} : memref<128x128xf32, #tpu.memory_space<vmem>>, vector<16xf32>,
          %mul3A_609 = arith.constant 16 : i32
          %mul3A_610 = arith.muli %scan3A_121, %mul3A_609 : i32
          %add3A_611 = arith.addi %mul3A_610, %scan3A_542 : i32
          %get3A_612 = arith.index_cast %add3A_611 : i32 to index
          %get3A_613 = arith.constant 112 : index
          %get3A_614 = tpu.vector_load %arg14[%get3A_612, %get3A_613] {strides = array<i32>} : memref<128x128xf32, #tpu.memory_space<vmem>>, vector<16xf32>,
          %add3A_615 = arith.constant 64 : i32
          %add3A_616 = arith.addi %add3A_615, %scan3A_542 : i32
          %broadcast_in_dim3A_617 = vector.broadcast %add3A_616 : i32 to vector<16xi32>
          %gather3A_618 = tpu.vector_load_idx %arg11[%broadcast_in_dim3A_617] : memref<112xf32, #tpu.memory_space<vmem>>[vector<16xi32>], vector<16xf32>,
          %mul3A_619 = arith.mulf %gather3A_618, %get3A_572 : vector<16xf32>
          %add3A_620 = arith.addf %scan3A_543, %mul3A_619 : vector<16xf32>
          %mul3A_621 = arith.mulf %gather3A_618, %get3A_578 : vector<16xf32>
          %add3A_622 = arith.addf %scan3A_544, %mul3A_621 : vector<16xf32>
          %mul3A_623 = arith.mulf %gather3A_618, %get3A_584 : vector<16xf32>
          %add3A_624 = arith.addf %scan3A_545, %mul3A_623 : vector<16xf32>
          %mul3A_625 = arith.mulf %gather3A_618, %get3A_590 : vector<16xf32>
          %add3A_626 = arith.addf %scan3A_546, %mul3A_625 : vector<16xf32>
          %mul3A_627 = arith.mulf %gather3A_618, %get3A_596 : vector<16xf32>
          %add3A_628 = arith.addf %scan3A_547, %mul3A_627 : vector<16xf32>
          %mul3A_629 = arith.mulf %gather3A_618, %get3A_602 : vector<16xf32>
          %add3A_630 = arith.addf %scan3A_548, %mul3A_629 : vector<16xf32>
          %mul3A_631 = arith.mulf %gather3A_618, %get3A_608 : vector<16xf32>
          %add3A_632 = arith.addf %scan3A_549, %mul3A_631 : vector<16xf32>
          %mul3A_633 = arith.mulf %gather3A_618, %get3A_614 : vector<16xf32>
          %add3A_634 = arith.addf %scan3A_550, %mul3A_633 : vector<16xf32>
          %add3A_635 = arith.constant 80 : i32
          %add3A_636 = arith.addi %add3A_635, %scan3A_542 : i32
          %broadcast_in_dim3A_637 = vector.broadcast %add3A_636 : i32 to vector<16xi32>
          %gather3A_638 = tpu.vector_load_idx %arg11[%broadcast_in_dim3A_637] : memref<112xf32, #tpu.memory_space<vmem>>[vector<16xi32>], vector<16xf32>,
          %mul3A_639 = arith.mulf %gather3A_638, %get3A_572 : vector<16xf32>
          %add3A_640 = arith.addf %scan3A_551, %mul3A_639 : vector<16xf32>
          %mul3A_641 = arith.mulf %gather3A_638, %get3A_578 : vector<16xf32>
          %add3A_642 = arith.addf %scan3A_552, %mul3A_641 : vector<16xf32>
          %mul3A_643 = arith.mulf %gather3A_638, %get3A_584 : vector<16xf32>
          %add3A_644 = arith.addf %scan3A_553, %mul3A_643 : vector<16xf32>
          %mul3A_645 = arith.mulf %gather3A_638, %get3A_590 : vector<16xf32>
          %add3A_646 = arith.addf %scan3A_554, %mul3A_645 : vector<16xf32>
          %mul3A_647 = arith.mulf %gather3A_638, %get3A_596 : vector<16xf32>
          %add3A_648 = arith.addf %scan3A_555, %mul3A_647 : vector<16xf32>
          %mul3A_649 = arith.mulf %gather3A_638, %get3A_602 : vector<16xf32>
          %add3A_650 = arith.addf %scan3A_556, %mul3A_649 : vector<16xf32>
          %mul3A_651 = arith.mulf %gather3A_638, %get3A_608 : vector<16xf32>
          %add3A_652 = arith.addf %scan3A_557, %mul3A_651 : vector<16xf32>
          %mul3A_653 = arith.mulf %gather3A_638, %get3A_614 : vector<16xf32>
          %add3A_654 = arith.addf %scan3A_558, %mul3A_653 : vector<16xf32>
          %add3A_655 = arith.constant 96 : i32
          %add3A_656 = arith.addi %add3A_655, %scan3A_542 : i32
          %broadcast_in_dim3A_657 = vector.broadcast %add3A_656 : i32 to vector<16xi32>
          %gather3A_658 = tpu.vector_load_idx %arg11[%broadcast_in_dim3A_657] : memref<112xf32, #tpu.memory_space<vmem>>[vector<16xi32>], vector<16xf32>,
          %mul3A_659 = arith.mulf %gather3A_658, %get3A_572 : vector<16xf32>
          %add3A_660 = arith.addf %scan3A_559, %mul3A_659 : vector<16xf32>
          %mul3A_661 = arith.mulf %gather3A_658, %get3A_578 : vector<16xf32>
          %add3A_662 = arith.addf %scan3A_560, %mul3A_661 : vector<16xf32>
          %mul3A_663 = arith.mulf %gather3A_658, %get3A_584 : vector<16xf32>
          %add3A_664 = arith.addf %scan3A_561, %mul3A_663 : vector<16xf32>
          %mul3A_665 = arith.mulf %gather3A_658, %get3A_590 : vector<16xf32>
          %add3A_666 = arith.addf %scan3A_562, %mul3A_665 : vector<16xf32>
          %mul3A_667 = arith.mulf %gather3A_658, %get3A_596 : vector<16xf32>
          %add3A_668 = arith.addf %scan3A_563, %mul3A_667 : vector<16xf32>
          %mul3A_669 = arith.mulf %gather3A_658, %get3A_602 : vector<16xf32>
          %add3A_670 = arith.addf %scan3A_564, %mul3A_669 : vector<16xf32>
          %mul3A_671 = arith.mulf %gather3A_658, %get3A_608 : vector<16xf32>
          %add3A_672 = arith.addf %scan3A_565, %mul3A_671 : vector<16xf32>
          %mul3A_673 = arith.mulf %gather3A_658, %get3A_614 : vector<16xf32>
          %add3A_674 = arith.addf %scan3A_566, %mul3A_673 : vector<16xf32>
          scf.yield %add3A_620, %add3A_622, %add3A_624, %add3A_626, %add3A_628, %add3A_630, %add3A_632, %add3A_634, %add3A_640, %add3A_642, %add3A_644, %add3A_646, %add3A_648, %add3A_650, %add3A_652, %add3A_654, %add3A_660, %add3A_662, %add3A_664, %add3A_666, %add3A_668, %add3A_670, %add3A_672, %add3A_674 : vector<16xf32>, vector<16xf32>, vector<16xf32>, vector<16xf32>, vector<16xf32>, vector<16xf32>, vector<16xf32>, vector<16xf32>, vector<16xf32>, vector<16xf32>, vector<16xf32>, vector<16xf32>, vector<16xf32>, vector<16xf32>, vector<16xf32>, vector<16xf32>, vector<16xf32>, vector<16xf32>, vector<16xf32>, vector<16xf32>, vector<16xf32>, vector<16xf32>, vector<16xf32>, vector<16xf32>
        }
        %scan3A_468 = arith.constant 16 : i32
        %swap3A_469 = arith.index_cast %scan3A_121 : i32 to index
        %swap3A_470 = arith.constant 512 : index
        %swap3A_471 = tpu.vector_load %arg15[%swap3A_469, %swap3A_470] {strides = array<i32>} : memref<8x896xf32, #tpu.memory_space<vmem>>, vector<16xf32>,
        tpu.vector_store %arg15[%swap3A_469, %swap3A_470], %scan3A_467#0 {strides = array<i32>} : memref<8x896xf32, #tpu.memory_space<vmem>>, vector<16xf32>,
        %swap3A_472 = arith.index_cast %scan3A_121 : i32 to index
        %swap3A_473 = arith.constant 528 : index
        %swap3A_474 = tpu.vector_load %arg15[%swap3A_472, %swap3A_473] {strides = array<i32>} : memref<8x896xf32, #tpu.memory_space<vmem>>, vector<16xf32>,
        tpu.vector_store %arg15[%swap3A_472, %swap3A_473], %scan3A_467#1 {strides = array<i32>} : memref<8x896xf32, #tpu.memory_space<vmem>>, vector<16xf32>,
        %swap3A_475 = arith.index_cast %scan3A_121 : i32 to index
        %swap3A_476 = arith.constant 544 : index
        %swap3A_477 = tpu.vector_load %arg15[%swap3A_475, %swap3A_476] {strides = array<i32>} : memref<8x896xf32, #tpu.memory_space<vmem>>, vector<16xf32>,
        tpu.vector_store %arg15[%swap3A_475, %swap3A_476], %scan3A_467#2 {strides = array<i32>} : memref<8x896xf32, #tpu.memory_space<vmem>>, vector<16xf32>,
        %swap3A_478 = arith.index_cast %scan3A_121 : i32 to index
        %swap3A_479 = arith.constant 560 : index
        %swap3A_480 = tpu.vector_load %arg15[%swap3A_478, %swap3A_479] {strides = array<i32>} : memref<8x896xf32, #tpu.memory_space<vmem>>, vector<16xf32>,
        tpu.vector_store %arg15[%swap3A_478, %swap3A_479], %scan3A_467#3 {strides = array<i32>} : memref<8x896xf32, #tpu.memory_space<vmem>>, vector<16xf32>,
        %swap3A_481 = arith.index_cast %scan3A_121 : i32 to index
        %swap3A_482 = arith.constant 576 : index
        %swap3A_483 = tpu.vector_load %arg15[%swap3A_481, %swap3A_482] {strides = array<i32>} : memref<8x896xf32, #tpu.memory_space<vmem>>, vector<16xf32>,
        tpu.vector_store %arg15[%swap3A_481, %swap3A_482], %scan3A_467#4 {strides = array<i32>} : memref<8x896xf32, #tpu.memory_space<vmem>>, vector<16xf32>,
        %swap3A_484 = arith.index_cast %scan3A_121 : i32 to index
        %swap3A_485 = arith.constant 592 : index
        %swap3A_486 = tpu.vector_load %arg15[%swap3A_484, %swap3A_485] {strides = array<i32>} : memref<8x896xf32, #tpu.memory_space<vmem>>, vector<16xf32>,
        tpu.vector_store %arg15[%swap3A_484, %swap3A_485], %scan3A_467#5 {strides = array<i32>} : memref<8x896xf32, #tpu.memory_space<vmem>>, vector<16xf32>,
        %swap3A_487 = arith.index_cast %scan3A_121 : i32 to index
        %swap3A_488 = arith.constant 608 : index
        %swap3A_489 = tpu.vector_load %arg15[%swap3A_487, %swap3A_488] {strides = array<i32>} : memref<8x896xf32, #tpu.memory_space<vmem>>, vector<16xf32>,
        tpu.vector_store %arg15[%swap3A_487, %swap3A_488], %scan3A_467#6 {strides = array<i32>} : memref<8x896xf32, #tpu.memory_space<vmem>>, vector<16xf32>,
        %swap3A_490 = arith.index_cast %scan3A_121 : i32 to index
        %swap3A_491 = arith.constant 624 : index
        %swap3A_492 = tpu.vector_load %arg15[%swap3A_490, %swap3A_491] {strides = array<i32>} : memref<8x896xf32, #tpu.memory_space<vmem>>, vector<16xf32>,
        tpu.vector_store %arg15[%swap3A_490, %swap3A_491], %scan3A_467#7 {strides = array<i32>} : memref<8x896xf32, #tpu.memory_space<vmem>>, vector<16xf32>,
        %swap3A_493 = arith.index_cast %scan3A_121 : i32 to index
        %swap3A_494 = arith.constant 640 : index
        %swap3A_495 = tpu.vector_load %arg15[%swap3A_493, %swap3A_494] {strides = array<i32>} : memref<8x896xf32, #tpu.memory_space<vmem>>, vector<16xf32>,
        tpu.vector_store %arg15[%swap3A_493, %swap3A_494], %scan3A_467#8 {strides = array<i32>} : memref<8x896xf32, #tpu.memory_space<vmem>>, vector<16xf32>,
        %swap3A_496 = arith.index_cast %scan3A_121 : i32 to index
        %swap3A_497 = arith.constant 656 : index
        %swap3A_498 = tpu.vector_load %arg15[%swap3A_496, %swap3A_497] {strides = array<i32>} : memref<8x896xf32, #tpu.memory_space<vmem>>, vector<16xf32>,
        tpu.vector_store %arg15[%swap3A_496, %swap3A_497], %scan3A_467#9 {strides = array<i32>} : memref<8x896xf32, #tpu.memory_space<vmem>>, vector<16xf32>,
        %swap3A_499 = arith.index_cast %scan3A_121 : i32 to index
        %swap3A_500 = arith.constant 672 : index
        %swap3A_501 = tpu.vector_load %arg15[%swap3A_499, %swap3A_500] {strides = array<i32>} : memref<8x896xf32, #tpu.memory_space<vmem>>, vector<16xf32>,
        tpu.vector_store %arg15[%swap3A_499, %swap3A_500], %scan3A_467#10 {strides = array<i32>} : memref<8x896xf32, #tpu.memory_space<vmem>>, vector<16xf32>,
        %swap3A_502 = arith.index_cast %scan3A_121 : i32 to index
        %swap3A_503 = arith.constant 688 : index
        %swap3A_504 = tpu.vector_load %arg15[%swap3A_502, %swap3A_503] {strides = array<i32>} : memref<8x896xf32, #tpu.memory_space<vmem>>, vector<16xf32>,
        tpu.vector_store %arg15[%swap3A_502, %swap3A_503], %scan3A_467#11 {strides = array<i32>} : memref<8x896xf32, #tpu.memory_space<vmem>>, vector<16xf32>,
        %swap3A_505 = arith.index_cast %scan3A_121 : i32 to index
        %swap3A_506 = arith.constant 704 : index
        %swap3A_507 = tpu.vector_load %arg15[%swap3A_505, %swap3A_506] {strides = array<i32>} : memref<8x896xf32, #tpu.memory_space<vmem>>, vector<16xf32>,
        tpu.vector_store %arg15[%swap3A_505, %swap3A_506], %scan3A_467#12 {strides = array<i32>} : memref<8x896xf32, #tpu.memory_space<vmem>>, vector<16xf32>,
        %swap3A_508 = arith.index_cast %scan3A_121 : i32 to index
        %swap3A_509 = arith.constant 720 : index
        %swap3A_510 = tpu.vector_load %arg15[%swap3A_508, %swap3A_509] {strides = array<i32>} : memref<8x896xf32, #tpu.memory_space<vmem>>, vector<16xf32>,
        tpu.vector_store %arg15[%swap3A_508, %swap3A_509], %scan3A_467#13 {strides = array<i32>} : memref<8x896xf32, #tpu.memory_space<vmem>>, vector<16xf32>,
        %swap3A_511 = arith.index_cast %scan3A_121 : i32 to index
        %swap3A_512 = arith.constant 736 : index
        %swap3A_513 = tpu.vector_load %arg15[%swap3A_511, %swap3A_512] {strides = array<i32>} : memref<8x896xf32, #tpu.memory_space<vmem>>, vector<16xf32>,
        tpu.vector_store %arg15[%swap3A_511, %swap3A_512], %scan3A_467#14 {strides = array<i32>} : memref<8x896xf32, #tpu.memory_space<vmem>>, vector<16xf32>,
        %swap3A_514 = arith.index_cast %scan3A_121 : i32 to index
        %swap3A_515 = arith.constant 752 : index
        %swap3A_516 = tpu.vector_load %arg15[%swap3A_514, %swap3A_515] {strides = array<i32>} : memref<8x896xf32, #tpu.memory_space<vmem>>, vector<16xf32>,
        tpu.vector_store %arg15[%swap3A_514, %swap3A_515], %scan3A_467#15 {strides = array<i32>} : memref<8x896xf32, #tpu.memory_space<vmem>>, vector<16xf32>,
        %swap3A_517 = arith.index_cast %scan3A_121 : i32 to index
        %swap3A_518 = arith.constant 768 : index
        %swap3A_519 = tpu.vector_load %arg15[%swap3A_517, %swap3A_518] {strides = array<i32>} : memref<8x896xf32, #tpu.memory_space<vmem>>, vector<16xf32>,
        tpu.vector_store %arg15[%swap3A_517, %swap3A_518], %scan3A_467#16 {strides = array<i32>} : memref<8x896xf32, #tpu.memory_space<vmem>>, vector<16xf32>,
        %swap3A_520 = arith.index_cast %scan3A_121 : i32 to index
        %swap3A_521 = arith.constant 784 : index
        %swap3A_522 = tpu.vector_load %arg15[%swap3A_520, %swap3A_521] {strides = array<i32>} : memref<8x896xf32, #tpu.memory_space<vmem>>, vector<16xf32>,
        tpu.vector_store %arg15[%swap3A_520, %swap3A_521], %scan3A_467#17 {strides = array<i32>} : memref<8x896xf32, #tpu.memory_space<vmem>>, vector<16xf32>,
        %swap3A_523 = arith.index_cast %scan3A_121 : i32 to index
        %swap3A_524 = arith.constant 800 : index
        %swap3A_525 = tpu.vector_load %arg15[%swap3A_523, %swap3A_524] {strides = array<i32>} : memref<8x896xf32, #tpu.memory_space<vmem>>, vector<16xf32>,
        tpu.vector_store %arg15[%swap3A_523, %swap3A_524], %scan3A_467#18 {strides = array<i32>} : memref<8x896xf32, #tpu.memory_space<vmem>>, vector<16xf32>,
        %swap3A_526 = arith.index_cast %scan3A_121 : i32 to index
        %swap3A_527 = arith.constant 816 : index
        %swap3A_528 = tpu.vector_load %arg15[%swap3A_526, %swap3A_527] {strides = array<i32>} : memref<8x896xf32, #tpu.memory_space<vmem>>, vector<16xf32>,
        tpu.vector_store %arg15[%swap3A_526, %swap3A_527], %scan3A_467#19 {strides = array<i32>} : memref<8x896xf32, #tpu.memory_space<vmem>>, vector<16xf32>,
        %swap3A_529 = arith.index_cast %scan3A_121 : i32 to index
        %swap3A_530 = arith.constant 832 : index
        %swap3A_531 = tpu.vector_load %arg15[%swap3A_529, %swap3A_530] {strides = array<i32>} : memref<8x896xf32, #tpu.memory_space<vmem>>, vector<16xf32>,
        tpu.vector_store %arg15[%swap3A_529, %swap3A_530], %scan3A_467#20 {strides = array<i32>} : memref<8x896xf32, #tpu.memory_space<vmem>>, vector<16xf32>,
        %swap3A_532 = arith.index_cast %scan3A_121 : i32 to index
        %swap3A_533 = arith.constant 848 : index
        %swap3A_534 = tpu.vector_load %arg15[%swap3A_532, %swap3A_533] {strides = array<i32>} : memref<8x896xf32, #tpu.memory_space<vmem>>, vector<16xf32>,
        tpu.vector_store %arg15[%swap3A_532, %swap3A_533], %scan3A_467#21 {strides = array<i32>} : memref<8x896xf32, #tpu.memory_space<vmem>>, vector<16xf32>,
        %swap3A_535 = arith.index_cast %scan3A_121 : i32 to index
        %swap3A_536 = arith.constant 864 : index
        %swap3A_537 = tpu.vector_load %arg15[%swap3A_535, %swap3A_536] {strides = array<i32>} : memref<8x896xf32, #tpu.memory_space<vmem>>, vector<16xf32>,
        tpu.vector_store %arg15[%swap3A_535, %swap3A_536], %scan3A_467#22 {strides = array<i32>} : memref<8x896xf32, #tpu.memory_space<vmem>>, vector<16xf32>,
        %swap3A_538 = arith.index_cast %scan3A_121 : i32 to index
        %swap3A_539 = arith.constant 880 : index
        %swap3A_540 = tpu.vector_load %arg15[%swap3A_538, %swap3A_539] {strides = array<i32>} : memref<8x896xf32, #tpu.memory_space<vmem>>, vector<16xf32>,
        tpu.vector_store %arg15[%swap3A_538, %swap3A_539], %scan3A_467#23 {strides = array<i32>} : memref<8x896xf32, #tpu.memory_space<vmem>>, vector<16xf32>,
        %scan3A_541 = arith.constant 0 : i32
        scf.yield %scan3A_541 : i32
      }
      %scan3A_83 = arith.constant 8 : i32
      %mul3A_84 = arith.constant 8 : i32
      %mul3A_85 = arith.muli %mul3A_53, %mul3A_84 : i32
      %add3A_86 = arith.addi %multiple_of3A, %mul3A_85 : i32
      %dma_start3A_87 = arith.constant 0 : i32
      %dma_start3A_88 = tpu.memref_slice %arg7[%add3A_86, %dma_start3A_87] : memref<16384x896xf32, #tpu.memory_space<hbm>> -> memref<8x896xf32, #tpu.memory_space<hbm>>
      %dma_start3A_89 = arith.constant 0 : i32
      %dma_start3A_90 = tpu.memref_slice %arg7[%add3A_86, %dma_start3A_89] : memref<16384x896xf32, #tpu.memory_space<hbm>> -> memref<8x896xf32, #tpu.memory_space<hbm>>
      tpu.enqueue_dma source(%arg15 : memref<8x896xf32, #tpu.memory_space<vmem>>) target(%dma_start3A_90 : memref<8x896xf32, #tpu.memory_space<hbm>>) target_semaphore(%arg18 : memref<!tpu.dma_semaphore, #tpu.memory_space<semaphore_mem>>)
      %lt3A = arith.constant 31 : i32
      %lt3A_91 = arith.cmpi slt, %scan3A_50, %lt3A : i32
      %convert_element_type3A_92 = arith.extui %lt3A_91 : i1 to i32
      %cond3A_93 = arith.constant 0 : i32
      %cond3A_94 = arith.cmpi ne, %convert_element_type3A_92, %cond3A_93 : i32
      scf.if %cond3A_94 {
        %add3A_121 = arith.constant 2 : i32
        %add3A_122 = arith.addi %mul3A_53, %add3A_121 : i32
        %scan3A_123 = arith.constant 0 : i32
        %scan3A_124 = arith.constant 0 : i32
        %scan3A_125 = arith.constant 8 : i32
        %scan3A_126 = arith.addi %scan3A_124, %scan3A_125 : i32
        %scan3A_127 = arith.constant 1 : i32
        %scan3A_128 = scf.for %scan3A_136 = %scan3A_124 to %scan3A_126 step %scan3A_127 iter_args(%scan3A_137 = %scan3A_123) -> (i32)  : i32 {
          %mul3A_138 = arith.constant 8 : i32
          %mul3A_139 = arith.muli %add3A_122, %mul3A_138 : i32
          %add3A_140 = arith.addi %mul3A_139, %scan3A_136 : i32
          %get3A = arith.index_cast %add3A_140 : i32 to index
          %get3A_141 = arith.constant 0 : index
          %get3A_142 = tpu.vector_load %arg10[%get3A, %get3A_141] {strides = array<i32>} : memref<512x16xi32, #tpu.memory_space<vmem>>, vector<16xi32>,
          %add3A_143 = vector.broadcast %mul3A_20 : i32 to vector<16xi32>
          %add3A_144 = arith.addi %get3A_142, %add3A_143 : vector<16xi32>
          %mul3A_145 = arith.constant 16 : i32
          %mul3A_146 = arith.muli %scan3A_136, %mul3A_145 : i32
          %swap3A = arith.index_cast %mul3A_146 : i32 to index
          %swap3A_147 = tpu.vector_load %arg12[%swap3A] {strides = array<i32>} : memref<128xi32, #tpu.memory_space<vmem>>, vector<16xi32>,
          tpu.vector_store %arg12[%swap3A], %add3A_144 {strides = array<i32>} : memref<128xi32, #tpu.memory_space<vmem>>, vector<16xi32>,
          %scan3A_148 = arith.constant 0 : i32
          scf.yield %scan3A_148 : i32
        }
        %scan3A_129 = arith.constant 8 : i32
        %dma_start3A_130 = arith.constant 0 : i32
        %dma_start3A_131 = arith.constant 0 : i32
        %dma_start3A_132 = tpu.memref_slice %arg3[%dma_start3A_130, %dma_start3A_131] : memref<262144x64xf32, #tpu.memory_space<hbm>> -> memref<262144x64xf32, #tpu.memory_space<hbm>>
        tpu.enqueue_indirect_dma source(%dma_start3A_132 : memref<262144x64xf32, #tpu.memory_space<hbm>>) target(%arg13 : memref<128x64xf32, #tpu.memory_space<vmem>>) offsets(%arg12 : memref<128xi32, #tpu.memory_space<vmem>>) semaphore(%arg16 : memref<!tpu.dma_semaphore, #tpu.memory_space<semaphore_mem>>)
        %dma_start3A_133 = arith.constant 0 : i32
        %dma_start3A_134 = arith.constant 0 : i32
        %dma_start3A_135 = tpu.memref_slice %arg2[%dma_start3A_133, %dma_start3A_134] : memref<262144x128xf32, #tpu.memory_space<hbm>> -> memref<262144x128xf32, #tpu.memory_space<hbm>>
        tpu.enqueue_indirect_dma source(%dma_start3A_135 : memref<262144x128xf32, #tpu.memory_space<hbm>>) target(%arg14 : memref<128x128xf32, #tpu.memory_space<vmem>>) offsets(%arg12 : memref<128xi32, #tpu.memory_space<vmem>>) semaphore(%arg17 : memref<!tpu.dma_semaphore, #tpu.memory_space<semaphore_mem>>)
      } else {
      }
      %dma_wait3A_95 = arith.constant 0 : i32
      %dma_wait3A_96 = arith.constant 0 : i32
      %dma_wait3A_97 = tpu.memref_slice %arg3[%dma_wait3A_95, %dma_wait3A_96] : memref<262144x64xf32, #tpu.memory_space<hbm>> -> memref<262144x64xf32, #tpu.memory_space<hbm>>
      tpu.wait_indirect_dma semaphore(%arg23 : memref<!tpu.dma_semaphore, #tpu.memory_space<semaphore_mem>>) src(%dma_wait3A_97 : memref<262144x64xf32, #tpu.memory_space<hbm>>) dst(%arg20 : memref<128x64xf32, #tpu.memory_space<vmem>>)
      %dma_wait3A_98 = arith.constant 0 : i32
      %dma_wait3A_99 = arith.constant 0 : i32
      %dma_wait3A_100 = tpu.memref_slice %arg2[%dma_wait3A_98, %dma_wait3A_99] : memref<262144x128xf32, #tpu.memory_space<hbm>> -> memref<262144x128xf32, #tpu.memory_space<hbm>>
      tpu.wait_indirect_dma semaphore(%arg24 : memref<!tpu.dma_semaphore, #tpu.memory_space<semaphore_mem>>) src(%dma_wait3A_100 : memref<262144x128xf32, #tpu.memory_space<hbm>>) dst(%arg21 : memref<128x128xf32, #tpu.memory_space<vmem>>)
      %gt3A_101 = arith.constant 0 : i32
      %gt3A_102 = arith.cmpi sgt, %scan3A_50, %gt3A_101 : i32
      %convert_element_type3A_103 = arith.extui %gt3A_102 : i1 to i32
      %cond3A_104 = arith.constant 0 : i32
      %cond3A_105 = arith.cmpi ne, %convert_element_type3A_103, %cond3A_104 : i32
      scf.if %cond3A_105 {
        %sub3A_121 = arith.constant 2 : i32
        %sub3A_122 = arith.subi %add3A_55, %sub3A_121 : i32
        %mul3A_123 = arith.constant 8 : i32
        %mul3A_124 = arith.muli %sub3A_122, %mul3A_123 : i32
        %add3A_125 = arith.addi %multiple_of3A, %mul3A_124 : i32
        %dma_wait3A_126 = arith.constant 0 : i32
        %dma_wait3A_127 = tpu.memref_slice %arg7[%add3A_125, %dma_wait3A_126] : memref<16384x896xf32, #tpu.memory_space<hbm>> -> memref<8x896xf32, #tpu.memory_space<hbm>>
        %dma_wait3A_128 = arith.constant 0 : i32
        %dma_wait3A_129 = tpu.memref_slice %arg7[%add3A_125, %dma_wait3A_128] : memref<16384x896xf32, #tpu.memory_space<hbm>> -> memref<8x896xf32, #tpu.memory_space<hbm>>
        tpu.wait_dma2 semaphore(%arg25 : memref<!tpu.dma_semaphore, #tpu.memory_space<semaphore_mem>>) src(%arg22 : memref<8x896xf32, #tpu.memory_space<vmem>>) dst(%dma_wait3A_129 : memref<8x896xf32, #tpu.memory_space<hbm>>)
      } else {
      }
      %scan3A_106 = arith.constant 0 : i32
      %scan3A_107 = arith.constant 0 : i32
      %scan3A_108 = arith.constant 8 : i32
      %scan3A_109 = arith.addi %scan3A_107, %scan3A_108 : i32
      %scan3A_110 = arith.constant 1 : i32
      %scan3A_111 = scf.for %scan3A_121 = %scan3A_107 to %scan3A_109 step %scan3A_110 iter_args(%scan3A_122 = %scan3A_106) -> (i32)  : i32 {
        %mul3A_123 = arith.constant 8 : i32
        %mul3A_124 = arith.muli %add3A_55, %mul3A_123 : i32
        %add3A_125 = arith.addi %mul3A_124, %scan3A_121 : i32
        %broadcast_in_dim3A = vector.broadcast %add3A_125 : i32 to vector<16xi32>
        %get3A = arith.index_cast %add3A_125 : i32 to index
        %get3A_126 = arith.constant 0 : index
        %get3A_127 = tpu.vector_load %arg8[%get3A, %get3A_126] {strides = array<i32>} : memref<512x64xf32, #tpu.memory_space<vmem>>, vector<16xf32>,
        %get3A_128 = arith.index_cast %add3A_125 : i32 to index
        %get3A_129 = arith.constant 16 : index
        %get3A_130 = tpu.vector_load %arg8[%get3A_128, %get3A_129] {strides = array<i32>} : memref<512x64xf32, #tpu.memory_space<vmem>>, vector<16xf32>,
        %get3A_131 = arith.index_cast %add3A_125 : i32 to index
        %get3A_132 = arith.constant 32 : index
        %get3A_133 = tpu.vector_load %arg8[%get3A_131, %get3A_132] {strides = array<i32>} : memref<512x64xf32, #tpu.memory_space<vmem>>, vector<16xf32>,
        %get3A_134 = arith.index_cast %add3A_125 : i32 to index
        %get3A_135 = arith.constant 48 : index
        %get3A_136 = tpu.vector_load %arg8[%get3A_134, %get3A_135] {strides = array<i32>} : memref<512x64xf32, #tpu.memory_space<vmem>>, vector<16xf32>,
        %broadcast_in_dim3A_137 = arith.constant 0.000000e+00 : f32
        %broadcast_in_dim3A_138 = vector.broadcast %broadcast_in_dim3A_137 : f32 to vector<16xf32>
        %scan3A_139 = arith.constant 0 : i32
        %scan3A_140 = arith.constant 16 : i32
        %scan3A_141 = arith.addi %scan3A_139, %scan3A_140 : i32
        %scan3A_142 = arith.constant 1 : i32
        %scan3A_143 = scf.for %scan3A_542 = %scan3A_139 to %scan3A_141 step %scan3A_142 iter_args(%scan3A_543 = %broadcast_in_dim3A_138) -> (vector<16xf32>)  : i32 {
          %broadcast_in_dim3A_544 = arith.constant 0.000000e+00 : f32
          %broadcast_in_dim3A_545 = vector.broadcast %broadcast_in_dim3A_544 : f32 to vector<16xf32>
          %mul3A_546 = arith.constant 16 : i32
          %mul3A_547 = arith.muli %scan3A_121, %mul3A_546 : i32
          %add3A_548 = arith.addi %mul3A_547, %scan3A_542 : i32
          %get3A_549 = arith.index_cast %add3A_548 : i32 to index
          %get3A_550 = arith.constant 0 : index
          %get3A_551 = tpu.vector_load %arg20[%get3A_549, %get3A_550] {strides = array<i32>} : memref<128x64xf32, #tpu.memory_space<vmem>>, vector<16xf32>,
          %sub3A_552 = arith.subf %get3A_551, %get3A_127 : vector<16xf32>
          %mul3A_553 = arith.mulf %sub3A_552, %sub3A_552 : vector<16xf32>
          %add3A_554 = arith.addf %broadcast_in_dim3A_545, %mul3A_553 : vector<16xf32>
          %mul3A_555 = arith.constant 16 : i32
          %mul3A_556 = arith.muli %scan3A_121, %mul3A_555 : i32
          %add3A_557 = arith.addi %mul3A_556, %scan3A_542 : i32
          %get3A_558 = arith.index_cast %add3A_557 : i32 to index
          %get3A_559 = arith.constant 16 : index
          %get3A_560 = tpu.vector_load %arg20[%get3A_558, %get3A_559] {strides = array<i32>} : memref<128x64xf32, #tpu.memory_space<vmem>>, vector<16xf32>,
          %sub3A_561 = arith.subf %get3A_560, %get3A_130 : vector<16xf32>
          %mul3A_562 = arith.mulf %sub3A_561, %sub3A_561 : vector<16xf32>
          %add3A_563 = arith.addf %add3A_554, %mul3A_562 : vector<16xf32>
          %mul3A_564 = arith.constant 16 : i32
          %mul3A_565 = arith.muli %scan3A_121, %mul3A_564 : i32
          %add3A_566 = arith.addi %mul3A_565, %scan3A_542 : i32
          %get3A_567 = arith.index_cast %add3A_566 : i32 to index
          %get3A_568 = arith.constant 32 : index
          %get3A_569 = tpu.vector_load %arg20[%get3A_567, %get3A_568] {strides = array<i32>} : memref<128x64xf32, #tpu.memory_space<vmem>>, vector<16xf32>,
          %sub3A_570 = arith.subf %get3A_569, %get3A_133 : vector<16xf32>
          %mul3A_571 = arith.mulf %sub3A_570, %sub3A_570 : vector<16xf32>
          %add3A_572 = arith.addf %add3A_563, %mul3A_571 : vector<16xf32>
          %mul3A_573 = arith.constant 16 : i32
          %mul3A_574 = arith.muli %scan3A_121, %mul3A_573 : i32
          %add3A_575 = arith.addi %mul3A_574, %scan3A_542 : i32
          %get3A_576 = arith.index_cast %add3A_575 : i32 to index
          %get3A_577 = arith.constant 48 : index
          %get3A_578 = tpu.vector_load %arg20[%get3A_576, %get3A_577] {strides = array<i32>} : memref<128x64xf32, #tpu.memory_space<vmem>>, vector<16xf32>,
          %sub3A_579 = arith.subf %get3A_578, %get3A_136 : vector<16xf32>
          %mul3A_580 = arith.mulf %sub3A_579, %sub3A_579 : vector<16xf32>
          %add3A_581 = arith.addf %add3A_572, %mul3A_580 : vector<16xf32>
          %eq3A = vector.broadcast %scan3A_542 : i32 to vector<16xi32>
          %eq3A_582 = arith.cmpi eq, %iota3A, %eq3A : vector<16xi32>
          %reduce_sum3A_583 = arith.constant true
          %reduce_sum3A_584 = vector.broadcast %reduce_sum3A_583 : i1 to vector<16xi1>
          %reduce_sum3A_585 = tpu.scan <sum>, %add3A_581 masked %reduce_sum3A_584 : vector<16xf32>, vector<16xi1> -> vector<16xf32>
          %reduce_sum3A_586 = vector.extract %reduce_sum3A_585[15] : f32 from vector<16xf32>
          %broadcast_in_dim3A_587 = vector.broadcast %reduce_sum3A_586 : f32 to vector<16xf32>
          %select_n3A_588 = arith.select %eq3A_582, %broadcast_in_dim3A_587, %scan3A_543 : vector<16xi1>, vector<16xf32>
          scf.yield %select_n3A_588 : vector<16xf32>
        }
        %scan3A_144 = arith.constant 16 : i32
        %gather3A = tpu.vector_load_idx %arg9[%broadcast_in_dim3A] : memref<512xf32, #tpu.memory_space<vmem>>[vector<16xi32>], vector<16xf32>,
        %exp3A = math.exp %gather3A : vector<16xf32>
        %neg3A = arith.constant 0.000000e+00 : f32
        %neg3A_145 = vector.broadcast %neg3A : f32 to vector<16xf32>
        %neg3A_146 = arith.subf %neg3A_145, %scan3A_143 : vector<16xf32>
        %div3A_147 = arith.divf %neg3A_146, %exp3A : vector<16xf32>
        %reduce_max3A = arith.constant true
        %reduce_max3A_148 = vector.broadcast %reduce_max3A : i1 to vector<16xi1>
        %reduce_max3A_149 = tpu.scan <max>, %div3A_147 masked %reduce_max3A_148 : vector<16xf32>, vector<16xi1> -> vector<16xf32>
        %reduce_max3A_150 = vector.extract %reduce_max3A_149[15] : f32 from vector<16xf32>
        %sub3A_151 = vector.broadcast %reduce_max3A_150 : f32 to vector<16xf32>
        %sub3A_152 = arith.subf %div3A_147, %sub3A_151 : vector<16xf32>
        %exp3A_153 = math.exp %sub3A_152 : vector<16xf32>
        %reduce_sum3A = arith.constant true
        %reduce_sum3A_154 = vector.broadcast %reduce_sum3A : i1 to vector<16xi1>
        %reduce_sum3A_155 = tpu.scan <sum>, %exp3A_153 masked %reduce_sum3A_154 : vector<16xf32>, vector<16xi1> -> vector<16xf32>
        %reduce_sum3A_156 = vector.extract %reduce_sum3A_155[15] : f32 from vector<16xf32>
        %div3A_157 = vector.broadcast %reduce_sum3A_156 : f32 to vector<16xf32>
        %div3A_158 = arith.divf %exp3A_153, %div3A_157 : vector<16xf32>
        %swap3A = arith.constant 0 : index
        %swap3A_159 = tpu.vector_load %arg11[%swap3A] {strides = array<i32>} : memref<112xf32, #tpu.memory_space<vmem>>, vector<16xf32>,
        tpu.vector_store %arg11[%swap3A], %div3A_158 {strides = array<i32>} : memref<112xf32, #tpu.memory_space<vmem>>, vector<16xf32>,
        %sub3A_160 = arith.constant 1.000000e+00 : f32
        %sub3A_161 = vector.broadcast %sub3A_160 : f32 to vector<16xf32>
        %sub3A_162 = arith.subf %sub3A_161, %div3A_158 : vector<16xf32>
        %max3A = arith.constant 1.000000e-07 : f32
        %max3A_163 = vector.broadcast %max3A : f32 to vector<16xf32>
        %max3A_164 = arith.maximumf %sub3A_162, %max3A_163 : vector<16xf32>
        %mul3A_165 = arith.mulf %div3A_158, %max3A_164 : vector<16xf32>
        %reduce_sum3A_166 = arith.constant true
        %reduce_sum3A_167 = vector.broadcast %reduce_sum3A_166 : i1 to vector<16xi1>
        %reduce_sum3A_168 = tpu.scan <sum>, %mul3A_165 masked %reduce_sum3A_167 : vector<16xf32>, vector<16xi1> -> vector<16xf32>
        %reduce_sum3A_169 = vector.extract %reduce_sum3A_168[15] : f32 from vector<16xf32>
        %div3A_170 = vector.broadcast %reduce_sum3A_169 : f32 to vector<16xf32>
        %div3A_171 = arith.divf %mul3A_165, %div3A_170 : vector<16xf32>
        %swap3A_172 = arith.constant 16 : index
        %swap3A_173 = tpu.vector_load %arg11[%swap3A_172] {strides = array<i32>} : memref<112xf32, #tpu.memory_space<vmem>>, vector<16xf32>,
        tpu.vector_store %arg11[%swap3A_172], %div3A_171 {strides = array<i32>} : memref<112xf32, #tpu.memory_space<vmem>>, vector<16xf32>,
        %sub3A_174 = arith.constant 1.000000e+00 : f32
        %sub3A_175 = vector.broadcast %sub3A_174 : f32 to vector<16xf32>
        %sub3A_176 = arith.subf %sub3A_175, %div3A_171 : vector<16xf32>
        %max3A_177 = arith.constant 1.000000e-07 : f32
        %max3A_178 = vector.broadcast %max3A_177 : f32 to vector<16xf32>
        %max3A_179 = arith.maximumf %sub3A_176, %max3A_178 : vector<16xf32>
        %mul3A_180 = arith.mulf %div3A_171, %max3A_179 : vector<16xf32>
        %reduce_sum3A_181 = arith.constant true
        %reduce_sum3A_182 = vector.broadcast %reduce_sum3A_181 : i1 to vector<16xi1>
        %reduce_sum3A_183 = tpu.scan <sum>, %mul3A_180 masked %reduce_sum3A_182 : vector<16xf32>, vector<16xi1> -> vector<16xf32>
        %reduce_sum3A_184 = vector.extract %reduce_sum3A_183[15] : f32 from vector<16xf32>
        %div3A_185 = vector.broadcast %reduce_sum3A_184 : f32 to vector<16xf32>
        %div3A_186 = arith.divf %mul3A_180, %div3A_185 : vector<16xf32>
        %swap3A_187 = arith.constant 32 : index
        %swap3A_188 = tpu.vector_load %arg11[%swap3A_187] {strides = array<i32>} : memref<112xf32, #tpu.memory_space<vmem>>, vector<16xf32>,
        tpu.vector_store %arg11[%swap3A_187], %div3A_186 {strides = array<i32>} : memref<112xf32, #tpu.memory_space<vmem>>, vector<16xf32>,
        %sub3A_189 = arith.constant 1.000000e+00 : f32
        %sub3A_190 = vector.broadcast %sub3A_189 : f32 to vector<16xf32>
        %sub3A_191 = arith.subf %sub3A_190, %div3A_186 : vector<16xf32>
        %max3A_192 = arith.constant 1.000000e-07 : f32
        %max3A_193 = vector.broadcast %max3A_192 : f32 to vector<16xf32>
        %max3A_194 = arith.maximumf %sub3A_191, %max3A_193 : vector<16xf32>
        %mul3A_195 = arith.mulf %div3A_186, %max3A_194 : vector<16xf32>
        %reduce_sum3A_196 = arith.constant true
        %reduce_sum3A_197 = vector.broadcast %reduce_sum3A_196 : i1 to vector<16xi1>
        %reduce_sum3A_198 = tpu.scan <sum>, %mul3A_195 masked %reduce_sum3A_197 : vector<16xf32>, vector<16xi1> -> vector<16xf32>
        %reduce_sum3A_199 = vector.extract %reduce_sum3A_198[15] : f32 from vector<16xf32>
        %div3A_200 = vector.broadcast %reduce_sum3A_199 : f32 to vector<16xf32>
        %div3A_201 = arith.divf %mul3A_195, %div3A_200 : vector<16xf32>
        %swap3A_202 = arith.constant 48 : index
        %swap3A_203 = tpu.vector_load %arg11[%swap3A_202] {strides = array<i32>} : memref<112xf32, #tpu.memory_space<vmem>>, vector<16xf32>,
        tpu.vector_store %arg11[%swap3A_202], %div3A_201 {strides = array<i32>} : memref<112xf32, #tpu.memory_space<vmem>>, vector<16xf32>,
        %sub3A_204 = arith.constant 1.000000e+00 : f32
        %sub3A_205 = vector.broadcast %sub3A_204 : f32 to vector<16xf32>
        %sub3A_206 = arith.subf %sub3A_205, %div3A_201 : vector<16xf32>
        %max3A_207 = arith.constant 1.000000e-07 : f32
        %max3A_208 = vector.broadcast %max3A_207 : f32 to vector<16xf32>
        %max3A_209 = arith.maximumf %sub3A_206, %max3A_208 : vector<16xf32>
        %mul3A_210 = arith.mulf %div3A_201, %max3A_209 : vector<16xf32>
        %reduce_sum3A_211 = arith.constant true
        %reduce_sum3A_212 = vector.broadcast %reduce_sum3A_211 : i1 to vector<16xi1>
        %reduce_sum3A_213 = tpu.scan <sum>, %mul3A_210 masked %reduce_sum3A_212 : vector<16xf32>, vector<16xi1> -> vector<16xf32>
        %reduce_sum3A_214 = vector.extract %reduce_sum3A_213[15] : f32 from vector<16xf32>
        %div3A_215 = vector.broadcast %reduce_sum3A_214 : f32 to vector<16xf32>
        %div3A_216 = arith.divf %mul3A_210, %div3A_215 : vector<16xf32>
        %swap3A_217 = arith.constant 64 : index
        %swap3A_218 = tpu.vector_load %arg11[%swap3A_217] {strides = array<i32>} : memref<112xf32, #tpu.memory_space<vmem>>, vector<16xf32>,
        tpu.vector_store %arg11[%swap3A_217], %div3A_216 {strides = array<i32>} : memref<112xf32, #tpu.memory_space<vmem>>, vector<16xf32>,
        %sub3A_219 = arith.constant 1.000000e+00 : f32
        %sub3A_220 = vector.broadcast %sub3A_219 : f32 to vector<16xf32>
        %sub3A_221 = arith.subf %sub3A_220, %div3A_216 : vector<16xf32>
        %max3A_222 = arith.constant 1.000000e-07 : f32
        %max3A_223 = vector.broadcast %max3A_222 : f32 to vector<16xf32>
        %max3A_224 = arith.maximumf %sub3A_221, %max3A_223 : vector<16xf32>
        %mul3A_225 = arith.mulf %div3A_216, %max3A_224 : vector<16xf32>
        %reduce_sum3A_226 = arith.constant true
        %reduce_sum3A_227 = vector.broadcast %reduce_sum3A_226 : i1 to vector<16xi1>
        %reduce_sum3A_228 = tpu.scan <sum>, %mul3A_225 masked %reduce_sum3A_227 : vector<16xf32>, vector<16xi1> -> vector<16xf32>
        %reduce_sum3A_229 = vector.extract %reduce_sum3A_228[15] : f32 from vector<16xf32>
        %div3A_230 = vector.broadcast %reduce_sum3A_229 : f32 to vector<16xf32>
        %div3A_231 = arith.divf %mul3A_225, %div3A_230 : vector<16xf32>
        %swap3A_232 = arith.constant 80 : index
        %swap3A_233 = tpu.vector_load %arg11[%swap3A_232] {strides = array<i32>} : memref<112xf32, #tpu.memory_space<vmem>>, vector<16xf32>,
        tpu.vector_store %arg11[%swap3A_232], %div3A_231 {strides = array<i32>} : memref<112xf32, #tpu.memory_space<vmem>>, vector<16xf32>,
        %sub3A_234 = arith.constant 1.000000e+00 : f32
        %sub3A_235 = vector.broadcast %sub3A_234 : f32 to vector<16xf32>
        %sub3A_236 = arith.subf %sub3A_235, %div3A_231 : vector<16xf32>
        %max3A_237 = arith.constant 1.000000e-07 : f32
        %max3A_238 = vector.broadcast %max3A_237 : f32 to vector<16xf32>
        %max3A_239 = arith.maximumf %sub3A_236, %max3A_238 : vector<16xf32>
        %mul3A_240 = arith.mulf %div3A_231, %max3A_239 : vector<16xf32>
        %reduce_sum3A_241 = arith.constant true
        %reduce_sum3A_242 = vector.broadcast %reduce_sum3A_241 : i1 to vector<16xi1>
        %reduce_sum3A_243 = tpu.scan <sum>, %mul3A_240 masked %reduce_sum3A_242 : vector<16xf32>, vector<16xi1> -> vector<16xf32>
        %reduce_sum3A_244 = vector.extract %reduce_sum3A_243[15] : f32 from vector<16xf32>
        %div3A_245 = vector.broadcast %reduce_sum3A_244 : f32 to vector<16xf32>
        %div3A_246 = arith.divf %mul3A_240, %div3A_245 : vector<16xf32>
        %swap3A_247 = arith.constant 96 : index
        %swap3A_248 = tpu.vector_load %arg11[%swap3A_247] {strides = array<i32>} : memref<112xf32, #tpu.memory_space<vmem>>, vector<16xf32>,
        tpu.vector_store %arg11[%swap3A_247], %div3A_246 {strides = array<i32>} : memref<112xf32, #tpu.memory_space<vmem>>, vector<16xf32>,
        %broadcast_in_dim3A_249 = arith.constant 0.000000e+00 : f32
        %broadcast_in_dim3A_250 = vector.broadcast %broadcast_in_dim3A_249 : f32 to vector<16xf32>
        %broadcast_in_dim3A_251 = arith.constant 0.000000e+00 : f32
        %broadcast_in_dim3A_252 = vector.broadcast %broadcast_in_dim3A_251 : f32 to vector<16xf32>
        %broadcast_in_dim3A_253 = arith.constant 0.000000e+00 : f32
        %broadcast_in_dim3A_254 = vector.broadcast %broadcast_in_dim3A_253 : f32 to vector<16xf32>
        %broadcast_in_dim3A_255 = arith.constant 0.000000e+00 : f32
        %broadcast_in_dim3A_256 = vector.broadcast %broadcast_in_dim3A_255 : f32 to vector<16xf32>
        %broadcast_in_dim3A_257 = arith.constant 0.000000e+00 : f32
        %broadcast_in_dim3A_258 = vector.broadcast %broadcast_in_dim3A_257 : f32 to vector<16xf32>
        %broadcast_in_dim3A_259 = arith.constant 0.000000e+00 : f32
        %broadcast_in_dim3A_260 = vector.broadcast %broadcast_in_dim3A_259 : f32 to vector<16xf32>
        %broadcast_in_dim3A_261 = arith.constant 0.000000e+00 : f32
        %broadcast_in_dim3A_262 = vector.broadcast %broadcast_in_dim3A_261 : f32 to vector<16xf32>
        %broadcast_in_dim3A_263 = arith.constant 0.000000e+00 : f32
        %broadcast_in_dim3A_264 = vector.broadcast %broadcast_in_dim3A_263 : f32 to vector<16xf32>
        %broadcast_in_dim3A_265 = arith.constant 0.000000e+00 : f32
        %broadcast_in_dim3A_266 = vector.broadcast %broadcast_in_dim3A_265 : f32 to vector<16xf32>
        %broadcast_in_dim3A_267 = arith.constant 0.000000e+00 : f32
        %broadcast_in_dim3A_268 = vector.broadcast %broadcast_in_dim3A_267 : f32 to vector<16xf32>
        %broadcast_in_dim3A_269 = arith.constant 0.000000e+00 : f32
        %broadcast_in_dim3A_270 = vector.broadcast %broadcast_in_dim3A_269 : f32 to vector<16xf32>
        %broadcast_in_dim3A_271 = arith.constant 0.000000e+00 : f32
        %broadcast_in_dim3A_272 = vector.broadcast %broadcast_in_dim3A_271 : f32 to vector<16xf32>
        %broadcast_in_dim3A_273 = arith.constant 0.000000e+00 : f32
        %broadcast_in_dim3A_274 = vector.broadcast %broadcast_in_dim3A_273 : f32 to vector<16xf32>
        %broadcast_in_dim3A_275 = arith.constant 0.000000e+00 : f32
        %broadcast_in_dim3A_276 = vector.broadcast %broadcast_in_dim3A_275 : f32 to vector<16xf32>
        %broadcast_in_dim3A_277 = arith.constant 0.000000e+00 : f32
        %broadcast_in_dim3A_278 = vector.broadcast %broadcast_in_dim3A_277 : f32 to vector<16xf32>
        %broadcast_in_dim3A_279 = arith.constant 0.000000e+00 : f32
        %broadcast_in_dim3A_280 = vector.broadcast %broadcast_in_dim3A_279 : f32 to vector<16xf32>
        %broadcast_in_dim3A_281 = arith.constant 0.000000e+00 : f32
        %broadcast_in_dim3A_282 = vector.broadcast %broadcast_in_dim3A_281 : f32 to vector<16xf32>
        %broadcast_in_dim3A_283 = arith.constant 0.000000e+00 : f32
        %broadcast_in_dim3A_284 = vector.broadcast %broadcast_in_dim3A_283 : f32 to vector<16xf32>
        %broadcast_in_dim3A_285 = arith.constant 0.000000e+00 : f32
        %broadcast_in_dim3A_286 = vector.broadcast %broadcast_in_dim3A_285 : f32 to vector<16xf32>
        %broadcast_in_dim3A_287 = arith.constant 0.000000e+00 : f32
        %broadcast_in_dim3A_288 = vector.broadcast %broadcast_in_dim3A_287 : f32 to vector<16xf32>
        %broadcast_in_dim3A_289 = arith.constant 0.000000e+00 : f32
        %broadcast_in_dim3A_290 = vector.broadcast %broadcast_in_dim3A_289 : f32 to vector<16xf32>
        %broadcast_in_dim3A_291 = arith.constant 0.000000e+00 : f32
        %broadcast_in_dim3A_292 = vector.broadcast %broadcast_in_dim3A_291 : f32 to vector<16xf32>
        %broadcast_in_dim3A_293 = arith.constant 0.000000e+00 : f32
        %broadcast_in_dim3A_294 = vector.broadcast %broadcast_in_dim3A_293 : f32 to vector<16xf32>
        %broadcast_in_dim3A_295 = arith.constant 0.000000e+00 : f32
        %broadcast_in_dim3A_296 = vector.broadcast %broadcast_in_dim3A_295 : f32 to vector<16xf32>
        %broadcast_in_dim3A_297 = arith.constant 0.000000e+00 : f32
        %broadcast_in_dim3A_298 = vector.broadcast %broadcast_in_dim3A_297 : f32 to vector<16xf32>
        %broadcast_in_dim3A_299 = arith.constant 0.000000e+00 : f32
        %broadcast_in_dim3A_300 = vector.broadcast %broadcast_in_dim3A_299 : f32 to vector<16xf32>
        %broadcast_in_dim3A_301 = arith.constant 0.000000e+00 : f32
        %broadcast_in_dim3A_302 = vector.broadcast %broadcast_in_dim3A_301 : f32 to vector<16xf32>
        %broadcast_in_dim3A_303 = arith.constant 0.000000e+00 : f32
        %broadcast_in_dim3A_304 = vector.broadcast %broadcast_in_dim3A_303 : f32 to vector<16xf32>
        %broadcast_in_dim3A_305 = arith.constant 0.000000e+00 : f32
        %broadcast_in_dim3A_306 = vector.broadcast %broadcast_in_dim3A_305 : f32 to vector<16xf32>
        %broadcast_in_dim3A_307 = arith.constant 0.000000e+00 : f32
        %broadcast_in_dim3A_308 = vector.broadcast %broadcast_in_dim3A_307 : f32 to vector<16xf32>
        %broadcast_in_dim3A_309 = arith.constant 0.000000e+00 : f32
        %broadcast_in_dim3A_310 = vector.broadcast %broadcast_in_dim3A_309 : f32 to vector<16xf32>
        %broadcast_in_dim3A_311 = arith.constant 0.000000e+00 : f32
        %broadcast_in_dim3A_312 = vector.broadcast %broadcast_in_dim3A_311 : f32 to vector<16xf32>
        %scan3A_313 = arith.constant 0 : i32
        %scan3A_314 = arith.constant 16 : i32
        %scan3A_315 = arith.addi %scan3A_313, %scan3A_314 : i32
        %scan3A_316 = arith.constant 1 : i32
        %scan3A_317:32 = scf.for %scan3A_542 = %scan3A_313 to %scan3A_315 step %scan3A_316 iter_args(%scan3A_543 = %broadcast_in_dim3A_250, %scan3A_544 = %broadcast_in_dim3A_252, %scan3A_545 = %broadcast_in_dim3A_254, %scan3A_546 = %broadcast_in_dim3A_256, %scan3A_547 = %broadcast_in_dim3A_258, %scan3A_548 = %broadcast_in_dim3A_260, %scan3A_549 = %broadcast_in_dim3A_262, %scan3A_550 = %broadcast_in_dim3A_264, %scan3A_551 = %broadcast_in_dim3A_266, %scan3A_552 = %broadcast_in_dim3A_268, %scan3A_553 = %broadcast_in_dim3A_270, %scan3A_554 = %broadcast_in_dim3A_272, %scan3A_555 = %broadcast_in_dim3A_274, %scan3A_556 = %broadcast_in_dim3A_276, %scan3A_557 = %broadcast_in_dim3A_278, %scan3A_558 = %broadcast_in_dim3A_280, %scan3A_559 = %broadcast_in_dim3A_282, %scan3A_560 = %broadcast_in_dim3A_284, %scan3A_561 = %broadcast_in_dim3A_286, %scan3A_562 = %broadcast_in_dim3A_288, %scan3A_563 = %broadcast_in_dim3A_290, %scan3A_564 = %broadcast_in_dim3A_292, %scan3A_565 = %broadcast_in_dim3A_294, %scan3A_566 = %broadcast_in_dim3A_296, %scan3A_567 = %broadcast_in_dim3A_298, %scan3A_568 = %broadcast_in_dim3A_300, %scan3A_569 = %broadcast_in_dim3A_302, %scan3A_570 = %broadcast_in_dim3A_304, %scan3A_571 = %broadcast_in_dim3A_306, %scan3A_572 = %broadcast_in_dim3A_308, %scan3A_573 = %broadcast_in_dim3A_310, %scan3A_574 = %broadcast_in_dim3A_312) -> (vector<16xf32>, vector<16xf32>, vector<16xf32>, vector<16xf32>, vector<16xf32>, vector<16xf32>, vector<16xf32>, vector<16xf32>, vector<16xf32>, vector<16xf32>, vector<16xf32>, vector<16xf32>, vector<16xf32>, vector<16xf32>, vector<16xf32>, vector<16xf32>, vector<16xf32>, vector<16xf32>, vector<16xf32>, vector<16xf32>, vector<16xf32>, vector<16xf32>, vector<16xf32>, vector<16xf32>, vector<16xf32>, vector<16xf32>, vector<16xf32>, vector<16xf32>, vector<16xf32>, vector<16xf32>, vector<16xf32>, vector<16xf32>)  : i32 {
          %mul3A_575 = arith.constant 16 : i32
          %mul3A_576 = arith.muli %scan3A_121, %mul3A_575 : i32
          %add3A_577 = arith.addi %mul3A_576, %scan3A_542 : i32
          %get3A_578 = arith.index_cast %add3A_577 : i32 to index
          %get3A_579 = arith.constant 0 : index
          %get3A_580 = tpu.vector_load %arg21[%get3A_578, %get3A_579] {strides = array<i32>} : memref<128x128xf32, #tpu.memory_space<vmem>>, vector<16xf32>,
          %mul3A_581 = arith.constant 16 : i32
          %mul3A_582 = arith.muli %scan3A_121, %mul3A_581 : i32
          %add3A_583 = arith.addi %mul3A_582, %scan3A_542 : i32
          %get3A_584 = arith.index_cast %add3A_583 : i32 to index
          %get3A_585 = arith.constant 16 : index
          %get3A_586 = tpu.vector_load %arg21[%get3A_584, %get3A_585] {strides = array<i32>} : memref<128x128xf32, #tpu.memory_space<vmem>>, vector<16xf32>,
          %mul3A_587 = arith.constant 16 : i32
          %mul3A_588 = arith.muli %scan3A_121, %mul3A_587 : i32
          %add3A_589 = arith.addi %mul3A_588, %scan3A_542 : i32
          %get3A_590 = arith.index_cast %add3A_589 : i32 to index
          %get3A_591 = arith.constant 32 : index
          %get3A_592 = tpu.vector_load %arg21[%get3A_590, %get3A_591] {strides = array<i32>} : memref<128x128xf32, #tpu.memory_space<vmem>>, vector<16xf32>,
          %mul3A_593 = arith.constant 16 : i32
          %mul3A_594 = arith.muli %scan3A_121, %mul3A_593 : i32
          %add3A_595 = arith.addi %mul3A_594, %scan3A_542 : i32
          %get3A_596 = arith.index_cast %add3A_595 : i32 to index
          %get3A_597 = arith.constant 48 : index
          %get3A_598 = tpu.vector_load %arg21[%get3A_596, %get3A_597] {strides = array<i32>} : memref<128x128xf32, #tpu.memory_space<vmem>>, vector<16xf32>,
          %mul3A_599 = arith.constant 16 : i32
          %mul3A_600 = arith.muli %scan3A_121, %mul3A_599 : i32
          %add3A_601 = arith.addi %mul3A_600, %scan3A_542 : i32
          %get3A_602 = arith.index_cast %add3A_601 : i32 to index
          %get3A_603 = arith.constant 64 : index
          %get3A_604 = tpu.vector_load %arg21[%get3A_602, %get3A_603] {strides = array<i32>} : memref<128x128xf32, #tpu.memory_space<vmem>>, vector<16xf32>,
          %mul3A_605 = arith.constant 16 : i32
          %mul3A_606 = arith.muli %scan3A_121, %mul3A_605 : i32
          %add3A_607 = arith.addi %mul3A_606, %scan3A_542 : i32
          %get3A_608 = arith.index_cast %add3A_607 : i32 to index
          %get3A_609 = arith.constant 80 : index
          %get3A_610 = tpu.vector_load %arg21[%get3A_608, %get3A_609] {strides = array<i32>} : memref<128x128xf32, #tpu.memory_space<vmem>>, vector<16xf32>,
          %mul3A_611 = arith.constant 16 : i32
          %mul3A_612 = arith.muli %scan3A_121, %mul3A_611 : i32
          %add3A_613 = arith.addi %mul3A_612, %scan3A_542 : i32
          %get3A_614 = arith.index_cast %add3A_613 : i32 to index
          %get3A_615 = arith.constant 96 : index
          %get3A_616 = tpu.vector_load %arg21[%get3A_614, %get3A_615] {strides = array<i32>} : memref<128x128xf32, #tpu.memory_space<vmem>>, vector<16xf32>,
          %mul3A_617 = arith.constant 16 : i32
          %mul3A_618 = arith.muli %scan3A_121, %mul3A_617 : i32
          %add3A_619 = arith.addi %mul3A_618, %scan3A_542 : i32
          %get3A_620 = arith.index_cast %add3A_619 : i32 to index
          %get3A_621 = arith.constant 112 : index
          %get3A_622 = tpu.vector_load %arg21[%get3A_620, %get3A_621] {strides = array<i32>} : memref<128x128xf32, #tpu.memory_space<vmem>>, vector<16xf32>,
          %add3A_623 = arith.constant 0 : i32
          %add3A_624 = arith.addi %add3A_623, %scan3A_542 : i32
          %broadcast_in_dim3A_625 = vector.broadcast %add3A_624 : i32 to vector<16xi32>
          %gather3A_626 = tpu.vector_load_idx %arg11[%broadcast_in_dim3A_625] : memref<112xf32, #tpu.memory_space<vmem>>[vector<16xi32>], vector<16xf32>,
          %mul3A_627 = arith.mulf %gather3A_626, %get3A_580 : vector<16xf32>
          %add3A_628 = arith.addf %scan3A_543, %mul3A_627 : vector<16xf32>
          %mul3A_629 = arith.mulf %gather3A_626, %get3A_586 : vector<16xf32>
          %add3A_630 = arith.addf %scan3A_544, %mul3A_629 : vector<16xf32>
          %mul3A_631 = arith.mulf %gather3A_626, %get3A_592 : vector<16xf32>
          %add3A_632 = arith.addf %scan3A_545, %mul3A_631 : vector<16xf32>
          %mul3A_633 = arith.mulf %gather3A_626, %get3A_598 : vector<16xf32>
          %add3A_634 = arith.addf %scan3A_546, %mul3A_633 : vector<16xf32>
          %mul3A_635 = arith.mulf %gather3A_626, %get3A_604 : vector<16xf32>
          %add3A_636 = arith.addf %scan3A_547, %mul3A_635 : vector<16xf32>
          %mul3A_637 = arith.mulf %gather3A_626, %get3A_610 : vector<16xf32>
          %add3A_638 = arith.addf %scan3A_548, %mul3A_637 : vector<16xf32>
          %mul3A_639 = arith.mulf %gather3A_626, %get3A_616 : vector<16xf32>
          %add3A_640 = arith.addf %scan3A_549, %mul3A_639 : vector<16xf32>
          %mul3A_641 = arith.mulf %gather3A_626, %get3A_622 : vector<16xf32>
          %add3A_642 = arith.addf %scan3A_550, %mul3A_641 : vector<16xf32>
          %add3A_643 = arith.constant 16 : i32
          %add3A_644 = arith.addi %add3A_643, %scan3A_542 : i32
          %broadcast_in_dim3A_645 = vector.broadcast %add3A_644 : i32 to vector<16xi32>
          %gather3A_646 = tpu.vector_load_idx %arg11[%broadcast_in_dim3A_645] : memref<112xf32, #tpu.memory_space<vmem>>[vector<16xi32>], vector<16xf32>,
          %mul3A_647 = arith.mulf %gather3A_646, %get3A_580 : vector<16xf32>
          %add3A_648 = arith.addf %scan3A_551, %mul3A_647 : vector<16xf32>
          %mul3A_649 = arith.mulf %gather3A_646, %get3A_586 : vector<16xf32>
          %add3A_650 = arith.addf %scan3A_552, %mul3A_649 : vector<16xf32>
          %mul3A_651 = arith.mulf %gather3A_646, %get3A_592 : vector<16xf32>
          %add3A_652 = arith.addf %scan3A_553, %mul3A_651 : vector<16xf32>
          %mul3A_653 = arith.mulf %gather3A_646, %get3A_598 : vector<16xf32>
          %add3A_654 = arith.addf %scan3A_554, %mul3A_653 : vector<16xf32>
          %mul3A_655 = arith.mulf %gather3A_646, %get3A_604 : vector<16xf32>
          %add3A_656 = arith.addf %scan3A_555, %mul3A_655 : vector<16xf32>
          %mul3A_657 = arith.mulf %gather3A_646, %get3A_610 : vector<16xf32>
          %add3A_658 = arith.addf %scan3A_556, %mul3A_657 : vector<16xf32>
          %mul3A_659 = arith.mulf %gather3A_646, %get3A_616 : vector<16xf32>
          %add3A_660 = arith.addf %scan3A_557, %mul3A_659 : vector<16xf32>
          %mul3A_661 = arith.mulf %gather3A_646, %get3A_622 : vector<16xf32>
          %add3A_662 = arith.addf %scan3A_558, %mul3A_661 : vector<16xf32>
          %add3A_663 = arith.constant 32 : i32
          %add3A_664 = arith.addi %add3A_663, %scan3A_542 : i32
          %broadcast_in_dim3A_665 = vector.broadcast %add3A_664 : i32 to vector<16xi32>
          %gather3A_666 = tpu.vector_load_idx %arg11[%broadcast_in_dim3A_665] : memref<112xf32, #tpu.memory_space<vmem>>[vector<16xi32>], vector<16xf32>,
          %mul3A_667 = arith.mulf %gather3A_666, %get3A_580 : vector<16xf32>
          %add3A_668 = arith.addf %scan3A_559, %mul3A_667 : vector<16xf32>
          %mul3A_669 = arith.mulf %gather3A_666, %get3A_586 : vector<16xf32>
          %add3A_670 = arith.addf %scan3A_560, %mul3A_669 : vector<16xf32>
          %mul3A_671 = arith.mulf %gather3A_666, %get3A_592 : vector<16xf32>
          %add3A_672 = arith.addf %scan3A_561, %mul3A_671 : vector<16xf32>
          %mul3A_673 = arith.mulf %gather3A_666, %get3A_598 : vector<16xf32>
          %add3A_674 = arith.addf %scan3A_562, %mul3A_673 : vector<16xf32>
          %mul3A_675 = arith.mulf %gather3A_666, %get3A_604 : vector<16xf32>
          %add3A_676 = arith.addf %scan3A_563, %mul3A_675 : vector<16xf32>
          %mul3A_677 = arith.mulf %gather3A_666, %get3A_610 : vector<16xf32>
          %add3A_678 = arith.addf %scan3A_564, %mul3A_677 : vector<16xf32>
          %mul3A_679 = arith.mulf %gather3A_666, %get3A_616 : vector<16xf32>
          %add3A_680 = arith.addf %scan3A_565, %mul3A_679 : vector<16xf32>
          %mul3A_681 = arith.mulf %gather3A_666, %get3A_622 : vector<16xf32>
          %add3A_682 = arith.addf %scan3A_566, %mul3A_681 : vector<16xf32>
          %add3A_683 = arith.constant 48 : i32
          %add3A_684 = arith.addi %add3A_683, %scan3A_542 : i32
          %broadcast_in_dim3A_685 = vector.broadcast %add3A_684 : i32 to vector<16xi32>
          %gather3A_686 = tpu.vector_load_idx %arg11[%broadcast_in_dim3A_685] : memref<112xf32, #tpu.memory_space<vmem>>[vector<16xi32>], vector<16xf32>,
          %mul3A_687 = arith.mulf %gather3A_686, %get3A_580 : vector<16xf32>
          %add3A_688 = arith.addf %scan3A_567, %mul3A_687 : vector<16xf32>
          %mul3A_689 = arith.mulf %gather3A_686, %get3A_586 : vector<16xf32>
          %add3A_690 = arith.addf %scan3A_568, %mul3A_689 : vector<16xf32>
          %mul3A_691 = arith.mulf %gather3A_686, %get3A_592 : vector<16xf32>
          %add3A_692 = arith.addf %scan3A_569, %mul3A_691 : vector<16xf32>
          %mul3A_693 = arith.mulf %gather3A_686, %get3A_598 : vector<16xf32>
          %add3A_694 = arith.addf %scan3A_570, %mul3A_693 : vector<16xf32>
          %mul3A_695 = arith.mulf %gather3A_686, %get3A_604 : vector<16xf32>
          %add3A_696 = arith.addf %scan3A_571, %mul3A_695 : vector<16xf32>
          %mul3A_697 = arith.mulf %gather3A_686, %get3A_610 : vector<16xf32>
          %add3A_698 = arith.addf %scan3A_572, %mul3A_697 : vector<16xf32>
          %mul3A_699 = arith.mulf %gather3A_686, %get3A_616 : vector<16xf32>
          %add3A_700 = arith.addf %scan3A_573, %mul3A_699 : vector<16xf32>
          %mul3A_701 = arith.mulf %gather3A_686, %get3A_622 : vector<16xf32>
          %add3A_702 = arith.addf %scan3A_574, %mul3A_701 : vector<16xf32>
          scf.yield %add3A_628, %add3A_630, %add3A_632, %add3A_634, %add3A_636, %add3A_638, %add3A_640, %add3A_642, %add3A_648, %add3A_650, %add3A_652, %add3A_654, %add3A_656, %add3A_658, %add3A_660, %add3A_662, %add3A_668, %add3A_670, %add3A_672, %add3A_674, %add3A_676, %add3A_678, %add3A_680, %add3A_682, %add3A_688, %add3A_690, %add3A_692, %add3A_694, %add3A_696, %add3A_698, %add3A_700, %add3A_702 : vector<16xf32>, vector<16xf32>, vector<16xf32>, vector<16xf32>, vector<16xf32>, vector<16xf32>, vector<16xf32>, vector<16xf32>, vector<16xf32>, vector<16xf32>, vector<16xf32>, vector<16xf32>, vector<16xf32>, vector<16xf32>, vector<16xf32>, vector<16xf32>, vector<16xf32>, vector<16xf32>, vector<16xf32>, vector<16xf32>, vector<16xf32>, vector<16xf32>, vector<16xf32>, vector<16xf32>, vector<16xf32>, vector<16xf32>, vector<16xf32>, vector<16xf32>, vector<16xf32>, vector<16xf32>, vector<16xf32>, vector<16xf32>
        }
        %scan3A_318 = arith.constant 16 : i32
        %swap3A_319 = arith.index_cast %scan3A_121 : i32 to index
        %swap3A_320 = arith.constant 0 : index
        %swap3A_321 = tpu.vector_load %arg22[%swap3A_319, %swap3A_320] {strides = array<i32>} : memref<8x896xf32, #tpu.memory_space<vmem>>, vector<16xf32>,
        tpu.vector_store %arg22[%swap3A_319, %swap3A_320], %scan3A_317#0 {strides = array<i32>} : memref<8x896xf32, #tpu.memory_space<vmem>>, vector<16xf32>,
        %swap3A_322 = arith.index_cast %scan3A_121 : i32 to index
        %swap3A_323 = arith.constant 16 : index
        %swap3A_324 = tpu.vector_load %arg22[%swap3A_322, %swap3A_323] {strides = array<i32>} : memref<8x896xf32, #tpu.memory_space<vmem>>, vector<16xf32>,
        tpu.vector_store %arg22[%swap3A_322, %swap3A_323], %scan3A_317#1 {strides = array<i32>} : memref<8x896xf32, #tpu.memory_space<vmem>>, vector<16xf32>,
        %swap3A_325 = arith.index_cast %scan3A_121 : i32 to index
        %swap3A_326 = arith.constant 32 : index
        %swap3A_327 = tpu.vector_load %arg22[%swap3A_325, %swap3A_326] {strides = array<i32>} : memref<8x896xf32, #tpu.memory_space<vmem>>, vector<16xf32>,
        tpu.vector_store %arg22[%swap3A_325, %swap3A_326], %scan3A_317#2 {strides = array<i32>} : memref<8x896xf32, #tpu.memory_space<vmem>>, vector<16xf32>,
        %swap3A_328 = arith.index_cast %scan3A_121 : i32 to index
        %swap3A_329 = arith.constant 48 : index
        %swap3A_330 = tpu.vector_load %arg22[%swap3A_328, %swap3A_329] {strides = array<i32>} : memref<8x896xf32, #tpu.memory_space<vmem>>, vector<16xf32>,
        tpu.vector_store %arg22[%swap3A_328, %swap3A_329], %scan3A_317#3 {strides = array<i32>} : memref<8x896xf32, #tpu.memory_space<vmem>>, vector<16xf32>,
        %swap3A_331 = arith.index_cast %scan3A_121 : i32 to index
        %swap3A_332 = arith.constant 64 : index
        %swap3A_333 = tpu.vector_load %arg22[%swap3A_331, %swap3A_332] {strides = array<i32>} : memref<8x896xf32, #tpu.memory_space<vmem>>, vector<16xf32>,
        tpu.vector_store %arg22[%swap3A_331, %swap3A_332], %scan3A_317#4 {strides = array<i32>} : memref<8x896xf32, #tpu.memory_space<vmem>>, vector<16xf32>,
        %swap3A_334 = arith.index_cast %scan3A_121 : i32 to index
        %swap3A_335 = arith.constant 80 : index
        %swap3A_336 = tpu.vector_load %arg22[%swap3A_334, %swap3A_335] {strides = array<i32>} : memref<8x896xf32, #tpu.memory_space<vmem>>, vector<16xf32>,
        tpu.vector_store %arg22[%swap3A_334, %swap3A_335], %scan3A_317#5 {strides = array<i32>} : memref<8x896xf32, #tpu.memory_space<vmem>>, vector<16xf32>,
        %swap3A_337 = arith.index_cast %scan3A_121 : i32 to index
        %swap3A_338 = arith.constant 96 : index
        %swap3A_339 = tpu.vector_load %arg22[%swap3A_337, %swap3A_338] {strides = array<i32>} : memref<8x896xf32, #tpu.memory_space<vmem>>, vector<16xf32>,
        tpu.vector_store %arg22[%swap3A_337, %swap3A_338], %scan3A_317#6 {strides = array<i32>} : memref<8x896xf32, #tpu.memory_space<vmem>>, vector<16xf32>,
        %swap3A_340 = arith.index_cast %scan3A_121 : i32 to index
        %swap3A_341 = arith.constant 112 : index
        %swap3A_342 = tpu.vector_load %arg22[%swap3A_340, %swap3A_341] {strides = array<i32>} : memref<8x896xf32, #tpu.memory_space<vmem>>, vector<16xf32>,
        tpu.vector_store %arg22[%swap3A_340, %swap3A_341], %scan3A_317#7 {strides = array<i32>} : memref<8x896xf32, #tpu.memory_space<vmem>>, vector<16xf32>,
        %swap3A_343 = arith.index_cast %scan3A_121 : i32 to index
        %swap3A_344 = arith.constant 128 : index
        %swap3A_345 = tpu.vector_load %arg22[%swap3A_343, %swap3A_344] {strides = array<i32>} : memref<8x896xf32, #tpu.memory_space<vmem>>, vector<16xf32>,
        tpu.vector_store %arg22[%swap3A_343, %swap3A_344], %scan3A_317#8 {strides = array<i32>} : memref<8x896xf32, #tpu.memory_space<vmem>>, vector<16xf32>,
        %swap3A_346 = arith.index_cast %scan3A_121 : i32 to index
        %swap3A_347 = arith.constant 144 : index
        %swap3A_348 = tpu.vector_load %arg22[%swap3A_346, %swap3A_347] {strides = array<i32>} : memref<8x896xf32, #tpu.memory_space<vmem>>, vector<16xf32>,
        tpu.vector_store %arg22[%swap3A_346, %swap3A_347], %scan3A_317#9 {strides = array<i32>} : memref<8x896xf32, #tpu.memory_space<vmem>>, vector<16xf32>,
        %swap3A_349 = arith.index_cast %scan3A_121 : i32 to index
        %swap3A_350 = arith.constant 160 : index
        %swap3A_351 = tpu.vector_load %arg22[%swap3A_349, %swap3A_350] {strides = array<i32>} : memref<8x896xf32, #tpu.memory_space<vmem>>, vector<16xf32>,
        tpu.vector_store %arg22[%swap3A_349, %swap3A_350], %scan3A_317#10 {strides = array<i32>} : memref<8x896xf32, #tpu.memory_space<vmem>>, vector<16xf32>,
        %swap3A_352 = arith.index_cast %scan3A_121 : i32 to index
        %swap3A_353 = arith.constant 176 : index
        %swap3A_354 = tpu.vector_load %arg22[%swap3A_352, %swap3A_353] {strides = array<i32>} : memref<8x896xf32, #tpu.memory_space<vmem>>, vector<16xf32>,
        tpu.vector_store %arg22[%swap3A_352, %swap3A_353], %scan3A_317#11 {strides = array<i32>} : memref<8x896xf32, #tpu.memory_space<vmem>>, vector<16xf32>,
        %swap3A_355 = arith.index_cast %scan3A_121 : i32 to index
        %swap3A_356 = arith.constant 192 : index
        %swap3A_357 = tpu.vector_load %arg22[%swap3A_355, %swap3A_356] {strides = array<i32>} : memref<8x896xf32, #tpu.memory_space<vmem>>, vector<16xf32>,
        tpu.vector_store %arg22[%swap3A_355, %swap3A_356], %scan3A_317#12 {strides = array<i32>} : memref<8x896xf32, #tpu.memory_space<vmem>>, vector<16xf32>,
        %swap3A_358 = arith.index_cast %scan3A_121 : i32 to index
        %swap3A_359 = arith.constant 208 : index
        %swap3A_360 = tpu.vector_load %arg22[%swap3A_358, %swap3A_359] {strides = array<i32>} : memref<8x896xf32, #tpu.memory_space<vmem>>, vector<16xf32>,
        tpu.vector_store %arg22[%swap3A_358, %swap3A_359], %scan3A_317#13 {strides = array<i32>} : memref<8x896xf32, #tpu.memory_space<vmem>>, vector<16xf32>,
        %swap3A_361 = arith.index_cast %scan3A_121 : i32 to index
        %swap3A_362 = arith.constant 224 : index
        %swap3A_363 = tpu.vector_load %arg22[%swap3A_361, %swap3A_362] {strides = array<i32>} : memref<8x896xf32, #tpu.memory_space<vmem>>, vector<16xf32>,
        tpu.vector_store %arg22[%swap3A_361, %swap3A_362], %scan3A_317#14 {strides = array<i32>} : memref<8x896xf32, #tpu.memory_space<vmem>>, vector<16xf32>,
        %swap3A_364 = arith.index_cast %scan3A_121 : i32 to index
        %swap3A_365 = arith.constant 240 : index
        %swap3A_366 = tpu.vector_load %arg22[%swap3A_364, %swap3A_365] {strides = array<i32>} : memref<8x896xf32, #tpu.memory_space<vmem>>, vector<16xf32>,
        tpu.vector_store %arg22[%swap3A_364, %swap3A_365], %scan3A_317#15 {strides = array<i32>} : memref<8x896xf32, #tpu.memory_space<vmem>>, vector<16xf32>,
        %swap3A_367 = arith.index_cast %scan3A_121 : i32 to index
        %swap3A_368 = arith.constant 256 : index
        %swap3A_369 = tpu.vector_load %arg22[%swap3A_367, %swap3A_368] {strides = array<i32>} : memref<8x896xf32, #tpu.memory_space<vmem>>, vector<16xf32>,
        tpu.vector_store %arg22[%swap3A_367, %swap3A_368], %scan3A_317#16 {strides = array<i32>} : memref<8x896xf32, #tpu.memory_space<vmem>>, vector<16xf32>,
        %swap3A_370 = arith.index_cast %scan3A_121 : i32 to index
        %swap3A_371 = arith.constant 272 : index
        %swap3A_372 = tpu.vector_load %arg22[%swap3A_370, %swap3A_371] {strides = array<i32>} : memref<8x896xf32, #tpu.memory_space<vmem>>, vector<16xf32>,
        tpu.vector_store %arg22[%swap3A_370, %swap3A_371], %scan3A_317#17 {strides = array<i32>} : memref<8x896xf32, #tpu.memory_space<vmem>>, vector<16xf32>,
        %swap3A_373 = arith.index_cast %scan3A_121 : i32 to index
        %swap3A_374 = arith.constant 288 : index
        %swap3A_375 = tpu.vector_load %arg22[%swap3A_373, %swap3A_374] {strides = array<i32>} : memref<8x896xf32, #tpu.memory_space<vmem>>, vector<16xf32>,
        tpu.vector_store %arg22[%swap3A_373, %swap3A_374], %scan3A_317#18 {strides = array<i32>} : memref<8x896xf32, #tpu.memory_space<vmem>>, vector<16xf32>,
        %swap3A_376 = arith.index_cast %scan3A_121 : i32 to index
        %swap3A_377 = arith.constant 304 : index
        %swap3A_378 = tpu.vector_load %arg22[%swap3A_376, %swap3A_377] {strides = array<i32>} : memref<8x896xf32, #tpu.memory_space<vmem>>, vector<16xf32>,
        tpu.vector_store %arg22[%swap3A_376, %swap3A_377], %scan3A_317#19 {strides = array<i32>} : memref<8x896xf32, #tpu.memory_space<vmem>>, vector<16xf32>,
        %swap3A_379 = arith.index_cast %scan3A_121 : i32 to index
        %swap3A_380 = arith.constant 320 : index
        %swap3A_381 = tpu.vector_load %arg22[%swap3A_379, %swap3A_380] {strides = array<i32>} : memref<8x896xf32, #tpu.memory_space<vmem>>, vector<16xf32>,
        tpu.vector_store %arg22[%swap3A_379, %swap3A_380], %scan3A_317#20 {strides = array<i32>} : memref<8x896xf32, #tpu.memory_space<vmem>>, vector<16xf32>,
        %swap3A_382 = arith.index_cast %scan3A_121 : i32 to index
        %swap3A_383 = arith.constant 336 : index
        %swap3A_384 = tpu.vector_load %arg22[%swap3A_382, %swap3A_383] {strides = array<i32>} : memref<8x896xf32, #tpu.memory_space<vmem>>, vector<16xf32>,
        tpu.vector_store %arg22[%swap3A_382, %swap3A_383], %scan3A_317#21 {strides = array<i32>} : memref<8x896xf32, #tpu.memory_space<vmem>>, vector<16xf32>,
        %swap3A_385 = arith.index_cast %scan3A_121 : i32 to index
        %swap3A_386 = arith.constant 352 : index
        %swap3A_387 = tpu.vector_load %arg22[%swap3A_385, %swap3A_386] {strides = array<i32>} : memref<8x896xf32, #tpu.memory_space<vmem>>, vector<16xf32>,
        tpu.vector_store %arg22[%swap3A_385, %swap3A_386], %scan3A_317#22 {strides = array<i32>} : memref<8x896xf32, #tpu.memory_space<vmem>>, vector<16xf32>,
        %swap3A_388 = arith.index_cast %scan3A_121 : i32 to index
        %swap3A_389 = arith.constant 368 : index
        %swap3A_390 = tpu.vector_load %arg22[%swap3A_388, %swap3A_389] {strides = array<i32>} : memref<8x896xf32, #tpu.memory_space<vmem>>, vector<16xf32>,
        tpu.vector_store %arg22[%swap3A_388, %swap3A_389], %scan3A_317#23 {strides = array<i32>} : memref<8x896xf32, #tpu.memory_space<vmem>>, vector<16xf32>,
        %swap3A_391 = arith.index_cast %scan3A_121 : i32 to index
        %swap3A_392 = arith.constant 384 : index
        %swap3A_393 = tpu.vector_load %arg22[%swap3A_391, %swap3A_392] {strides = array<i32>} : memref<8x896xf32, #tpu.memory_space<vmem>>, vector<16xf32>,
        tpu.vector_store %arg22[%swap3A_391, %swap3A_392], %scan3A_317#24 {strides = array<i32>} : memref<8x896xf32, #tpu.memory_space<vmem>>, vector<16xf32>,
        %swap3A_394 = arith.index_cast %scan3A_121 : i32 to index
        %swap3A_395 = arith.constant 400 : index
        %swap3A_396 = tpu.vector_load %arg22[%swap3A_394, %swap3A_395] {strides = array<i32>} : memref<8x896xf32, #tpu.memory_space<vmem>>, vector<16xf32>,
        tpu.vector_store %arg22[%swap3A_394, %swap3A_395], %scan3A_317#25 {strides = array<i32>} : memref<8x896xf32, #tpu.memory_space<vmem>>, vector<16xf32>,
        %swap3A_397 = arith.index_cast %scan3A_121 : i32 to index
        %swap3A_398 = arith.constant 416 : index
        %swap3A_399 = tpu.vector_load %arg22[%swap3A_397, %swap3A_398] {strides = array<i32>} : memref<8x896xf32, #tpu.memory_space<vmem>>, vector<16xf32>,
        tpu.vector_store %arg22[%swap3A_397, %swap3A_398], %scan3A_317#26 {strides = array<i32>} : memref<8x896xf32, #tpu.memory_space<vmem>>, vector<16xf32>,
        %swap3A_400 = arith.index_cast %scan3A_121 : i32 to index
        %swap3A_401 = arith.constant 432 : index
        %swap3A_402 = tpu.vector_load %arg22[%swap3A_400, %swap3A_401] {strides = array<i32>} : memref<8x896xf32, #tpu.memory_space<vmem>>, vector<16xf32>,
        tpu.vector_store %arg22[%swap3A_400, %swap3A_401], %scan3A_317#27 {strides = array<i32>} : memref<8x896xf32, #tpu.memory_space<vmem>>, vector<16xf32>,
        %swap3A_403 = arith.index_cast %scan3A_121 : i32 to index
        %swap3A_404 = arith.constant 448 : index
        %swap3A_405 = tpu.vector_load %arg22[%swap3A_403, %swap3A_404] {strides = array<i32>} : memref<8x896xf32, #tpu.memory_space<vmem>>, vector<16xf32>,
        tpu.vector_store %arg22[%swap3A_403, %swap3A_404], %scan3A_317#28 {strides = array<i32>} : memref<8x896xf32, #tpu.memory_space<vmem>>, vector<16xf32>,
        %swap3A_406 = arith.index_cast %scan3A_121 : i32 to index
        %swap3A_407 = arith.constant 464 : index
        %swap3A_408 = tpu.vector_load %arg22[%swap3A_406, %swap3A_407] {strides = array<i32>} : memref<8x896xf32, #tpu.memory_space<vmem>>, vector<16xf32>,
        tpu.vector_store %arg22[%swap3A_406, %swap3A_407], %scan3A_317#29 {strides = array<i32>} : memref<8x896xf32, #tpu.memory_space<vmem>>, vector<16xf32>,
        %swap3A_409 = arith.index_cast %scan3A_121 : i32 to index
        %swap3A_410 = arith.constant 480 : index
        %swap3A_411 = tpu.vector_load %arg22[%swap3A_409, %swap3A_410] {strides = array<i32>} : memref<8x896xf32, #tpu.memory_space<vmem>>, vector<16xf32>,
        tpu.vector_store %arg22[%swap3A_409, %swap3A_410], %scan3A_317#30 {strides = array<i32>} : memref<8x896xf32, #tpu.memory_space<vmem>>, vector<16xf32>,
        %swap3A_412 = arith.index_cast %scan3A_121 : i32 to index
        %swap3A_413 = arith.constant 496 : index
        %swap3A_414 = tpu.vector_load %arg22[%swap3A_412, %swap3A_413] {strides = array<i32>} : memref<8x896xf32, #tpu.memory_space<vmem>>, vector<16xf32>,
        tpu.vector_store %arg22[%swap3A_412, %swap3A_413], %scan3A_317#31 {strides = array<i32>} : memref<8x896xf32, #tpu.memory_space<vmem>>, vector<16xf32>,
        %broadcast_in_dim3A_415 = arith.constant 0.000000e+00 : f32
        %broadcast_in_dim3A_416 = vector.broadcast %broadcast_in_dim3A_415 : f32 to vector<16xf32>
        %broadcast_in_dim3A_417 = arith.constant 0.000000e+00 : f32
        %broadcast_in_dim3A_418 = vector.broadcast %broadcast_in_dim3A_417 : f32 to vector<16xf32>
        %broadcast_in_dim3A_419 = arith.constant 0.000000e+00 : f32
        %broadcast_in_dim3A_420 = vector.broadcast %broadcast_in_dim3A_419 : f32 to vector<16xf32>
        %broadcast_in_dim3A_421 = arith.constant 0.000000e+00 : f32
        %broadcast_in_dim3A_422 = vector.broadcast %broadcast_in_dim3A_421 : f32 to vector<16xf32>
        %broadcast_in_dim3A_423 = arith.constant 0.000000e+00 : f32
        %broadcast_in_dim3A_424 = vector.broadcast %broadcast_in_dim3A_423 : f32 to vector<16xf32>
        %broadcast_in_dim3A_425 = arith.constant 0.000000e+00 : f32
        %broadcast_in_dim3A_426 = vector.broadcast %broadcast_in_dim3A_425 : f32 to vector<16xf32>
        %broadcast_in_dim3A_427 = arith.constant 0.000000e+00 : f32
        %broadcast_in_dim3A_428 = vector.broadcast %broadcast_in_dim3A_427 : f32 to vector<16xf32>
        %broadcast_in_dim3A_429 = arith.constant 0.000000e+00 : f32
        %broadcast_in_dim3A_430 = vector.broadcast %broadcast_in_dim3A_429 : f32 to vector<16xf32>
        %broadcast_in_dim3A_431 = arith.constant 0.000000e+00 : f32
        %broadcast_in_dim3A_432 = vector.broadcast %broadcast_in_dim3A_431 : f32 to vector<16xf32>
        %broadcast_in_dim3A_433 = arith.constant 0.000000e+00 : f32
        %broadcast_in_dim3A_434 = vector.broadcast %broadcast_in_dim3A_433 : f32 to vector<16xf32>
        %broadcast_in_dim3A_435 = arith.constant 0.000000e+00 : f32
        %broadcast_in_dim3A_436 = vector.broadcast %broadcast_in_dim3A_435 : f32 to vector<16xf32>
        %broadcast_in_dim3A_437 = arith.constant 0.000000e+00 : f32
        %broadcast_in_dim3A_438 = vector.broadcast %broadcast_in_dim3A_437 : f32 to vector<16xf32>
        %broadcast_in_dim3A_439 = arith.constant 0.000000e+00 : f32
        %broadcast_in_dim3A_440 = vector.broadcast %broadcast_in_dim3A_439 : f32 to vector<16xf32>
        %broadcast_in_dim3A_441 = arith.constant 0.000000e+00 : f32
        %broadcast_in_dim3A_442 = vector.broadcast %broadcast_in_dim3A_441 : f32 to vector<16xf32>
        %broadcast_in_dim3A_443 = arith.constant 0.000000e+00 : f32
        %broadcast_in_dim3A_444 = vector.broadcast %broadcast_in_dim3A_443 : f32 to vector<16xf32>
        %broadcast_in_dim3A_445 = arith.constant 0.000000e+00 : f32
        %broadcast_in_dim3A_446 = vector.broadcast %broadcast_in_dim3A_445 : f32 to vector<16xf32>
        %broadcast_in_dim3A_447 = arith.constant 0.000000e+00 : f32
        %broadcast_in_dim3A_448 = vector.broadcast %broadcast_in_dim3A_447 : f32 to vector<16xf32>
        %broadcast_in_dim3A_449 = arith.constant 0.000000e+00 : f32
        %broadcast_in_dim3A_450 = vector.broadcast %broadcast_in_dim3A_449 : f32 to vector<16xf32>
        %broadcast_in_dim3A_451 = arith.constant 0.000000e+00 : f32
        %broadcast_in_dim3A_452 = vector.broadcast %broadcast_in_dim3A_451 : f32 to vector<16xf32>
        %broadcast_in_dim3A_453 = arith.constant 0.000000e+00 : f32
        %broadcast_in_dim3A_454 = vector.broadcast %broadcast_in_dim3A_453 : f32 to vector<16xf32>
        %broadcast_in_dim3A_455 = arith.constant 0.000000e+00 : f32
        %broadcast_in_dim3A_456 = vector.broadcast %broadcast_in_dim3A_455 : f32 to vector<16xf32>
        %broadcast_in_dim3A_457 = arith.constant 0.000000e+00 : f32
        %broadcast_in_dim3A_458 = vector.broadcast %broadcast_in_dim3A_457 : f32 to vector<16xf32>
        %broadcast_in_dim3A_459 = arith.constant 0.000000e+00 : f32
        %broadcast_in_dim3A_460 = vector.broadcast %broadcast_in_dim3A_459 : f32 to vector<16xf32>
        %broadcast_in_dim3A_461 = arith.constant 0.000000e+00 : f32
        %broadcast_in_dim3A_462 = vector.broadcast %broadcast_in_dim3A_461 : f32 to vector<16xf32>
        %scan3A_463 = arith.constant 0 : i32
        %scan3A_464 = arith.constant 16 : i32
        %scan3A_465 = arith.addi %scan3A_463, %scan3A_464 : i32
        %scan3A_466 = arith.constant 1 : i32
        %scan3A_467:24 = scf.for %scan3A_542 = %scan3A_463 to %scan3A_465 step %scan3A_466 iter_args(%scan3A_543 = %broadcast_in_dim3A_416, %scan3A_544 = %broadcast_in_dim3A_418, %scan3A_545 = %broadcast_in_dim3A_420, %scan3A_546 = %broadcast_in_dim3A_422, %scan3A_547 = %broadcast_in_dim3A_424, %scan3A_548 = %broadcast_in_dim3A_426, %scan3A_549 = %broadcast_in_dim3A_428, %scan3A_550 = %broadcast_in_dim3A_430, %scan3A_551 = %broadcast_in_dim3A_432, %scan3A_552 = %broadcast_in_dim3A_434, %scan3A_553 = %broadcast_in_dim3A_436, %scan3A_554 = %broadcast_in_dim3A_438, %scan3A_555 = %broadcast_in_dim3A_440, %scan3A_556 = %broadcast_in_dim3A_442, %scan3A_557 = %broadcast_in_dim3A_444, %scan3A_558 = %broadcast_in_dim3A_446, %scan3A_559 = %broadcast_in_dim3A_448, %scan3A_560 = %broadcast_in_dim3A_450, %scan3A_561 = %broadcast_in_dim3A_452, %scan3A_562 = %broadcast_in_dim3A_454, %scan3A_563 = %broadcast_in_dim3A_456, %scan3A_564 = %broadcast_in_dim3A_458, %scan3A_565 = %broadcast_in_dim3A_460, %scan3A_566 = %broadcast_in_dim3A_462) -> (vector<16xf32>, vector<16xf32>, vector<16xf32>, vector<16xf32>, vector<16xf32>, vector<16xf32>, vector<16xf32>, vector<16xf32>, vector<16xf32>, vector<16xf32>, vector<16xf32>, vector<16xf32>, vector<16xf32>, vector<16xf32>, vector<16xf32>, vector<16xf32>, vector<16xf32>, vector<16xf32>, vector<16xf32>, vector<16xf32>, vector<16xf32>, vector<16xf32>, vector<16xf32>, vector<16xf32>)  : i32 {
          %mul3A_567 = arith.constant 16 : i32
          %mul3A_568 = arith.muli %scan3A_121, %mul3A_567 : i32
          %add3A_569 = arith.addi %mul3A_568, %scan3A_542 : i32
          %get3A_570 = arith.index_cast %add3A_569 : i32 to index
          %get3A_571 = arith.constant 0 : index
          %get3A_572 = tpu.vector_load %arg21[%get3A_570, %get3A_571] {strides = array<i32>} : memref<128x128xf32, #tpu.memory_space<vmem>>, vector<16xf32>,
          %mul3A_573 = arith.constant 16 : i32
          %mul3A_574 = arith.muli %scan3A_121, %mul3A_573 : i32
          %add3A_575 = arith.addi %mul3A_574, %scan3A_542 : i32
          %get3A_576 = arith.index_cast %add3A_575 : i32 to index
          %get3A_577 = arith.constant 16 : index
          %get3A_578 = tpu.vector_load %arg21[%get3A_576, %get3A_577] {strides = array<i32>} : memref<128x128xf32, #tpu.memory_space<vmem>>, vector<16xf32>,
          %mul3A_579 = arith.constant 16 : i32
          %mul3A_580 = arith.muli %scan3A_121, %mul3A_579 : i32
          %add3A_581 = arith.addi %mul3A_580, %scan3A_542 : i32
          %get3A_582 = arith.index_cast %add3A_581 : i32 to index
          %get3A_583 = arith.constant 32 : index
          %get3A_584 = tpu.vector_load %arg21[%get3A_582, %get3A_583] {strides = array<i32>} : memref<128x128xf32, #tpu.memory_space<vmem>>, vector<16xf32>,
          %mul3A_585 = arith.constant 16 : i32
          %mul3A_586 = arith.muli %scan3A_121, %mul3A_585 : i32
          %add3A_587 = arith.addi %mul3A_586, %scan3A_542 : i32
          %get3A_588 = arith.index_cast %add3A_587 : i32 to index
          %get3A_589 = arith.constant 48 : index
          %get3A_590 = tpu.vector_load %arg21[%get3A_588, %get3A_589] {strides = array<i32>} : memref<128x128xf32, #tpu.memory_space<vmem>>, vector<16xf32>,
          %mul3A_591 = arith.constant 16 : i32
          %mul3A_592 = arith.muli %scan3A_121, %mul3A_591 : i32
          %add3A_593 = arith.addi %mul3A_592, %scan3A_542 : i32
          %get3A_594 = arith.index_cast %add3A_593 : i32 to index
          %get3A_595 = arith.constant 64 : index
          %get3A_596 = tpu.vector_load %arg21[%get3A_594, %get3A_595] {strides = array<i32>} : memref<128x128xf32, #tpu.memory_space<vmem>>, vector<16xf32>,
          %mul3A_597 = arith.constant 16 : i32
          %mul3A_598 = arith.muli %scan3A_121, %mul3A_597 : i32
          %add3A_599 = arith.addi %mul3A_598, %scan3A_542 : i32
          %get3A_600 = arith.index_cast %add3A_599 : i32 to index
          %get3A_601 = arith.constant 80 : index
          %get3A_602 = tpu.vector_load %arg21[%get3A_600, %get3A_601] {strides = array<i32>} : memref<128x128xf32, #tpu.memory_space<vmem>>, vector<16xf32>,
          %mul3A_603 = arith.constant 16 : i32
          %mul3A_604 = arith.muli %scan3A_121, %mul3A_603 : i32
          %add3A_605 = arith.addi %mul3A_604, %scan3A_542 : i32
          %get3A_606 = arith.index_cast %add3A_605 : i32 to index
          %get3A_607 = arith.constant 96 : index
          %get3A_608 = tpu.vector_load %arg21[%get3A_606, %get3A_607] {strides = array<i32>} : memref<128x128xf32, #tpu.memory_space<vmem>>, vector<16xf32>,
          %mul3A_609 = arith.constant 16 : i32
          %mul3A_610 = arith.muli %scan3A_121, %mul3A_609 : i32
          %add3A_611 = arith.addi %mul3A_610, %scan3A_542 : i32
          %get3A_612 = arith.index_cast %add3A_611 : i32 to index
          %get3A_613 = arith.constant 112 : index
          %get3A_614 = tpu.vector_load %arg21[%get3A_612, %get3A_613] {strides = array<i32>} : memref<128x128xf32, #tpu.memory_space<vmem>>, vector<16xf32>,
          %add3A_615 = arith.constant 64 : i32
          %add3A_616 = arith.addi %add3A_615, %scan3A_542 : i32
          %broadcast_in_dim3A_617 = vector.broadcast %add3A_616 : i32 to vector<16xi32>
          %gather3A_618 = tpu.vector_load_idx %arg11[%broadcast_in_dim3A_617] : memref<112xf32, #tpu.memory_space<vmem>>[vector<16xi32>], vector<16xf32>,
          %mul3A_619 = arith.mulf %gather3A_618, %get3A_572 : vector<16xf32>
          %add3A_620 = arith.addf %scan3A_543, %mul3A_619 : vector<16xf32>
          %mul3A_621 = arith.mulf %gather3A_618, %get3A_578 : vector<16xf32>
          %add3A_622 = arith.addf %scan3A_544, %mul3A_621 : vector<16xf32>
          %mul3A_623 = arith.mulf %gather3A_618, %get3A_584 : vector<16xf32>
          %add3A_624 = arith.addf %scan3A_545, %mul3A_623 : vector<16xf32>
          %mul3A_625 = arith.mulf %gather3A_618, %get3A_590 : vector<16xf32>
          %add3A_626 = arith.addf %scan3A_546, %mul3A_625 : vector<16xf32>
          %mul3A_627 = arith.mulf %gather3A_618, %get3A_596 : vector<16xf32>
          %add3A_628 = arith.addf %scan3A_547, %mul3A_627 : vector<16xf32>
          %mul3A_629 = arith.mulf %gather3A_618, %get3A_602 : vector<16xf32>
          %add3A_630 = arith.addf %scan3A_548, %mul3A_629 : vector<16xf32>
          %mul3A_631 = arith.mulf %gather3A_618, %get3A_608 : vector<16xf32>
          %add3A_632 = arith.addf %scan3A_549, %mul3A_631 : vector<16xf32>
          %mul3A_633 = arith.mulf %gather3A_618, %get3A_614 : vector<16xf32>
          %add3A_634 = arith.addf %scan3A_550, %mul3A_633 : vector<16xf32>
          %add3A_635 = arith.constant 80 : i32
          %add3A_636 = arith.addi %add3A_635, %scan3A_542 : i32
          %broadcast_in_dim3A_637 = vector.broadcast %add3A_636 : i32 to vector<16xi32>
          %gather3A_638 = tpu.vector_load_idx %arg11[%broadcast_in_dim3A_637] : memref<112xf32, #tpu.memory_space<vmem>>[vector<16xi32>], vector<16xf32>,
          %mul3A_639 = arith.mulf %gather3A_638, %get3A_572 : vector<16xf32>
          %add3A_640 = arith.addf %scan3A_551, %mul3A_639 : vector<16xf32>
          %mul3A_641 = arith.mulf %gather3A_638, %get3A_578 : vector<16xf32>
          %add3A_642 = arith.addf %scan3A_552, %mul3A_641 : vector<16xf32>
          %mul3A_643 = arith.mulf %gather3A_638, %get3A_584 : vector<16xf32>
          %add3A_644 = arith.addf %scan3A_553, %mul3A_643 : vector<16xf32>
          %mul3A_645 = arith.mulf %gather3A_638, %get3A_590 : vector<16xf32>
          %add3A_646 = arith.addf %scan3A_554, %mul3A_645 : vector<16xf32>
          %mul3A_647 = arith.mulf %gather3A_638, %get3A_596 : vector<16xf32>
          %add3A_648 = arith.addf %scan3A_555, %mul3A_647 : vector<16xf32>
          %mul3A_649 = arith.mulf %gather3A_638, %get3A_602 : vector<16xf32>
          %add3A_650 = arith.addf %scan3A_556, %mul3A_649 : vector<16xf32>
          %mul3A_651 = arith.mulf %gather3A_638, %get3A_608 : vector<16xf32>
          %add3A_652 = arith.addf %scan3A_557, %mul3A_651 : vector<16xf32>
          %mul3A_653 = arith.mulf %gather3A_638, %get3A_614 : vector<16xf32>
          %add3A_654 = arith.addf %scan3A_558, %mul3A_653 : vector<16xf32>
          %add3A_655 = arith.constant 96 : i32
          %add3A_656 = arith.addi %add3A_655, %scan3A_542 : i32
          %broadcast_in_dim3A_657 = vector.broadcast %add3A_656 : i32 to vector<16xi32>
          %gather3A_658 = tpu.vector_load_idx %arg11[%broadcast_in_dim3A_657] : memref<112xf32, #tpu.memory_space<vmem>>[vector<16xi32>], vector<16xf32>,
          %mul3A_659 = arith.mulf %gather3A_658, %get3A_572 : vector<16xf32>
          %add3A_660 = arith.addf %scan3A_559, %mul3A_659 : vector<16xf32>
          %mul3A_661 = arith.mulf %gather3A_658, %get3A_578 : vector<16xf32>
          %add3A_662 = arith.addf %scan3A_560, %mul3A_661 : vector<16xf32>
          %mul3A_663 = arith.mulf %gather3A_658, %get3A_584 : vector<16xf32>
          %add3A_664 = arith.addf %scan3A_561, %mul3A_663 : vector<16xf32>
          %mul3A_665 = arith.mulf %gather3A_658, %get3A_590 : vector<16xf32>
          %add3A_666 = arith.addf %scan3A_562, %mul3A_665 : vector<16xf32>
          %mul3A_667 = arith.mulf %gather3A_658, %get3A_596 : vector<16xf32>
          %add3A_668 = arith.addf %scan3A_563, %mul3A_667 : vector<16xf32>
          %mul3A_669 = arith.mulf %gather3A_658, %get3A_602 : vector<16xf32>
          %add3A_670 = arith.addf %scan3A_564, %mul3A_669 : vector<16xf32>
          %mul3A_671 = arith.mulf %gather3A_658, %get3A_608 : vector<16xf32>
          %add3A_672 = arith.addf %scan3A_565, %mul3A_671 : vector<16xf32>
          %mul3A_673 = arith.mulf %gather3A_658, %get3A_614 : vector<16xf32>
          %add3A_674 = arith.addf %scan3A_566, %mul3A_673 : vector<16xf32>
          scf.yield %add3A_620, %add3A_622, %add3A_624, %add3A_626, %add3A_628, %add3A_630, %add3A_632, %add3A_634, %add3A_640, %add3A_642, %add3A_644, %add3A_646, %add3A_648, %add3A_650, %add3A_652, %add3A_654, %add3A_660, %add3A_662, %add3A_664, %add3A_666, %add3A_668, %add3A_670, %add3A_672, %add3A_674 : vector<16xf32>, vector<16xf32>, vector<16xf32>, vector<16xf32>, vector<16xf32>, vector<16xf32>, vector<16xf32>, vector<16xf32>, vector<16xf32>, vector<16xf32>, vector<16xf32>, vector<16xf32>, vector<16xf32>, vector<16xf32>, vector<16xf32>, vector<16xf32>, vector<16xf32>, vector<16xf32>, vector<16xf32>, vector<16xf32>, vector<16xf32>, vector<16xf32>, vector<16xf32>, vector<16xf32>
        }
        %scan3A_468 = arith.constant 16 : i32
        %swap3A_469 = arith.index_cast %scan3A_121 : i32 to index
        %swap3A_470 = arith.constant 512 : index
        %swap3A_471 = tpu.vector_load %arg22[%swap3A_469, %swap3A_470] {strides = array<i32>} : memref<8x896xf32, #tpu.memory_space<vmem>>, vector<16xf32>,
        tpu.vector_store %arg22[%swap3A_469, %swap3A_470], %scan3A_467#0 {strides = array<i32>} : memref<8x896xf32, #tpu.memory_space<vmem>>, vector<16xf32>,
        %swap3A_472 = arith.index_cast %scan3A_121 : i32 to index
        %swap3A_473 = arith.constant 528 : index
        %swap3A_474 = tpu.vector_load %arg22[%swap3A_472, %swap3A_473] {strides = array<i32>} : memref<8x896xf32, #tpu.memory_space<vmem>>, vector<16xf32>,
        tpu.vector_store %arg22[%swap3A_472, %swap3A_473], %scan3A_467#1 {strides = array<i32>} : memref<8x896xf32, #tpu.memory_space<vmem>>, vector<16xf32>,
        %swap3A_475 = arith.index_cast %scan3A_121 : i32 to index
        %swap3A_476 = arith.constant 544 : index
        %swap3A_477 = tpu.vector_load %arg22[%swap3A_475, %swap3A_476] {strides = array<i32>} : memref<8x896xf32, #tpu.memory_space<vmem>>, vector<16xf32>,
        tpu.vector_store %arg22[%swap3A_475, %swap3A_476], %scan3A_467#2 {strides = array<i32>} : memref<8x896xf32, #tpu.memory_space<vmem>>, vector<16xf32>,
        %swap3A_478 = arith.index_cast %scan3A_121 : i32 to index
        %swap3A_479 = arith.constant 560 : index
        %swap3A_480 = tpu.vector_load %arg22[%swap3A_478, %swap3A_479] {strides = array<i32>} : memref<8x896xf32, #tpu.memory_space<vmem>>, vector<16xf32>,
        tpu.vector_store %arg22[%swap3A_478, %swap3A_479], %scan3A_467#3 {strides = array<i32>} : memref<8x896xf32, #tpu.memory_space<vmem>>, vector<16xf32>,
        %swap3A_481 = arith.index_cast %scan3A_121 : i32 to index
        %swap3A_482 = arith.constant 576 : index
        %swap3A_483 = tpu.vector_load %arg22[%swap3A_481, %swap3A_482] {strides = array<i32>} : memref<8x896xf32, #tpu.memory_space<vmem>>, vector<16xf32>,
        tpu.vector_store %arg22[%swap3A_481, %swap3A_482], %scan3A_467#4 {strides = array<i32>} : memref<8x896xf32, #tpu.memory_space<vmem>>, vector<16xf32>,
        %swap3A_484 = arith.index_cast %scan3A_121 : i32 to index
        %swap3A_485 = arith.constant 592 : index
        %swap3A_486 = tpu.vector_load %arg22[%swap3A_484, %swap3A_485] {strides = array<i32>} : memref<8x896xf32, #tpu.memory_space<vmem>>, vector<16xf32>,
        tpu.vector_store %arg22[%swap3A_484, %swap3A_485], %scan3A_467#5 {strides = array<i32>} : memref<8x896xf32, #tpu.memory_space<vmem>>, vector<16xf32>,
        %swap3A_487 = arith.index_cast %scan3A_121 : i32 to index
        %swap3A_488 = arith.constant 608 : index
        %swap3A_489 = tpu.vector_load %arg22[%swap3A_487, %swap3A_488] {strides = array<i32>} : memref<8x896xf32, #tpu.memory_space<vmem>>, vector<16xf32>,
        tpu.vector_store %arg22[%swap3A_487, %swap3A_488], %scan3A_467#6 {strides = array<i32>} : memref<8x896xf32, #tpu.memory_space<vmem>>, vector<16xf32>,
        %swap3A_490 = arith.index_cast %scan3A_121 : i32 to index
        %swap3A_491 = arith.constant 624 : index
        %swap3A_492 = tpu.vector_load %arg22[%swap3A_490, %swap3A_491] {strides = array<i32>} : memref<8x896xf32, #tpu.memory_space<vmem>>, vector<16xf32>,
        tpu.vector_store %arg22[%swap3A_490, %swap3A_491], %scan3A_467#7 {strides = array<i32>} : memref<8x896xf32, #tpu.memory_space<vmem>>, vector<16xf32>,
        %swap3A_493 = arith.index_cast %scan3A_121 : i32 to index
        %swap3A_494 = arith.constant 640 : index
        %swap3A_495 = tpu.vector_load %arg22[%swap3A_493, %swap3A_494] {strides = array<i32>} : memref<8x896xf32, #tpu.memory_space<vmem>>, vector<16xf32>,
        tpu.vector_store %arg22[%swap3A_493, %swap3A_494], %scan3A_467#8 {strides = array<i32>} : memref<8x896xf32, #tpu.memory_space<vmem>>, vector<16xf32>,
        %swap3A_496 = arith.index_cast %scan3A_121 : i32 to index
        %swap3A_497 = arith.constant 656 : index
        %swap3A_498 = tpu.vector_load %arg22[%swap3A_496, %swap3A_497] {strides = array<i32>} : memref<8x896xf32, #tpu.memory_space<vmem>>, vector<16xf32>,
        tpu.vector_store %arg22[%swap3A_496, %swap3A_497], %scan3A_467#9 {strides = array<i32>} : memref<8x896xf32, #tpu.memory_space<vmem>>, vector<16xf32>,
        %swap3A_499 = arith.index_cast %scan3A_121 : i32 to index
        %swap3A_500 = arith.constant 672 : index
        %swap3A_501 = tpu.vector_load %arg22[%swap3A_499, %swap3A_500] {strides = array<i32>} : memref<8x896xf32, #tpu.memory_space<vmem>>, vector<16xf32>,
        tpu.vector_store %arg22[%swap3A_499, %swap3A_500], %scan3A_467#10 {strides = array<i32>} : memref<8x896xf32, #tpu.memory_space<vmem>>, vector<16xf32>,
        %swap3A_502 = arith.index_cast %scan3A_121 : i32 to index
        %swap3A_503 = arith.constant 688 : index
        %swap3A_504 = tpu.vector_load %arg22[%swap3A_502, %swap3A_503] {strides = array<i32>} : memref<8x896xf32, #tpu.memory_space<vmem>>, vector<16xf32>,
        tpu.vector_store %arg22[%swap3A_502, %swap3A_503], %scan3A_467#11 {strides = array<i32>} : memref<8x896xf32, #tpu.memory_space<vmem>>, vector<16xf32>,
        %swap3A_505 = arith.index_cast %scan3A_121 : i32 to index
        %swap3A_506 = arith.constant 704 : index
        %swap3A_507 = tpu.vector_load %arg22[%swap3A_505, %swap3A_506] {strides = array<i32>} : memref<8x896xf32, #tpu.memory_space<vmem>>, vector<16xf32>,
        tpu.vector_store %arg22[%swap3A_505, %swap3A_506], %scan3A_467#12 {strides = array<i32>} : memref<8x896xf32, #tpu.memory_space<vmem>>, vector<16xf32>,
        %swap3A_508 = arith.index_cast %scan3A_121 : i32 to index
        %swap3A_509 = arith.constant 720 : index
        %swap3A_510 = tpu.vector_load %arg22[%swap3A_508, %swap3A_509] {strides = array<i32>} : memref<8x896xf32, #tpu.memory_space<vmem>>, vector<16xf32>,
        tpu.vector_store %arg22[%swap3A_508, %swap3A_509], %scan3A_467#13 {strides = array<i32>} : memref<8x896xf32, #tpu.memory_space<vmem>>, vector<16xf32>,
        %swap3A_511 = arith.index_cast %scan3A_121 : i32 to index
        %swap3A_512 = arith.constant 736 : index
        %swap3A_513 = tpu.vector_load %arg22[%swap3A_511, %swap3A_512] {strides = array<i32>} : memref<8x896xf32, #tpu.memory_space<vmem>>, vector<16xf32>,
        tpu.vector_store %arg22[%swap3A_511, %swap3A_512], %scan3A_467#14 {strides = array<i32>} : memref<8x896xf32, #tpu.memory_space<vmem>>, vector<16xf32>,
        %swap3A_514 = arith.index_cast %scan3A_121 : i32 to index
        %swap3A_515 = arith.constant 752 : index
        %swap3A_516 = tpu.vector_load %arg22[%swap3A_514, %swap3A_515] {strides = array<i32>} : memref<8x896xf32, #tpu.memory_space<vmem>>, vector<16xf32>,
        tpu.vector_store %arg22[%swap3A_514, %swap3A_515], %scan3A_467#15 {strides = array<i32>} : memref<8x896xf32, #tpu.memory_space<vmem>>, vector<16xf32>,
        %swap3A_517 = arith.index_cast %scan3A_121 : i32 to index
        %swap3A_518 = arith.constant 768 : index
        %swap3A_519 = tpu.vector_load %arg22[%swap3A_517, %swap3A_518] {strides = array<i32>} : memref<8x896xf32, #tpu.memory_space<vmem>>, vector<16xf32>,
        tpu.vector_store %arg22[%swap3A_517, %swap3A_518], %scan3A_467#16 {strides = array<i32>} : memref<8x896xf32, #tpu.memory_space<vmem>>, vector<16xf32>,
        %swap3A_520 = arith.index_cast %scan3A_121 : i32 to index
        %swap3A_521 = arith.constant 784 : index
        %swap3A_522 = tpu.vector_load %arg22[%swap3A_520, %swap3A_521] {strides = array<i32>} : memref<8x896xf32, #tpu.memory_space<vmem>>, vector<16xf32>,
        tpu.vector_store %arg22[%swap3A_520, %swap3A_521], %scan3A_467#17 {strides = array<i32>} : memref<8x896xf32, #tpu.memory_space<vmem>>, vector<16xf32>,
        %swap3A_523 = arith.index_cast %scan3A_121 : i32 to index
        %swap3A_524 = arith.constant 800 : index
        %swap3A_525 = tpu.vector_load %arg22[%swap3A_523, %swap3A_524] {strides = array<i32>} : memref<8x896xf32, #tpu.memory_space<vmem>>, vector<16xf32>,
        tpu.vector_store %arg22[%swap3A_523, %swap3A_524], %scan3A_467#18 {strides = array<i32>} : memref<8x896xf32, #tpu.memory_space<vmem>>, vector<16xf32>,
        %swap3A_526 = arith.index_cast %scan3A_121 : i32 to index
        %swap3A_527 = arith.constant 816 : index
        %swap3A_528 = tpu.vector_load %arg22[%swap3A_526, %swap3A_527] {strides = array<i32>} : memref<8x896xf32, #tpu.memory_space<vmem>>, vector<16xf32>,
        tpu.vector_store %arg22[%swap3A_526, %swap3A_527], %scan3A_467#19 {strides = array<i32>} : memref<8x896xf32, #tpu.memory_space<vmem>>, vector<16xf32>,
        %swap3A_529 = arith.index_cast %scan3A_121 : i32 to index
        %swap3A_530 = arith.constant 832 : index
        %swap3A_531 = tpu.vector_load %arg22[%swap3A_529, %swap3A_530] {strides = array<i32>} : memref<8x896xf32, #tpu.memory_space<vmem>>, vector<16xf32>,
        tpu.vector_store %arg22[%swap3A_529, %swap3A_530], %scan3A_467#20 {strides = array<i32>} : memref<8x896xf32, #tpu.memory_space<vmem>>, vector<16xf32>,
        %swap3A_532 = arith.index_cast %scan3A_121 : i32 to index
        %swap3A_533 = arith.constant 848 : index
        %swap3A_534 = tpu.vector_load %arg22[%swap3A_532, %swap3A_533] {strides = array<i32>} : memref<8x896xf32, #tpu.memory_space<vmem>>, vector<16xf32>,
        tpu.vector_store %arg22[%swap3A_532, %swap3A_533], %scan3A_467#21 {strides = array<i32>} : memref<8x896xf32, #tpu.memory_space<vmem>>, vector<16xf32>,
        %swap3A_535 = arith.index_cast %scan3A_121 : i32 to index
        %swap3A_536 = arith.constant 864 : index
        %swap3A_537 = tpu.vector_load %arg22[%swap3A_535, %swap3A_536] {strides = array<i32>} : memref<8x896xf32, #tpu.memory_space<vmem>>, vector<16xf32>,
        tpu.vector_store %arg22[%swap3A_535, %swap3A_536], %scan3A_467#22 {strides = array<i32>} : memref<8x896xf32, #tpu.memory_space<vmem>>, vector<16xf32>,
        %swap3A_538 = arith.index_cast %scan3A_121 : i32 to index
        %swap3A_539 = arith.constant 880 : index
        %swap3A_540 = tpu.vector_load %arg22[%swap3A_538, %swap3A_539] {strides = array<i32>} : memref<8x896xf32, #tpu.memory_space<vmem>>, vector<16xf32>,
        tpu.vector_store %arg22[%swap3A_538, %swap3A_539], %scan3A_467#23 {strides = array<i32>} : memref<8x896xf32, #tpu.memory_space<vmem>>, vector<16xf32>,
        %scan3A_541 = arith.constant 0 : i32
        scf.yield %scan3A_541 : i32
      }
      %scan3A_112 = arith.constant 8 : i32
      %mul3A_113 = arith.constant 8 : i32
      %mul3A_114 = arith.muli %add3A_55, %mul3A_113 : i32
      %add3A_115 = arith.addi %multiple_of3A, %mul3A_114 : i32
      %dma_start3A_116 = arith.constant 0 : i32
      %dma_start3A_117 = tpu.memref_slice %arg7[%add3A_115, %dma_start3A_116] : memref<16384x896xf32, #tpu.memory_space<hbm>> -> memref<8x896xf32, #tpu.memory_space<hbm>>
      %dma_start3A_118 = arith.constant 0 : i32
      %dma_start3A_119 = tpu.memref_slice %arg7[%add3A_115, %dma_start3A_118] : memref<16384x896xf32, #tpu.memory_space<hbm>> -> memref<8x896xf32, #tpu.memory_space<hbm>>
      tpu.enqueue_dma source(%arg22 : memref<8x896xf32, #tpu.memory_space<vmem>>) target(%dma_start3A_119 : memref<8x896xf32, #tpu.memory_space<hbm>>) target_semaphore(%arg25 : memref<!tpu.dma_semaphore, #tpu.memory_space<semaphore_mem>>)
      %scan3A_120 = arith.constant 0 : i32
      scf.yield %scan3A_120 : i32
    }
    %scan3A_38 = arith.constant 32 : i32
    %add3A_39 = arith.constant 496 : i32
    %add3A_40 = arith.addi %multiple_of3A, %add3A_39 : i32
    %dma_wait3A = arith.constant 0 : i32
    %dma_wait3A_41 = tpu.memref_slice %arg7[%add3A_40, %dma_wait3A] : memref<16384x896xf32, #tpu.memory_space<hbm>> -> memref<8x896xf32, #tpu.memory_space<hbm>>
    %dma_wait3A_42 = arith.constant 0 : i32
    %dma_wait3A_43 = tpu.memref_slice %arg7[%add3A_40, %dma_wait3A_42] : memref<16384x896xf32, #tpu.memory_space<hbm>> -> memref<8x896xf32, #tpu.memory_space<hbm>>
    tpu.wait_dma2 semaphore(%arg18 : memref<!tpu.dma_semaphore, #tpu.memory_space<semaphore_mem>>) src(%arg15 : memref<8x896xf32, #tpu.memory_space<vmem>>) dst(%dma_wait3A_43 : memref<8x896xf32, #tpu.memory_space<hbm>>)
    %add3A_44 = arith.constant 504 : i32
    %add3A_45 = arith.addi %multiple_of3A, %add3A_44 : i32
    %dma_wait3A_46 = arith.constant 0 : i32
    %dma_wait3A_47 = tpu.memref_slice %arg7[%add3A_45, %dma_wait3A_46] : memref<16384x896xf32, #tpu.memory_space<hbm>> -> memref<8x896xf32, #tpu.memory_space<hbm>>
    %dma_wait3A_48 = arith.constant 0 : i32
    %dma_wait3A_49 = tpu.memref_slice %arg7[%add3A_45, %dma_wait3A_48] : memref<16384x896xf32, #tpu.memory_space<hbm>> -> memref<8x896xf32, #tpu.memory_space<hbm>>
    tpu.wait_dma2 semaphore(%arg25 : memref<!tpu.dma_semaphore, #tpu.memory_space<semaphore_mem>>) src(%arg22 : memref<8x896xf32, #tpu.memory_space<vmem>>) dst(%dma_wait3A_49 : memref<8x896xf32, #tpu.memory_space<hbm>>)
    return
  }
}

</mosaic_0001>

<sc_bundles>
// kernel: _run.3.cloned.1.call-start
scs
__scs_entry_jumppad:
0x0: {  	(pc) =	sbr.rel $0x88, $3  }
0x1: {  	(tag) =	ssettag $0x0;
	lr =	simm.s32 $0x1  }
0x2: {  	[smem:$0x3F9C] =	sst lr;
	_ =	strace $0xD0000000  }
0x3: {  	_ = 	snop  }
0x4: {  	_ = 	snop  }
0x5: {  	_ = 	snop  }
0x6: {  	_ = 	snop  }
0x7: {  	_ = 	snop  }
__scs_overlays_trampoline_lowered:
0x8: {  	[smem:$0x3FAB] =	sst s0  }
0x9: {  	[smem:$0x3FAC] =	sst s1  }
0xa: {  	[smem:$0x3FAD] =	sst s2  }
0xb: {  	[smem:$0x3FAE] =	sst s3  }
0xc: {  	[smem:$0x3FAF] =	sst s4  }
0xd: {  	[smem:$0x3FB0] =	sst s5  }
0xe: {  	[smem:$0x3FB1] =	sst s6  }
0xf: {  	[smem:$0x3FB2] =	sst s7  }
0x10: {  	[smem:$0x3FB3] =	sst s8  }
0x11: {  	[smem:$0x3FB4] =	sst s9;
	s0 =	simm.s32 @!p0 $0x0  }
0x12: {  	s1 =	sld [smem:$0x3F9A];
	s0 =	simm.s32 @p0 $0x1  }
0x13: {  	[smem:$0x3FB5] =	sst s0;
	s0 =	simm.s32 @!p1 $0x0  }
0x14: {  	s2 =	sld [smem:$0x3F99];
	s0 =	simm.s32 @p1 $0x1  }
0x15: {  	[smem:$0x3FB6] =	sst s0;
	s0 =	simm.s32 @!p2 $0x0  }
0x16: {  	s3 =	sld [smem:$0x3FDB];
	s0 =	simm.s32 @p2 $0x1  }
0x17: {  	s4 =	simm.s32 $0x1BF5;
	[smem:$0x3FB8] =	sst s0  }
0x18: {  	s0 =	sld [smem:$0x3F9B];
	_ =	swait.ge [sflag:s4], $0x0  }
0x19: {  	s7 =	sld [smem:$0x3F9C]  }
0x1a: {  	s8 =	sadd.s32 $0xFFFFE003, lr  }
0x1b: {  	s9 =	sadd.s32 $0xFFFFFEF7, lr;
	s5 =	simm.s32 $0xFFFFFFFF;
	p2 =	slt.u32 s8, $0xFFFFF086  }
0x1c: {  	p1 =	slt.u32 s9, $0xF7A;
	s5 =	simm.s32 @!p2 $0x0  }
0x1d: {  	s5 =	simm.s32 @p1 $0x1;
	p0 =	seq.s32 s7, s2  }
0x1e: {  	s7 =	smul.u32 @!p0 $0xF7A, s2;
	p2 =	seq.s32 @!p0 s5, $0x0  }
0x1f: {  	s9 =	smul.u32 $0xF7A, s1;
	s8 =	simm.s32 @!p0 $0x1BF5;
	p2 =	por !p2, p0  }
0x20: {  	[sflag:s8] =	ssyncset.s32 @!p0 $0xFFFFF086;
	s6 =	sadd.s32 @!p0 s3, s7;
	s7 =	simm.s32 @!p0 $0x108  }
0x21: {  	s3 =	sadd.s32 s3, s9;
	s6 =	sadd.s32 @!p0 $0x88, s6;
	s7 =	simm.s32 @p2 $0x1082  }
0x22: {  	[simem:s7], [sflag:s8] =	dma.local @!p0 [hbm:s6], $0xF7A  }
0x23: {  	s9 =	sor.u32 $0xD0000000, s2;
	s6 =	simm.s32 $0x108;
	_ =	swait.ge @!p0 [sflag:s8], $0x0  }
0x24: {  	s3 =	sadd.s32 $0x88, s3;
	s6 =	simm.s32 @!p1 $0x1082;
	[sflag:s4] =	ssyncset.s32 $0xFFFFF086  }
0x25: {  	[simem:s6], [sflag:s4] =	dma.local [hbm:s3], $0xF7A  }
0x26: {  	[smem:$0x3F9C] =	sst s1;
	(tag) =	ssettag s2;
	_ =	strace s9  }
0x27: {  	s1 =	sld [smem:$0x3FAC]  }
0x28: {  	s2 =	sld [smem:$0x3FAD]  }
0x29: {  	s4 =	sld [smem:$0x3FAF]  }
0x2a: {  	p0 =	seq.s32 s5, $0x0;
	s5 =	sld [smem:$0x3FB0]  }
0x2b: {  	s6 =	sld [smem:$0x3FB1]  }
0x2c: {  	s7 =	sld [smem:$0x3FB2]  }
0x2d: {  	s3 =	simm.s32 $0x108;
	s8 =	sld [smem:$0x3FB3]  }
0x2e: {  	s3 =	simm.s32 @!p0 $0x1082;
	s9 =	sld [smem:$0x3FB4]  }
0x2f: {  	lr =	sadd.s32 s0, s3;
	s0 =	sld [smem:$0x3FAB]  }
0x30: {  	s3 =	sld [smem:$0x3FAE]  }
0x31: {  	[smem:$0x3FB7] =	sst s10  }
0x32: {  	s10 =	sld [smem:$0x3FB5];
	_ =	sdelay $0x3  }
0x33: {  	p0 =	seq.s32 s10, $0x1;
	s10 =	sld [smem:$0x3FB7];
	_ =	sdelay $0x3  }
0x34: {  	[smem:$0x3FB7] =	sst s10  }
0x35: {  	s10 =	sld [smem:$0x3FB6];
	_ =	sdelay $0x3  }
0x36: {  	p1 =	seq.s32 s10, $0x1;
	s10 =	sld [smem:$0x3FB7];
	_ =	sdelay $0x3  }
0x37: {  	[smem:$0x3FB7] =	sst s10  }
0x38: {  	s10 =	sld [smem:$0x3FB8]  }
0x39: {  	_ = 	snop;
	(pc) =	sbr.ind lr, $3  }
0x3a: {  	_ = 	snop  }
0x3b: {  	_ = 	snop  }
0x3c: {  	p2 =	seq.s32 s10, $0x1;
	s10 =	sld [smem:$0x3FB7]  }
0x3d: {  	_ =	shalt  }
0x3e: {  	_ =	shalt  }
0x3f: {  	_ =	shalt  }
0x40: {  	_ =	shalt  }
0x41: {  	_ =	shalt  }
0x42: {  	_ =	shalt  }
0x43: {  	_ =	shalt  }
0x44: {  	_ =	shalt  }
0x45: {  	_ =	shalt  }
0x46: {  	_ =	shalt  }
0x47: {  	_ =	shalt  }
0x48: {  	_ =	shalt  }
0x49: {  	_ =	shalt  }
0x4a: {  	_ =	shalt  }
0x4b: {  	_ =	shalt  }
0x4c: {  	_ =	shalt  }
0x4d: {  	_ =	shalt  }
0x4e: {  	_ =	shalt  }
0x4f: {  	_ =	shalt  }
0x50: {  	_ =	shalt  }
0x51: {  	_ =	shalt  }
0x52: {  	_ =	shalt  }
0x53: {  	_ =	shalt  }
0x54: {  	_ =	shalt  }
0x55: {  	_ =	shalt  }
0x56: {  	_ =	shalt  }
0x57: {  	_ =	shalt  }
0x58: {  	_ =	shalt  }
0x59: {  	_ =	shalt  }
0x5a: {  	_ =	shalt  }
0x5b: {  	_ =	shalt  }
0x5c: {  	_ =	shalt  }
0x5d: {  	_ =	shalt  }
0x5e: {  	_ =	shalt  }
0x5f: {  	_ =	shalt  }
0x60: {  	_ =	shalt  }
0x61: {  	_ =	shalt  }
0x62: {  	_ =	shalt  }
0x63: {  	_ =	shalt  }
0x64: {  	_ =	shalt  }
0x65: {  	_ =	shalt  }
0x66: {  	_ =	shalt  }
0x67: {  	_ =	shalt  }
0x68: {  	_ =	shalt  }
0x69: {  	_ =	shalt  }
0x6a: {  	_ =	shalt  }
0x6b: {  	_ =	shalt  }
0x6c: {  	_ =	shalt  }
0x6d: {  	_ =	shalt  }
0x6e: {  	_ =	shalt  }
0x6f: {  	_ =	shalt  }
0x70: {  	_ =	shalt  }
0x71: {  	_ =	shalt  }
0x72: {  	_ =	shalt  }
0x73: {  	_ =	shalt  }
0x74: {  	_ =	shalt  }
0x75: {  	_ =	shalt  }
0x76: {  	_ =	shalt  }
0x77: {  	_ =	shalt  }
0x78: {  	_ =	shalt  }
0x79: {  	_ =	shalt  }
0x7a: {  	_ =	shalt  }
0x7b: {  	_ =	shalt  }
0x7c: {  	_ =	shalt  }
0x7d: {  	_ =	shalt  }
0x7e: {  	_ =	shalt  }
0x7f: {  	_ =	shalt  }
0x80: {  	_ =	shalt  }
0x81: {  	_ =	shalt  }
0x82: {  	_ =	shalt  }
0x83: {  	_ =	shalt  }
0x84: {  	_ =	shalt  }
0x85: {  	_ =	shalt  }
0x86: {  	_ =	shalt  }
0x87: {  	_ =	shalt  }
.Lfunc_end0:
.L_simem_size_0:
called_computation_lowered:
.L_overlay_start_0:
0x88: {  	s2 =	sld [smem:$0x3FD9]  }
0x89: {  	s3 =	sld [smem:$0x3FFE];
	_ =	sdelay $0x1  }
0x8a: {  	s1 =	srdreg.scid  }
0x8b: {  	s0 =	sand.u32 $0x1, s1  }
0x8c: {  	s17 =	sshll.u32 s0, $0xA;
	s2 =	sadd.s32 s3, s2  }
0x8d: {  	s2 =	sadd.s32 s2, s17  }
0x8e: {  	[smem:$0x3FC3] =	sst s2  }
0x8f: {  	_ = 	snop  }
0x90: {  	s2 =	sld [smem:$0x3FC9]  }
0x91: {  	s18 =	sld [smem:$0x3FC5]  }
0x92: {  	s4 =	sld [smem:$0x3FD0];
	(tm) =	ssettm $0x1  }
0x93: {  	s5 =	sld [smem:$0x3FFB];
	_ =	sdelay $0x3  }
0x94: {  	_ =	strace s5  }
0x95: {  	s5 =	sld [smem:$0x3FFC];
	_ =	sdelay $0x3  }
0x96: {  	_ =	strace s5  }
0x97: {  	s5 =	sld [smem:$0x3FFD];
	_ =	sdelay $0x3  }
0x98: {  	_ =	strace s5  }
0x99: {  	_ =	strace $0x8FFFFFFF  }
0x9a: {  	s19 =	sld [smem:$0x3FDB];
	_ =	sdelay $0x1  }
0x9b: {  	s6 =	simm.s32 $_scs_section_size  }
0x9c: {  	s7 =	simm.s32 $_size__tile_overlayer_lowered;
	s8 =	simm.s32 $_tile_overlayer_lowered  }
0x9d: {  	s22 =	simm.s32 $0x1BFF;
	s21 =	sshll.u32 s8, $0x1;
	s5 =	sadd.s32 s6, s19  }
0x9e: {  	s9 =	simm.s32 $0x0;
	s20 =	sshll.u32 s7, $0x1;
	s7 =	sadd.s32 s21, s5  }
0x9f: {  	[timem:s9], [sflag:s22] =	dma.local [hbm:s7], s20  }
0xa0: {  	_ =	swait.ge [sflag:s22], s20  }
0xa1: {  	s6 =	ssub.s32 $0x0, s20;
	[sflag:s22] =	ssyncset.done $0x0  }
0xa2: {  	[sflag:s22] =	ssyncadd.s32 s6;
	_ =	sdelay $0x1  }
0xa3: {  	s23 =	simm.s32 $0x1B8B  }
0xa4: {  	_ =	swait.ge [sflag:s23], $0x1  }
0xa5: {  	[sflag:s23] =	ssyncset.done $0x0  }
0xa6: {  	s25 =	simm.s32 $0x1B8E;
	s24 =	sld [smem:$0x3FFE];
	[sflag:s23] =	ssyncadd.s32 $0xFFFFFFFF  }
0xa7: {  	s26 =	simm.s32 $execute0_lowered;
	[smem:$0x3FD2] =	sst s25  }
0xa8: {  	s7 =	sshll.u32 s26, $0x1;
	_ =	strace $0x80000046;
	[dreg:$0x1] =	wrdreg $0xFFFFFFFF  }
0xa9: {  	s28 =	simm.s32 $_size_execute0_lowered;
	s5 =	sadd.s32 s5, s7;
	[dreg:$0x0] =	wrdreg $0x0  }
0xaa: {  	s7 =	sshll.u32 s28, $0x1;
	[dreg:$0x2] =	wrdreg s5  }
0xab: {  	[dreg:$0x3] =	wrdreg s7  }
0xac: {  	[dreg:$0x4] =	wrdreg $0xC0  }
0xad: {  	_ =	task [dreg:s9], $0x5FFFF  }
0xae: {  	[dreg:$0x1] =	wrdreg $0xFFFFFFFF  }
0xaf: {  	[dreg:$0x0] =	wrdreg $0x60  }
0xb0: {  	[dreg:$0x2] =	wrdreg s2  }
0xb1: {  	[dreg:$0x3] =	wrdreg s24  }
0xb2: {  	[dreg:$0x4] =	wrdreg s4  }
0xb3: {  	[dreg:$0x5] =	wrdreg s18  }
0xb4: {  	[dreg:$0x6] =	wrdreg $0x9  }
0xb5: {  	_ =	task.clear_ibuf [dreg:s9], $0x7FFFF;
	_ =	strace $0x90000046  }
0xb6: {  	s29 =	simm.s32 $0x9;
	_ =	strace $0x80000048  }
0xb7: {  	_ =	swait.ge [sflag:s29], $0x1  }
0xb8: {  	[sflag:s29] =	ssyncadd.s32 $0xFFFFFFFF  }
0xb9: {  	_ =	strace $0x90000048  }
0xba: {  	_ =	sfence  }
0xbb: {  	s30 =	sld [smem:$0x0];
	_ =	sdelay $0x2  }
0xbc: {  	s31 =	sshll.u32 s1, $0xD;
	s1 =	sshrl.u32 s1, $0x2  }
0xbd: {  	s3 =	sand.u32 $0x4000, s31;
	s1 =	sadd.s32 s1, s30  }
0xbe: {  	s0 =	sor.u32 s3, s0;
	s1 =	sshll.u32 s1, $0x11  }
0xbf: {  	s0 =	sor.u32 s1, s0  }
0xc0: {  	s0 =	sadd.s32 $0x8F2B, s0  }
0xc1: {  	[sflag:s0] =	ssyncadd.remote.s32 $0x1  }
0xc2: {  	_ =	sfence.sel $0xFFFF  }
0xc3: {  	[dreg:$0x0] =	wrdreg $0xFFFFFFFF;
	(pc) =	sbr.abs _section_cstart, $3  }
0xc4: {  	[dreg:$0x1] =	wrdreg $0xFFFFFFFF  }
0xc5: {  	_ =	task.clear_ibuf [dreg:s9], $0x2FFFF;
	_ =	strace $0x9FFFFFFF  }
0xc6: {  	(tm) =	ssettm $0x7FFFFFFF  }
0xc7: {  	_ =	shalt  }
tec
execute0_lowered:
.L_overlay_start_1:
0x0: {  	(tag) =	ssettag $0x1  }
0x1: {  	s1 =	rddreg [dreg:$0x0]  }
0x2: {  	s0 =	rddreg [dreg:$0x1]  }
0x3: {  	s2 =	rddreg [dreg:$0x2]  }
0x4: {  	s7 =	rddreg [dreg:$0x3]  }
0x5: {  	s3 =	srdreg.scid;
	s11 =	stileid.u32  }
0x6: {  	s12 =	simm.s32 $0x8000;
	s14 =	simm.s32 $0x80;
	s18 =	simm.s32 $0x11EF0  }
0x7: {  	s19 =	simm.s32 $0x11F70;
	s20 =	simm.s32 $0x13F70;
	s21 =	simm.s32 $0x1  }
0x8: {  	s22 =	simm.s32 $0x2;
	s23 =	simm.s32 $0xA200;
	s28 =	simm.s32 $0x17F70  }
0x9: {  	s5 =	sand.u32 $0x1, s3;
	s3 =	simm.s32 $0x0;
	s4 =	sshll.u32 s11, $0xA  }
0xa: {  	s25 =	sshll.u32 s11, $0xE;
	s6 =	sshll.u32 s5, $0x9;
	[smem:$0x7FF] =	sst s3  }
0xb: {  	s8 =	ssub.s32 $0x2, s5;
	s5 =	sadd.s32 $0x400800, s0;
	s4 =	sor.u32 s6, s4  }
0xc: {  	_ =	strace $0x80000047;
	s10 =	sshrl.u32 s8, $0x1;
	s6 =	sshll.u32 s4, $0x1  }
0xd: {  	s24 =	ssub.s32 s8, s10;
	s8 =	sand.u32 $0x30000, s25;
	s26 =	sshll.u32 s4, $0x3  }
0xe: {  	s29 =	sshrl.u32 s4, $0x3;
	s25 =	simm.s32 $0x4;
	s2 =	sadd.s32 s2, s26  }
0xf: {  	s9 =	sadd.s32 s6, s0;
	s30 =	sadd.s32 s7, s29;
	[dreg:$0x5] =	wrdreg s2  }
0x10: {  	s6 =	sadd.s32 $0x8800, s0;
	s0 =	smax.u32 s24, $0x1;
	[dreg:$0x6] =	wrdreg s30  }
0x11: {  	s24 =	simm.s32 $0x102F0;
	s31 =	sadd.s32 $0x800, s9;
	[dreg:$0x8] =	wrdreg s0  }
0x12: {  	v1 =	vlaneseq.u32;
	s26 =	simm.s32 $0x5;
	v0 =	vmov s8;
	s7 =	simm.s32 $0x0;
	[dreg:$0x7] =	wrdreg s31  }
.LBB2_1:
0x13: {  	[dreg:$0x9] =	wrdreg s7  }
0x14: {  	s0 =	rddreg [dreg:$0x5];
	s2 =	simm.s32 $0x7  }
0x15: {  	[tilespmem:s3], [sflag:$0x7] =	stream.linear.gather [hbm4b:s0+s3], $0x8000, $0x38;
	[tilespmem:$0x19B70] =	vst v63  }
0x16: {  	_ =	swait.ge [sflag:s2], $0x8000  }
0x17: {  	[sflag:s2] =	ssyncset.done $0x0  }
0x18: {  	s15 =	rddreg [dreg:$0x6];
	[sflag:s2] =	ssyncadd.s32 $0xFFFF8000  }
0x19: {  	[tilespmem:s12], [sflag:$0x7] =	stream.linear.gather [hbm4b:s15+s3], $0x200, $0x38;
	[tilespmem:$0x19B70] =	vst v63  }
0x1a: {  	_ =	swait.ge [sflag:s2], $0x200  }
0x1b: {  	[sflag:s2] =	ssyncset.done $0x0  }
0x1c: {  	s17 =	simm.s32 $0x8200;
	s16 =	rddreg [dreg:$0x7];
	[sflag:s2] =	ssyncadd.s32 $0xFFFFFE00  }
0x1d: {  	[tilespmem:s17], [sflag:$0x7] =	stream.linear.gather [hbm4b:s16+s3], $0x2000, $0x38;
	[tilespmem:$0x19B70] =	vst v63  }
0x1e: {  	_ =	swait.ge [sflag:s2], $0x2000  }
0x1f: {  	[sflag:s2] =	ssyncset.done $0x0  }
0x20: {  	[sflag:s2] =	ssyncadd.s32 $0xFFFFE000  }
0x21: {  	v2 =	vld [tilespmem:$0x8200]  }
0x22: {  	v3 =	vld [tilespmem:$0x8210]  }
0x23: {  	v4 =	vld [tilespmem:$0x8220]  }
0x24: {  	v5 =	vld [tilespmem:$0x8230]  }
0x25: {  	v6 =	vld [tilespmem:$0x8240]  }
0x26: {  	v7 =	vld [tilespmem:$0x8250];
	v2 =	vadd.s32 v0, v2  }
0x27: {  	[tilespmem:$0xA270] =	vst v2;
	v2 =	vadd.s32 v0, v3;
	v3 =	vld [tilespmem:$0x8260]  }
0x28: {  	v63 =	vld [tilespmem:$0x8270];
	[tilespmem:$0xA280] =	vst v2;
	v2 =	vadd.s32 v0, v4  }
0x29: {  	[tilespmem:$0xA290] =	vst v2;
	v2 =	vadd.s32 v0, v5  }
0x2a: {  	[tilespmem:$0xA2A0] =	vst v2;
	v2 =	vadd.s32 v0, v6  }
0x2b: {  	[tilespmem:$0xA2B0] =	vst v2;
	v2 =	vadd.s32 v0, v7  }
0x2c: {  	[tilespmem:$0xA2C0] =	vst v2;
	v2 =	vadd.s32 v0, v3  }
0x2d: {  	[tilespmem:$0xA2D0] =	vst v2;
	v2 =	vadd.s32 v0, v63  }
0x2e: {  	s29 =	simm.s32 $0xA270;
	s30 =	simm.s32 $0xA2F0;
	[tilespmem:$0xA2E0] =	vst v2  }
0x2f: {  	[tilespmem:s30], [sflag:$0x1] =	stream.indirect.gather [hbm4b:s5+s14], $0x40, s29, s14, $0xb8;
	[tilespmem:$0x19B70] =	vst v63  }
0x30: {  	s31 =	simm.s32 $0xC2F0;
	s0 =	simm.s32 $0x0  }
0x31: {  	[tilespmem:s31], [sflag:$0x2] =	stream.indirect.gather [hbm4b:s1+s14], $0x80, s29, s14, $0xb8;
	[tilespmem:$0x19B70] =	vst v63  }
.LBB2_2:
0x32: {  	s2 =	sshllo.u32 s0, $0x1  }
0x33: {  	s7 =	sshll.u32 s2, $0x7  }
0x34: {  	s7 =	sand.u32 $0x3FFFFF80, s7  }
0x35: {  	v2 =	vld [tilespmem:s7+$0x8200];
	_ =	sdelay $0x4  }
0x36: {  	v2 =	vadd.s32 v0, v2  }
0x37: {  	[tilespmem:$0x11EF0] =	vst v2  }
0x38: {  	v2 =	vld [tilespmem:s7+$0x8210];
	_ =	sdelay $0x4  }
0x39: {  	v2 =	vadd.s32 v0, v2  }
0x3a: {  	[tilespmem:$0x11F00] =	vst v2  }
0x3b: {  	v2 =	vld [tilespmem:s7+$0x8220];
	_ =	sdelay $0x4  }
0x3c: {  	v2 =	vadd.s32 v0, v2  }
0x3d: {  	[tilespmem:$0x11F10] =	vst v2  }
0x3e: {  	v2 =	vld [tilespmem:s7+$0x8230];
	_ =	sdelay $0x4  }
0x3f: {  	v2 =	vadd.s32 v0, v2  }
0x40: {  	[tilespmem:$0x11F20] =	vst v2  }
0x41: {  	v2 =	vld [tilespmem:s7+$0x8240];
	_ =	sdelay $0x4  }
0x42: {  	v2 =	vadd.s32 v0, v2  }
0x43: {  	[tilespmem:$0x11F30] =	vst v2  }
0x44: {  	v2 =	vld [tilespmem:s7+$0x8250];
	_ =	sdelay $0x4  }
0x45: {  	v2 =	vadd.s32 v0, v2  }
0x46: {  	[tilespmem:$0x11F40] =	vst v2  }
0x47: {  	v2 =	vld [tilespmem:s7+$0x8260];
	_ =	sdelay $0x4  }
0x48: {  	v2 =	vadd.s32 v0, v2  }
0x49: {  	[tilespmem:$0x11F50] =	vst v2  }
0x4a: {  	v2 =	vld [tilespmem:s7+$0x8270];
	_ =	sdelay $0x4  }
0x4b: {  	v2 =	vadd.s32 v0, v2  }
0x4c: {  	[tilespmem:$0x11F60] =	vst v2  }
0x4d: {  	[tilespmem:s19], [sflag:$0x4] =	stream.indirect.gather [hbm4b:s5+s14], $0x40, s18, s14, $0xb8;
	[tilespmem:$0x19B70] =	vst v63  }
0x4e: {  	_ = 	snop  }
0x4f: {  	[tilespmem:s20], [sflag:$0x5] =	stream.indirect.gather [hbm4b:s1+s14], $0x80, s18, s14, $0xb8;
	[tilespmem:$0x19B70] =	vst v63  }
0x50: {  	_ =	swait.ge [sflag:s21], $0x2000  }
0x51: {  	[sflag:s21] =	ssyncset.done $0x0  }
0x52: {  	[sflag:s21] =	ssyncadd.s32 $0xFFFFE000  }
0x53: {  	_ =	swait.ge [sflag:s22], $0x4000  }
0x54: {  	p0 =	seq.s32 s0, $0x0;
	[sflag:s22] =	ssyncset.done $0x0  }
0x55: {  	s7 =	simm.s32 @!p0 $0x3;
	[sflag:s22] =	ssyncadd.s32 $0xFFFFC000  }
0x56: {  	_ =	swait.ge @!p0 [sflag:s7], $0x1C00  }
0x57: {  	s13 =	sshll.u32 s0, $0x4;
	s16 =	simm.s32 $0x0;
	[sflag:s7] =	ssyncset.done @!p0 $0x0  }
0x58: {  	s17 =	simm.s32 $0xA310;
	s15 =	simm.s32 $0xC330;
	[sflag:s7] =	ssyncadd.s32 @!p0 $0xFFFFE400  }
.LBB2_3:
0x59: {  	v6 =	vld [tilespmem:s17+$0xFFFFFFE0]  }
0x5a: {  	v7 =	vld [tilespmem:s17+$0xFFFFFFF0]  }
0x5b: {  	s7 =	sadd.s32 s13, s16;
	v8 =	vld [tilespmem:s17+$0x0]  }
0x5c: {  	s31 =	sadd.s32 $0x40, s17;
	v11 =	vld [tilespmem:s17+$0x10];
	s8 =	sshll.u32 s7, $0x6  }
0x5d: {  	v9 =	vld [tilespmem:s31+$0xFFFFFFE0];
	s8 =	sand.u32 $0x3FFFFFC0, s8  }
0x5e: {  	v5 =	vld [tilespmem:s8+$0x0]  }
0x5f: {  	v4 =	vld [tilespmem:s8+$0x10]  }
0x60: {  	v3 =	vld [tilespmem:s8+$0x20]  }
0x61: {  	v10 =	vld [tilespmem:s31+$0xFFFFFFF0]  }
0x62: {  	v2 =	vld [tilespmem:s8+$0x30];
	_ =	sdelay $0x1  }
0x63: {  	v12 =	vld [tilespmem:s31+$0x0];
	v6 =	vsub.f32 v6, v5;
	v7 =	vsub.f32 v7, v4  }
0x64: {  	v8 =	vsub.f32 v8, v3;
	v9 =	vsub.f32 v9, v5  }
0x65: {  	v13 =	vld [tilespmem:s31+$0x10];
	v10 =	vsub.f32 v10, v4;
	v6 =	vmul.f32 v6, v6;
	v7 =	vmul.f32 v7, v7  }
0x66: {  	v11 =	vsub.f32 v11, v2;
	v9 =	vmul.f32 v9, v9  }
0x67: {  	v10 =	vmul.f32 v10, v10;
	v6 =	vadd.f32 v7, v6;
	v7 =	vmul.f32 v8, v8  }
0x68: {  	s8 =	sadd.s32 $0x40, s31;
	v8 =	vsub.f32 v12, v3  }
0x69: {  	v14 =	vld [tilespmem:s8+$0xFFFFFFE0];
	v6 =	vadd.f32 v7, v6;
	v7 =	vadd.f32 v10, v9;
	v10 =	vmul.f32 v11, v11  }
0x6a: {  	v15 =	vld [tilespmem:s8+$0xFFFFFFF0];
	v8 =	vmul.f32 v8, v8;
	v9 =	vsub.f32 v13, v2  }
0x6b: {  	v10 =	vadd.f32 v10, v6  }
0x6c: {  	v12 =	vld [tilespmem:s8+$0x0];
	v8 =	vadd.f32 v8, v7;
	v9 =	vmul.f32 v9, v9  }
0x6d: {  	(xrf2) =	vadd.scan.msk.f32 $0xffff, v10  }
0x6e: {  	s11 =	sadd.s32 $0x40, s8;
	v13 =	vld [tilespmem:s8+$0x10];
	v9 =	vadd.f32 v9, v8  }
0x6f: {  	v15 =	vsub.f32 v15, v4;
	v11 =	vsub.f32 v14, v5;
	v14 =	vld [tilespmem:s11+$0xFFFFFFE0]  }
0x70: {  	v7 =	vld [tilespmem:s11+$0xFFFFFFF0];
	(xrf2) =	vadd.scan.msk.f32 $0xffff, v9  }
0x71: {  	v15 =	vmul.f32 v15, v15;
	v11 =	vmul.f32 v11, v11;
	v12 =	vsub.f32 v12, v3;
	v8 =	vld [tilespmem:s11+$0x0];
	_ =	sdelay $0x1  }
0x72: {  	s10 =	simm.s32 $0x1;
	s9 =	simm.s32 $0x3;
	s30 =	simm.s32 $0x4;
	v10 =	vadd.f32 v15, v11;
	v11 =	vmul.f32 v12, v12;
	v12 =	vsub.f32 v13, v2  }
0x73: {  	s29 =	simm.s32 $0x0;
	s8 =	simm.s32 $0x2;
	v6 =	vimm.f32 $0.0e+00;
	v13 =	vsub.f32 v14, v5;
	v9 =	vld [tilespmem:s11+$0x10];
	s11 =	sadd.s32 $0x40, s11  }
.LBB2_4:
0x74: {  	v14 =	vld [tilespmem:s11+$0xFFFFFFE0];
	v15 =	vsub.f32 v7, v4;
	v18 =	vadd.f32 v11, v10;
	v11 =	vmul.f32 v12, v12;
	s31 =	smov.u32 s30;
	p1 =	sne.s32 s30, $0xF  }
.Ltmp0:
0x75: {  	s30 =	sadd.s32 $0x1, s30;
	v16 =	vmov s29;
	v7 =	vld [tilespmem:s11+$0xFFFFFFF0];
	v12 =	vsub.f32 v8, v3;
	(pc) =	sbr.rel @p1 .LBB2_4-.Ltmp0, $4  }
0x76: {  	s29 =	smov.u32 s10;
	s10 =	smov.u32 s8;
	s8 =	smov.u32 s9;
	v13 =	vmul.f32 v13, v13;
	v8 =	vld [tilespmem:s11+$0x0];
	v15 =	vmul.f32 v15, v15;
	v17 =	vadd.f32 v11, v18;
	v10, _, _ =	vpop (xrf2)  }
0x77: {  	vm0 =	veq.s32 v16, v1;
	s9 =	smov.u32 s31;
	v16 =	vbroadcast v10, $0xF  }
0x78: {  	v11 =	vmul.f32 v12, v12;
	v10 =	vadd.f32 v15, v13;
	v12 =	vsub.f32 v9, v2;
	(xrf2) =	vadd.scan.msk.f32 $0xffff, v17  }
0x79: {  	v13 =	vsub.f32 v14, v5;
	v9 =	vld [tilespmem:s11+$0x10];
	s11 =	sadd.s32 $0x40, s11;
	v6 =	vsel vm0, v16, v6  }
0x7a: {  	v5 =	vmov s7;
	_ =	sdelay $0x4  }
0x7b: {  	v5 =	vld.idx.msk [tilespmem:v5+s12+$0x0], $0xffff  }
0x7c: {  	v4 =	vsub.f32 v7, v4  }
0x7d: {  	v3 =	vsub.f32 v8, v3  }
0x7e: {  	v7 =	vmul.f32 v13, v13;
	v4 =	vmul.f32 v4, v4  }
0x7f: {  	v3 =	vmul.f32 v3, v3  }
0x80: {  	v4 =	vadd.f32 v4, v7;
	v2 =	vsub.f32 v9, v2;
	v5 =	vmul.f32 $1.442695020e+00, v5  }
0x81: {  	v8 =	vmul.f32 v12, v12;
	v7 =	vadd.f32 v11, v10  }
0x82: {  	v3 =	vadd.f32 v3, v4;
	v2 =	vmul.f32 v2, v2;
	(erf) = vpow2.f32 v5  }
0x83: {  	v4 =	vadd.f32 v8, v7  }
0x84: {  	v2 =	vadd.f32 v2, v3  }
0x85: {  	(xrf2) =	vadd.scan.msk.f32 $0xffff, v4  }
0x86: {  	(xrf2) =	vadd.scan.msk.f32 $0xffff, v2;
	_ =	sdelay $0x4  }
0x87: {  	v4 =	vmov s29;
	v2 =	vpop (erf)  }
0x88: {  	vm0 =	veq.s32 v4, v1;
	v4 =	vmov s10;
	v3, _, _ =	vpop (xrf2);
	(erf) = vrcp.f32 v2  }
0x89: {  	v3 =	vbroadcast v3, $0xF;
	v2, _, _ =	vpop (xrf2)  }
0x8a: {  	v2 =	vbroadcast v2, $0xF  }
0x8b: {  	vm13 =	veq.s32 v4, v1;
	v3 =	vsel vm0, v3, v6;
	v4, _, _ =	vpop (xrf2)  }
0x8c: {  	v4 =	vbroadcast v4, $0xF;
	v5, _, _ =	vpop (xrf2);
	v2 =	vsel vm13, v2, v3;
	v3 =	vmov s8  }
0x8d: {  	v5 =	vbroadcast v5, $0xF;
	vm14 =	veq.s32 v3, v1;
	v3 =	vmov s9  }
0x8e: {  	v2 =	vsel vm14, v4, v2;
	vm15 =	veq.s32 v3, v1  }
0x8f: {  	v2 =	vsel vm15, v5, v2  }
0x90: {  	v2 =	vsub.f32 $0.0e+00, v2  }
0x91: {  	v3 =	vpop (erf)  }
0x92: {  	v2 =	vmul.f32 v3, v2;
	_ =	sdelay $0x1  }
0x93: {  	(xrf0) =	vmax.scan.msk.f32 $0xffff, v2;
	_ =	sdelay $0x5  }
0x94: {  	v3, _, _ =	vpop (xrf0)  }
0x95: {  	v3 =	vbroadcast v3, $0xF;
	_ =	sdelay $0x1  }
0x96: {  	v2 =	vsub.f32 v2, v3;
	_ =	sdelay $0x1  }
0x97: {  	v2 =	vmul.f32 $1.442695020e+00, v2;
	_ =	sdelay $0x1  }
0x98: {  	(erf) = vpow2.f32 v2;
	_ =	sdelay $0x8  }
0x99: {  	v2 =	vpop (erf)  }
0x9a: {  	(xrf2) =	vadd.scan.msk.f32 $0xffff, v2;
	_ =	sdelay $0x9  }
0x9b: {  	v3, _, _ =	vpop (xrf2)  }
0x9c: {  	v3 =	vbroadcast v3, $0xF;
	_ =	sdelay $0x1  }
0x9d: {  	(erf) = vrcp.f32 v3;
	_ =	sdelay $0x8  }
0x9e: {  	v3 =	vpop (erf)  }
0x9f: {  	v2 =	vmul.f32 v3, v2;
	_ =	sdelay $0x1  }
0xa0: {  	v3 =	vsub.f32 $1.000000000e+00, v2;
	_ =	sdelay $0x1  }
0xa1: {  	v3 =	vmax.f32 v3, $1.000000010e-07  }
0xa2: {  	v3 =	vmul.f32 v3, v2;
	_ =	sdelay $0x1  }
0xa3: {  	(xrf2) =	vadd.scan.msk.f32 $0xffff, v3;
	_ =	sdelay $0x9  }
0xa4: {  	v4, _, _ =	vpop (xrf2)  }
0xa5: {  	v4 =	vbroadcast v4, $0xF;
	_ =	sdelay $0x1  }
0xa6: {  	(erf) = vrcp.f32 v4;
	_ =	sdelay $0x8  }
0xa7: {  	v4 =	vpop (erf)  }
0xa8: {  	v3 =	vmul.f32 v4, v3;
	_ =	sdelay $0x1  }
0xa9: {  	v4 =	vsub.f32 $1.000000000e+00, v3;
	_ =	sdelay $0x1  }
0xaa: {  	v4 =	vmax.f32 v4, $1.000000010e-07  }
0xab: {  	v4 =	vmul.f32 v4, v3;
	_ =	sdelay $0x1  }
0xac: {  	(xrf2) =	vadd.scan.msk.f32 $0xffff, v4;
	_ =	sdelay $0x9  }
0xad: {  	v5, _, _ =	vpop (xrf2)  }
0xae: {  	v5 =	vbroadcast v5, $0xF;
	_ =	sdelay $0x1  }
0xaf: {  	(erf) = vrcp.f32 v5;
	_ =	sdelay $0x8  }
0xb0: {  	v5 =	vpop (erf)  }
0xb1: {  	v4 =	vmul.f32 v5, v4;
	_ =	sdelay $0x1  }
0xb2: {  	v5 =	vsub.f32 $1.000000000e+00, v4;
	_ =	sdelay $0x1  }
0xb3: {  	v5 =	vmax.f32 v5, $1.000000010e-07  }
0xb4: {  	v5 =	vmul.f32 v5, v4;
	_ =	sdelay $0x1  }
0xb5: {  	(xrf2) =	vadd.scan.msk.f32 $0xffff, v5;
	_ =	sdelay $0x9  }
0xb6: {  	v6, _, _ =	vpop (xrf2)  }
0xb7: {  	v6 =	vbroadcast v6, $0xF;
	_ =	sdelay $0x1  }
0xb8: {  	(erf) = vrcp.f32 v6;
	_ =	sdelay $0x8  }
0xb9: {  	v6 =	vpop (erf)  }
0xba: {  	v5 =	vmul.f32 v6, v5;
	_ =	sdelay $0x1  }
0xbb: {  	v6 =	vsub.f32 $1.000000000e+00, v5;
	_ =	sdelay $0x1  }
0xbc: {  	v6 =	vmax.f32 v6, $1.000000010e-07  }
0xbd: {  	v6 =	vmul.f32 v6, v5;
	_ =	sdelay $0x1  }
0xbe: {  	(xrf2) =	vadd.scan.msk.f32 $0xffff, v6;
	_ =	sdelay $0x9  }
0xbf: {  	v7, _, _ =	vpop (xrf2)  }
0xc0: {  	v7 =	vbroadcast v7, $0xF;
	_ =	sdelay $0x1  }
0xc1: {  	(erf) = vrcp.f32 v7;
	_ =	sdelay $0x8  }
0xc2: {  	v7 =	vpop (erf)  }
0xc3: {  	v6 =	vmul.f32 v7, v6;
	_ =	sdelay $0x1  }
0xc4: {  	v7 =	vsub.f32 $1.000000000e+00, v6;
	_ =	sdelay $0x1  }
0xc5: {  	v7 =	vmax.f32 v7, $1.000000010e-07  }
0xc6: {  	v7 =	vmul.f32 v7, v6;
	_ =	sdelay $0x1  }
0xc7: {  	(xrf2) =	vadd.scan.msk.f32 $0xffff, v7;
	_ =	sdelay $0x9  }
0xc8: {  	v8, _, _ =	vpop (xrf2)  }
0xc9: {  	v8 =	vbroadcast v8, $0xF;
	_ =	sdelay $0x1  }
0xca: {  	(erf) = vrcp.f32 v8;
	_ =	sdelay $0x8  }
0xcb: {  	v8 =	vpop (erf)  }
0xcc: {  	v7 =	vmul.f32 v8, v7;
	_ =	sdelay $0x1  }
0xcd: {  	v8 =	vsub.f32 $1.000000000e+00, v7;
	_ =	sdelay $0x1  }
0xce: {  	v8 =	vmax.f32 v8, $1.000000010e-07  }
0xcf: {  	v8 =	vmul.f32 v8, v7;
	_ =	sdelay $0x1  }
0xd0: {  	(xrf2) =	vadd.scan.msk.f32 $0xffff, v8;
	_ =	sdelay $0x9  }
0xd1: {  	v9, _, _ =	vpop (xrf2)  }
0xd2: {  	v9 =	vbroadcast v9, $0xF;
	_ =	sdelay $0x1  }
0xd3: {  	(erf) = vrcp.f32 v9;
	_ =	sdelay $0x5  }
0xd4: {  	[tilespmem:$0xA200] =	vst v2  }
0xd5: {  	[tilespmem:$0xA210] =	vst v3  }
0xd6: {  	[tilespmem:$0xA220] =	vst v4  }
0xd7: {  	[tilespmem:$0xA230] =	vst v5;
	v2 =	vpop (erf)  }
0xd8: {  	s11 =	simm.s32 $0x10;
	[tilespmem:$0xA240] =	vst v6;
	v2 =	vmul.f32 v2, v8  }
0xd9: {  	v3 =	vmov s11;
	[tilespmem:$0xA250] =	vst v7  }
0xda: {  	s30 =	simm.s32 $0x20;
	[tilespmem:$0xA260] =	vst v2  }
0xdb: {  	v5 =	vmov s30;
	v29 =	vld [tilespmem:s15+$0x20]  }
0xdc: {  	v24 =	vld [tilespmem:s15+$0xFFFFFFC0]  }
0xdd: {  	s29 =	simm.s32 $0x30;
	v21 =	vld [tilespmem:s15+$0x30]  }
0xde: {  	v2 =	vmov s29;
	v17 =	vld.idx.msk [tilespmem:v3+s23+$0x0], $0xffff  }
0xdf: {  	v37 =	vimm.f32 $0.0e+00;
	v26 =	vimm.f32 $0.0e+00;
	v44 =	vimm.f32 $0.0e+00;
	v31 =	vld [tilespmem:s15+$0xFFFFFFE0]  }
0xe0: {  	s31 =	simm.s32 $0x0;
	v35 =	vimm.f32 $0.0e+00;
	v38 =	vimm.f32 $0.0e+00;
	v34 =	vimm.f32 $0.0e+00;
	v8 =	vld.idx.msk [tilespmem:v5+s23+$0x0], $0xffff  }
0xe1: {  	v43 =	vimm.f32 $0.0e+00;
	v46 =	vimm.f32 $0.0e+00;
	v5 =	vmov s31;
	v32 =	vld [tilespmem:s15+$0x10]  }
0xe2: {  	v41 =	vimm.f32 $0.0e+00;
	v27 =	vimm.f32 $0.0e+00;
	v45 =	vimm.f32 $0.0e+00  }
0xe3: {  	v28 =	vimm.f32 $0.0e+00;
	v39 =	vimm.f32 $0.0e+00;
	v25 =	vimm.f32 $0.0e+00;
	v4 =	vld.idx.msk [tilespmem:v2+s23+$0x0], $0xffff  }
0xe4: {  	v36 =	vimm.f32 $0.0e+00;
	v2 =	vld [tilespmem:s15+$0x0];
	v3 =	vmul.f32 v17, v24;
	v6 =	vmul.f32 v17, v21  }
0xe5: {  	v33 =	vimm.f32 $0.0e+00;
	v11 =	vld [tilespmem:s15+$0xFFFFFFF0];
	v7 =	vmul.f32 v17, v31;
	v49 =	vmul.f32 v17, v29  }
0xe6: {  	v9 =	vimm.f32 $0.0e+00;
	v42 =	vld.idx.msk [tilespmem:v5+s23+$0x0], $0xffff;
	v5 =	vmul.f32 v8, v31;
	v20 =	vmul.f32 v17, v32  }
0xe7: {  	v22 =	vmul.f32 v8, v32;
	v47 =	vmul.f32 v8, v21;
	v14 =	vadd.f32 v3, v9  }
0xe8: {  	v15 =	vadd.f32 v7, v9;
	v7 =	vmul.f32 v8, v24;
	v13 =	vadd.f32 v5, v9  }
0xe9: {  	v23 =	vadd.f32 v20, v9;
	v10 =	vmul.f32 v4, v21;
	v12 =	vmul.f32 v17, v2  }
0xea: {  	v19 =	vmul.f32 v4, v31;
	v18 =	vadd.f32 v7, v9;
	v30 =	vmul.f32 v8, v2  }
0xeb: {  	v40 =	vmul.f32 v4, v24;
	v3 =	vadd.f32 v10, v9;
	v10 =	vmul.f32 v4, v11  }
0xec: {  	v48 =	vld [tilespmem:s15+$0xFFFFFFD0];
	v50 =	vmul.f32 v42, v32;
	v16 =	vadd.f32 v12, v9;
	v12 =	vadd.f32 v6, v9  }
0xed: {  	v6 =	vmul.f32 v4, v29;
	v5 =	vadd.f32 v10, v9;
	v10 =	vmul.f32 v8, v29  }
0xee: {  	v7 =	vadd.f32 v19, v9;
	v19 =	vadd.f32 v22, v9;
	v22 =	vimm.f32 $0.0e+00  }
0xef: {  	s7 =	simm.s32 $0x1;
	s8 =	sadd.s32 $0x80, s15;
	v6 =	vadd.f32 v6, v9;
	v20 =	vadd.f32 v10, v9;
	v10 =	vimm.f32 $0.0e+00  }
.LBB2_6:
0xf0: {  	s9 =	sadd.s32 $0x10, s7;
	s10 =	sadd.s32 $0x20, s7;
	s11 =	sadd.s32 $0x30, s7;
	v9 =	vadd.f32 v49, v9;
	v49 =	vmul.f32 v8, v11;
	v32 =	vmul.f32 v4, v32  }
0xf1: {  	p1 =	sne.s32 s7, $0xF;
	v51 =	vmov s9;
	v52 =	vmov s10;
	v53 =	vmul.f32 v17, v48;
	s9 =	smov.u32 s7;
	s7 =	sadd.s32 $0x1, s7  }
0xf2: {  	v55 =	vmul.f32 v42, v21;
	v54 =	vmov s11;
	v10 =	vadd.f32 v32, v10  }
0xf3: {  	v56 =	vmul.f32 v42, v24;
	v37 =	vadd.f32 v50, v37;
	v50 =	vmul.f32 v17, v11;
	v32 =	vld [tilespmem:s8+$0x20]  }
0xf4: {  	v29 =	vmul.f32 v42, v29;
	v26 =	vadd.f32 v49, v26;
	v49 =	vmul.f32 v4, v48;
	v24 =	vld [tilespmem:s8+$0xFFFFFFC0]  }
0xf5: {  	v31 =	vmul.f32 v42, v31;
	v44 =	vadd.f32 v56, v44;
	v35 =	vadd.f32 v53, v35;
	v21 =	vld [tilespmem:s8+$0x30]  }
0xf6: {  	v38 =	vadd.f32 v29, v38;
	v34 =	vadd.f32 v50, v34;
	v17 =	vld.idx.msk [tilespmem:v51+s23+$0x0], $0xffff;
	v51 =	vmul.f32 v42, v48  }
0xf7: {  	v43 =	vadd.f32 v31, v43;
	v53 =	vmul.f32 v42, v2;
	v22 =	vadd.f32 v49, v22;
	v50 =	vld.idx.msk [tilespmem:v54+s23+$0x0], $0xffff  }
0xf8: {  	v11 =	vmul.f32 v42, v11;
	v42 =	vmul.f32 v8, v48;
	v31 =	vld [tilespmem:s8+$0xFFFFFFE0];
	v46 =	vadd.f32 v51, v46;
	v29 =	vmovc v32  }
0xf9: {  	v27 =	vadd.f32 v47, v27;
	v4 =	vmul.f32 v4, v2;
	v41 =	vadd.f32 v53, v41;
	v2 =	vld [tilespmem:s8+$0x0]  }
0xfa: {  	v28 =	vadd.f32 v40, v28;
	v47 =	vmov s9;
	v45 =	vadd.f32 v11, v45;
	v8 =	vld.idx.msk [tilespmem:v52+s23+$0x0], $0xffff  }
0xfb: {  	v39 =	vadd.f32 v55, v39;
	v25 =	vadd.f32 v4, v25;
	v11 =	vld [tilespmem:s8+$0xFFFFFFF0]  }
0xfc: {  	v36 =	vadd.f32 v42, v36;
	v40 =	vmul.f32 v17, v24;
	v48 =	vmul.f32 v17, v21  }
0xfd: {  	v33 =	vadd.f32 v30, v33;
	v51 =	vmul.f32 v50, v21;
	v4 =	vmovc v50;
	v32 =	vld [tilespmem:s8+$0x10];
	v49 =	vmul.f32 v17, v31  }
0xfe: {  	v14 =	vadd.f32 v40, v14;
	v40 =	vmul.f32 v4, v31;
	v30 =	vmul.f32 v17, v2  }
0xff: {  	v3 =	vadd.f32 v51, v3;
	v42 =	vld.idx.msk [tilespmem:v47+s23+$0x0], $0xffff;
	v15 =	vadd.f32 v49, v15;
	v49 =	vmul.f32 v17, v29  }
0x100: {  	v16 =	vadd.f32 v30, v16;
	v30 =	vmul.f32 v8, v24;
	v47 =	vmul.f32 v4, v11  }
0x101: {  	v12 =	vadd.f32 v48, v12;
	v51 =	vmul.f32 v4, v29;
	v50 =	vmul.f32 v8, v31  }
.Ltmp1:
0x102: {  	v52 =	vmul.f32 v17, v32;
	v18 =	vadd.f32 v30, v18;
	v30 =	vmul.f32 v8, v2;
	(pc) =	sbr.rel @p1 .LBB2_6-.Ltmp1, $4  }
0x103: {  	v13 =	vadd.f32 v50, v13;
	v50 =	vmul.f32 v8, v32;
	v5 =	vadd.f32 v47, v5;
	v48 =	vld [tilespmem:s8+$0xFFFFFFD0]  }
0x104: {  	v7 =	vadd.f32 v40, v7;
	v6 =	vadd.f32 v51, v6;
	v47 =	vmul.f32 v8, v29  }
0x105: {  	v40 =	vmul.f32 v4, v24;
	v23 =	vadd.f32 v52, v23;
	v19 =	vadd.f32 v50, v19  }
0x106: {  	s8 =	sadd.s32 $0x80, s8;
	v50 =	vmul.f32 v42, v32;
	v20 =	vadd.f32 v47, v20;
	v47 =	vmul.f32 v8, v21  }
0x107: {  	s7 =	smul.u32 $0xE00, s16;
	_ =	sdelay $0x1  }
0x108: {  	s7 =	sshra.s32 s7, $0x2  }
0x109: {  	[tilespmem:s7+$0x10370] =	vst v14  }
0x10a: {  	[tilespmem:s7+$0x10390] =	vst v15  }
0x10b: {  	v9 =	vadd.f32 v49, v9;
	[tilespmem:s7+$0x103B0] =	vst v16  }
0x10c: {  	[tilespmem:s7+$0x103C0] =	vst v23  }
0x10d: {  	[tilespmem:s7+$0x103D0] =	vst v9  }
0x10e: {  	[tilespmem:s7+$0x103E0] =	vst v12  }
0x10f: {  	[tilespmem:s7+$0x103F0] =	vst v18  }
0x110: {  	[tilespmem:s7+$0x10410] =	vst v13  }
0x111: {  	[tilespmem:s7+$0x10440] =	vst v19  }
0x112: {  	[tilespmem:s7+$0x10450] =	vst v20  }
0x113: {  	v24 =	vmul.f32 v42, v24;
	[tilespmem:s7+$0x10490] =	vst v7  }
0x114: {  	v31 =	vmul.f32 v42, v31;
	[tilespmem:s7+$0x104A0] =	vst v5  }
0x115: {  	v63 =	vmul.f32 v42, v2;
	v24 =	vadd.f32 v24, v44;
	[tilespmem:s7+$0x104D0] =	vst v6  }
0x116: {  	v62 =	vmul.f32 v42, v11;
	v31 =	vadd.f32 v31, v43;
	[tilespmem:s7+$0x104E0] =	vst v3  }
0x117: {  	v21 =	vmul.f32 v42, v21;
	v2 =	vmul.f32 v4, v2;
	v41 =	vadd.f32 v63, v41;
	[tilespmem:s7+$0x102F0] =	vst v24  }
0x118: {  	v29 =	vmul.f32 v42, v29;
	v24 =	vadd.f32 v62, v45;
	[tilespmem:s7+$0x10310] =	vst v31  }
0x119: {  	v51 =	vmul.f32 v42, v48;
	v21 =	vadd.f32 v21, v39;
	v2 =	vadd.f32 v2, v25;
	[tilespmem:s7+$0x10330] =	vst v41  }
0x11a: {  	[tilespmem:s7+$0x10320] =	vst v24;
	v24 =	vadd.f32 v29, v38;
	v29 =	vmul.f32 v17, v48;
	v17 =	vmul.f32 v17, v11  }
0x11b: {  	v61 =	vadd.f32 v51, v46;
	[tilespmem:s7+$0x10360] =	vst v21  }
0x11c: {  	[tilespmem:s7+$0x104B0] =	vst v2;
	v14 =	vadd.f32 v17, v34  }
0x11d: {  	[tilespmem:s7+$0x10300] =	vst v61  }
0x11e: {  	v31 =	vadd.f32 v50, v37;
	[tilespmem:s7+$0x103A0] =	vst v14;
	v14 =	vmul.f32 v8, v48  }
0x11f: {  	[tilespmem:s7+$0x10350] =	vst v24;
	v24 =	vadd.f32 v29, v35;
	v8 =	vmul.f32 v8, v11  }
0x120: {  	[tilespmem:s7+$0x10340] =	vst v31;
	v9 =	vadd.f32 v14, v36  }
0x121: {  	[tilespmem:s7+$0x10380] =	vst v24;
	v8 =	vadd.f32 v8, v26  }
0x122: {  	[tilespmem:s7+$0x10400] =	vst v9;
	v9 =	vadd.f32 v30, v33  }
0x123: {  	v11 =	vadd.f32 v40, v28;
	[tilespmem:s7+$0x10420] =	vst v8;
	v8 =	vmul.f32 v4, v48  }
0x124: {  	v4 =	vmul.f32 v4, v32;
	[tilespmem:s7+$0x10430] =	vst v9;
	v9 =	vadd.f32 v47, v27  }
0x125: {  	[tilespmem:s7+$0x10470] =	vst v11;
	v8 =	vadd.f32 v8, v22  }
0x126: {  	v4 =	vadd.f32 v4, v10;
	[tilespmem:s7+$0x10460] =	vst v9  }
0x127: {  	s30 =	simm.s32 $0x60;
	[tilespmem:s7+$0x10480] =	vst v8  }
0x128: {  	s8 =	simm.s32 $0x50;
	v5 =	vmov s30;
	[tilespmem:s7+$0x104C0] =	vst v4  }
0x129: {  	v4 =	vmov s8;
	v2 =	vld [tilespmem:s15+$0x10]  }
0x12a: {  	v8 =	vld [tilespmem:s15+$0xFFFFFFE0]  }
0x12b: {  	v22 =	vld [tilespmem:s15+$0xFFFFFFC0]  }
0x12c: {  	v27 =	vld [tilespmem:s15+$0xFFFFFFD0]  }
0x12d: {  	s31 =	simm.s32 $0x40;
	v9 =	vld.idx.msk [tilespmem:v5+s23+$0x0], $0xffff  }
0x12e: {  	v7 =	vimm.f32 $0.0e+00;
	v13 =	vmov s31;
	v20 =	vimm.f32 $0.0e+00;
	v25 =	vld.idx.msk [tilespmem:v4+s23+$0x0], $0xffff  }
0x12f: {  	v15 =	vimm.f32 $0.0e+00;
	v23 =	vimm.f32 $0.0e+00;
	v18 =	vimm.f32 $0.0e+00;
	v3 =	vld [tilespmem:s15+$0x30]  }
0x130: {  	v21 =	vimm.f32 $0.0e+00;
	v31 =	vimm.f32 $0.0e+00;
	v29 =	vimm.f32 $0.0e+00;
	v6 =	vld [tilespmem:s15+$0x0]  }
0x131: {  	v35 =	vimm.f32 $0.0e+00;
	v17 =	vimm.f32 $0.0e+00;
	v34 =	vimm.f32 $0.0e+00;
	v12 =	vld [tilespmem:s15+$0x20]  }
0x132: {  	v28 =	vimm.f32 $0.0e+00;
	v24 =	vimm.f32 $0.0e+00;
	v36 =	vimm.f32 $0.0e+00  }
0x133: {  	v30 =	vimm.f32 $0.0e+00;
	v39 =	vmul.f32 v9, v27;
	v4 =	vmul.f32 v25, v22  }
0x134: {  	v33 =	vimm.f32 $0.0e+00;
	v37 =	vld.idx.msk [tilespmem:v13+s23+$0x0], $0xffff;
	v32 =	vmul.f32 v25, v3;
	v5 =	vmul.f32 v25, v27  }
0x135: {  	v13 =	vimm.f32 $0.0e+00;
	v26 =	vld [tilespmem:s15+$0xFFFFFFF0];
	v10 =	vmul.f32 v25, v8;
	v38 =	vmul.f32 v25, v6  }
0x136: {  	v40 =	vmul.f32 v25, v12;
	v16 =	vadd.f32 v4, v7;
	v4 =	vmul.f32 v25, v2  }
0x137: {  	v14 =	vadd.f32 v10, v7;
	v19 =	vadd.f32 v5, v7;
	v10 =	vimm.f32 $0.0e+00  }
0x138: {  	s10 =	simm.s32 $0x41;
	s8 =	sadd.s32 $0x80, s15;
	v5 =	vimm.f32 $0.0e+00;
	v11 =	vadd.f32 v4, v7;
	v4 =	vimm.f32 $0.0e+00  }
.LBB2_8:
0x139: {  	s11 =	sadd.s32 $0x10, s10  }
0x13a: {  	s29 =	sadd.s32 $0x20, s10;
	v41 =	vmul.f32 v37, v26;
	v25 =	vmul.f32 v25, v26;
	v7 =	vadd.f32 v40, v7;
	s30 =	smov.u32 s10;
	s9 =	sadd.s32 $0x1, s10  }
0x13b: {  	p1 =	sne.s32 s10, $0x4F;
	v44 =	vmul.f32 v9, v12;
	v40 =	vld [tilespmem:s8+$0x10];
	v42 =	vmov s11;
	v43 =	vmov s29  }
0x13c: {  	v46 =	vmul.f32 v37, v8;
	v20 =	vadd.f32 v38, v20;
	v38 =	vmul.f32 v9, v3;
	v45 =	vld [tilespmem:s8+$0x0]  }
0x13d: {  	v48 =	vmul.f32 v37, v22;
	v15 =	vadd.f32 v32, v15;
	v10 =	vadd.f32 v39, v10;
	v47 =	vld [tilespmem:s8+$0xFFFFFFE0]  }
0x13e: {  	v32 =	vmov s30;
	v28 =	vadd.f32 v46, v28;
	v24 =	vadd.f32 v25, v24;
	v39 =	vld [tilespmem:s8+$0xFFFFFFC0]  }
0x13f: {  	v49 =	vmul.f32 v37, v27;
	v50 =	vmul.f32 v9, v2;
	v4 =	vadd.f32 v44, v4;
	v46 =	vld [tilespmem:s8+$0x30]  }
0x140: {  	v29 =	vadd.f32 v41, v29;
	v41 =	vmul.f32 v37, v6;
	v5 =	vadd.f32 v38, v5;
	v25 =	vld.idx.msk [tilespmem:v42+s23+$0x0], $0xffff  }
0x141: {  	v22 =	vmul.f32 v9, v22;
	v35 =	vadd.f32 v48, v35;
	v38 =	vmul.f32 v37, v2;
	v42 =	vld.idx.msk [tilespmem:v43+s23+$0x0], $0xffff  }
0x142: {  	v51 =	vmul.f32 v9, v8;
	v48 =	vmul.f32 v9, v6;
	v30 =	vadd.f32 v41, v30;
	v2 =	vmovc v40;
	v27 =	vld [tilespmem:s8+$0xFFFFFFD0]  }
0x143: {  	v36 =	vadd.f32 v49, v36;
	v23 =	vadd.f32 v22, v23;
	v9 =	vmul.f32 v9, v26;
	v41 =	vld.idx.msk [tilespmem:v32+s23+$0x0], $0xffff  }
0x144: {  	v44 =	vmul.f32 v37, v3;
	v31 =	vadd.f32 v38, v31;
	v13 =	vadd.f32 v48, v13;
	v6 =	vmovc v45;
	v43 =	vld [tilespmem:s8+$0x20]  }
0x145: {  	v21 =	vadd.f32 v51, v21;
	v38 =	vmul.f32 v37, v12;
	v18 =	vadd.f32 v9, v18;
	v8 =	vmovc v47  }
.Ltmp2:
0x146: {  	v17 =	vadd.f32 v50, v17;
	v22 =	vmovc v39;
	v40 =	vmul.f32 v25, v39;
	v32 =	vmul.f32 v25, v46;
	v26 =	vld [tilespmem:s8+$0xFFFFFFF0];
	(pc) =	sbr.rel @p1 .LBB2_8-.Ltmp2, $4  }
0x147: {  	v34 =	vadd.f32 v38, v34;
	v3 =	vmovc v46;
	v45 =	vmul.f32 v25, v8;
	v47 =	vmul.f32 v25, v27  }
0x148: {  	v38 =	vmul.f32 v25, v6;
	v39 =	vmul.f32 v25, v2;
	v9 =	vmovc v42;
	v16 =	vadd.f32 v40, v16  }
0x149: {  	v33 =	vadd.f32 v44, v33;
	v14 =	vadd.f32 v45, v14;
	v37 =	vmovc v41;
	v40 =	vmul.f32 v25, v43  }
0x14a: {  	s10 =	smov.u32 s9;
	s8 =	sadd.s32 $0x80, s8;
	v11 =	vadd.f32 v39, v11;
	v39 =	vmul.f32 v9, v27;
	v19 =	vadd.f32 v47, v19;
	v12 =	vmovc v43  }
0x14b: {  	[tilespmem:s7+$0x10570] =	vst v16  }
0x14c: {  	[tilespmem:s7+$0x10590] =	vst v14  }
0x14d: {  	v56 =	vadd.f32 v38, v20;
	[tilespmem:s7+$0x10580] =	vst v19  }
0x14e: {  	v7 =	vadd.f32 v40, v7;
	[tilespmem:s7+$0x105C0] =	vst v11  }
0x14f: {  	v41 =	vmul.f32 v37, v22;
	v15 =	vadd.f32 v32, v15;
	[tilespmem:s7+$0x105B0] =	vst v56  }
0x150: {  	v27 =	vmul.f32 v37, v27;
	v60 =	vadd.f32 v39, v10;
	[tilespmem:s7+$0x105D0] =	vst v7  }
0x151: {  	v42 =	vmul.f32 v37, v8;
	v35 =	vadd.f32 v41, v35;
	[tilespmem:s7+$0x105E0] =	vst v15  }
0x152: {  	v46 =	vmul.f32 v37, v26;
	v27 =	vadd.f32 v27, v36;
	[tilespmem:s7+$0x10600] =	vst v60  }
0x153: {  	v47 =	vmul.f32 v37, v6;
	v28 =	vadd.f32 v42, v28;
	[tilespmem:s7+$0x104F0] =	vst v35  }
0x154: {  	v48 =	vmul.f32 v37, v2;
	v29 =	vadd.f32 v46, v29;
	[tilespmem:s7+$0x10500] =	vst v27  }
0x155: {  	v50 =	vmul.f32 v37, v12;
	v49 =	vadd.f32 v47, v30;
	[tilespmem:s7+$0x10510] =	vst v28  }
0x156: {  	v52 =	vmul.f32 v37, v3;
	v51 =	vadd.f32 v48, v31;
	[tilespmem:s7+$0x10520] =	vst v29  }
0x157: {  	v25 =	vmul.f32 v25, v26;
	v53 =	vadd.f32 v50, v34;
	[tilespmem:s7+$0x10530] =	vst v49  }
0x158: {  	v57 =	vmul.f32 v9, v22;
	v54 =	vadd.f32 v52, v33;
	[tilespmem:s7+$0x10540] =	vst v51  }
0x159: {  	v58 =	vmul.f32 v9, v8;
	v55 =	vadd.f32 v25, v24;
	[tilespmem:s7+$0x10550] =	vst v53  }
0x15a: {  	v61 =	vmul.f32 v9, v26;
	v59 =	vadd.f32 v57, v23;
	[tilespmem:s7+$0x10560] =	vst v54  }
0x15b: {  	v62 =	vmul.f32 v9, v6;
	v8 =	vadd.f32 v58, v21;
	[tilespmem:s7+$0x105A0] =	vst v55  }
0x15c: {  	v2 =	vmul.f32 v9, v2;
	s16 =	sadd.s32 $0x1, s16;
	v10 =	vadd.f32 v61, v18;
	[tilespmem:s7+$0x105F0] =	vst v59  }
0x15d: {  	v63 =	vmul.f32 v9, v12;
	p1 =	sne.s32 s16, $0x8;
	v6 =	vadd.f32 v62, v13;
	[tilespmem:s7+$0x10610] =	vst v8  }
.Ltmp3:
0x15e: {  	v3 =	vmul.f32 v9, v3;
	v2 =	vadd.f32 v2, v17;
	[tilespmem:s7+$0x10620] =	vst v10;
	(pc) =	sbr.rel @p1 .LBB2_3-.Ltmp3, $4  }
0x15f: {  	v4 =	vadd.f32 v63, v4;
	[tilespmem:s7+$0x10630] =	vst v6  }
0x160: {  	v3 =	vadd.f32 v3, v5;
	[tilespmem:s7+$0x10640] =	vst v2  }
0x161: {  	[tilespmem:s7+$0x10650] =	vst v4  }
0x162: {  	s17 =	sadd.s32 $0x400, s17;
	s15 =	sadd.s32 $0x800, s15;
	[tilespmem:s7+$0x10660] =	vst v3  }
0x163: {  	s7 =	sadd.s32 s4, s13  }
0x164: {  	s7 =	smul.u32 $0x70, s7;
	_ =	sdelay $0x1  }
0x165: {  	p1 =	seq.s32 s0, $0x1F;
	s7 =	sadd.s32 s6, s7  }
0x166: {  	[hbm4b:s7+s3] =	stream.linear.scatter [tilespmem:s24], [sflag:$0x3], $0x1C00, $0x38;
	[tilespmem:$0x19B70] =	vst v63  }
0x167: {  	s7 =	sshll.u32 @!p1 s0, $0xA  }
0x168: {  	s7 =	sshra.s32 @!p1 s7, $0x2  }
0x169: {  	v2 =	vld @!p1 [tilespmem:s7+$0x8300];
	_ =	sdelay $0x4  }
0x16a: {  	v2 =	vadd.s32 @!p1 v0, v2  }
0x16b: {  	[tilespmem:$0xA270] =	vst @!p1 v2  }
0x16c: {  	v2 =	vld @!p1 [tilespmem:s7+$0x8310];
	_ =	sdelay $0x4  }
0x16d: {  	v2 =	vadd.s32 @!p1 v0, v2  }
0x16e: {  	[tilespmem:$0xA280] =	vst @!p1 v2  }
0x16f: {  	v2 =	vld @!p1 [tilespmem:s7+$0x8320];
	_ =	sdelay $0x4  }
0x170: {  	v2 =	vadd.s32 @!p1 v0, v2  }
0x171: {  	[tilespmem:$0xA290] =	vst @!p1 v2  }
0x172: {  	v2 =	vld @!p1 [tilespmem:s7+$0x8330];
	_ =	sdelay $0x4  }
0x173: {  	v2 =	vadd.s32 @!p1 v0, v2  }
0x174: {  	[tilespmem:$0xA2A0] =	vst @!p1 v2  }
0x175: {  	v2 =	vld @!p1 [tilespmem:s7+$0x8340];
	_ =	sdelay $0x4  }
0x176: {  	v2 =	vadd.s32 @!p1 v0, v2  }
0x177: {  	[tilespmem:$0xA2B0] =	vst @!p1 v2  }
0x178: {  	v2 =	vld @!p1 [tilespmem:s7+$0x8350];
	_ =	sdelay $0x4  }
0x179: {  	v2 =	vadd.s32 @!p1 v0, v2  }
0x17a: {  	[tilespmem:$0xA2C0] =	vst @!p1 v2  }
0x17b: {  	v2 =	vld @!p1 [tilespmem:s7+$0x8360];
	_ =	sdelay $0x4  }
0x17c: {  	v2 =	vadd.s32 @!p1 v0, v2  }
0x17d: {  	[tilespmem:$0xA2D0] =	vst @!p1 v2  }
0x17e: {  	v2 =	vld @!p1 [tilespmem:s7+$0x8370];
	_ =	sdelay $0x4  }
0x17f: {  	v2 =	vadd.s32 @!p1 v0, v2  }
0x180: {  	s8 =	simm.s32 @!p1 $0xA270;
	s9 =	simm.s32 @!p1 $0xA2F0;
	s7 =	simm.s32 @!p1 $0x80;
	[tilespmem:$0xA2E0] =	vst @!p1 v2  }
0x181: {  	[tilespmem:s9], [sflag:$0x1] =	stream.indirect.gather @!p1 [hbm4b:s5+s7], $0x40, s8, s7, $0xb8;
	[tilespmem:$0x19B70] =	vst v63  }
0x182: {  	s9 =	simm.s32 @!p1 $0xC2F0  }
0x183: {  	[tilespmem:s9], [sflag:$0x2] =	stream.indirect.gather @!p1 [hbm4b:s1+s7], $0x80, s8, s7, $0xb8;
	[tilespmem:$0x19B70] =	vst v63  }
0x184: {  	_ =	swait.ge [sflag:s25], $0x2000  }
0x185: {  	[sflag:s25] =	ssyncset.done $0x0  }
0x186: {  	[sflag:s25] =	ssyncadd.s32 $0xFFFFE000  }
0x187: {  	_ =	swait.ge [sflag:s26], $0x4000  }
0x188: {  	[sflag:s26] =	ssyncset.done $0x0  }
0x189: {  	s7 =	simm.s32 @!p0 $0x6;
	[sflag:s26] =	ssyncadd.s32 $0xFFFFC000  }
0x18a: {  	_ =	swait.ge @!p0 [sflag:s7], $0x1C00  }
0x18b: {  	s2 =	sshll.u32 s2, $0x3;
	s13 =	simm.s32 $0x0;
	[sflag:s7] =	ssyncset.done @!p0 $0x0  }
0x18c: {  	s16 =	simm.s32 $0x11F90;
	s15 =	simm.s32 $0x13FB0;
	[sflag:s7] =	ssyncadd.s32 @!p0 $0xFFFFE400  }
.LBB2_11:
0x18d: {  	v6 =	vld [tilespmem:s16+$0xFFFFFFE0]  }
0x18e: {  	v7 =	vld [tilespmem:s16+$0xFFFFFFF0]  }
0x18f: {  	s7 =	sadd.s32 s2, s13;
	v8 =	vld [tilespmem:s16+$0x0]  }
0x190: {  	s31 =	sadd.s32 $0x40, s16;
	v11 =	vld [tilespmem:s16+$0x10];
	s8 =	sshll.u32 s7, $0x6  }
0x191: {  	v9 =	vld [tilespmem:s31+$0xFFFFFFE0];
	s8 =	sand.u32 $0x3FFFFFC0, s8  }
0x192: {  	v5 =	vld [tilespmem:s8+$0x0]  }
0x193: {  	v4 =	vld [tilespmem:s8+$0x10]  }
0x194: {  	v3 =	vld [tilespmem:s8+$0x20]  }
0x195: {  	v10 =	vld [tilespmem:s31+$0xFFFFFFF0]  }
0x196: {  	v2 =	vld [tilespmem:s8+$0x30];
	_ =	sdelay $0x1  }
0x197: {  	v12 =	vld [tilespmem:s31+$0x0];
	v6 =	vsub.f32 v6, v5;
	v7 =	vsub.f32 v7, v4  }
0x198: {  	v8 =	vsub.f32 v8, v3;
	v9 =	vsub.f32 v9, v5  }
0x199: {  	v13 =	vld [tilespmem:s31+$0x10];
	v10 =	vsub.f32 v10, v4;
	v6 =	vmul.f32 v6, v6;
	v7 =	vmul.f32 v7, v7  }
0x19a: {  	v11 =	vsub.f32 v11, v2;
	v9 =	vmul.f32 v9, v9  }
0x19b: {  	v10 =	vmul.f32 v10, v10;
	v6 =	vadd.f32 v7, v6;
	v7 =	vmul.f32 v8, v8  }
0x19c: {  	s8 =	sadd.s32 $0x40, s31;
	v8 =	vsub.f32 v12, v3  }
0x19d: {  	v14 =	vld [tilespmem:s8+$0xFFFFFFE0];
	v6 =	vadd.f32 v7, v6;
	v7 =	vadd.f32 v10, v9;
	v10 =	vmul.f32 v11, v11  }
0x19e: {  	v15 =	vld [tilespmem:s8+$0xFFFFFFF0];
	v8 =	vmul.f32 v8, v8;
	v9 =	vsub.f32 v13, v2  }
0x19f: {  	v10 =	vadd.f32 v10, v6  }
0x1a0: {  	v12 =	vld [tilespmem:s8+$0x0];
	v8 =	vadd.f32 v8, v7;
	v9 =	vmul.f32 v9, v9  }
0x1a1: {  	(xrf2) =	vadd.scan.msk.f32 $0xffff, v10  }
0x1a2: {  	s11 =	sadd.s32 $0x40, s8;
	v13 =	vld [tilespmem:s8+$0x10];
	v9 =	vadd.f32 v9, v8  }
0x1a3: {  	v15 =	vsub.f32 v15, v4;
	v11 =	vsub.f32 v14, v5;
	v14 =	vld [tilespmem:s11+$0xFFFFFFE0]  }
0x1a4: {  	v7 =	vld [tilespmem:s11+$0xFFFFFFF0];
	(xrf2) =	vadd.scan.msk.f32 $0xffff, v9  }
0x1a5: {  	v15 =	vmul.f32 v15, v15;
	v11 =	vmul.f32 v11, v11;
	v12 =	vsub.f32 v12, v3;
	v8 =	vld [tilespmem:s11+$0x0];
	_ =	sdelay $0x1  }
0x1a6: {  	s10 =	simm.s32 $0x1;
	s9 =	simm.s32 $0x3;
	s29 =	simm.s32 $0x4;
	v10 =	vadd.f32 v15, v11;
	v11 =	vmul.f32 v12, v12;
	v12 =	vsub.f32 v13, v2  }
0x1a7: {  	s17 =	simm.s32 $0x0;
	s8 =	simm.s32 $0x2;
	v6 =	vimm.f32 $0.0e+00;
	v13 =	vsub.f32 v14, v5;
	v9 =	vld [tilespmem:s11+$0x10];
	s11 =	sadd.s32 $0x40, s11  }
.LBB2_12:
0x1a8: {  	v14 =	vld [tilespmem:s11+$0xFFFFFFE0];
	v15 =	vsub.f32 v7, v4;
	v18 =	vadd.f32 v11, v10;
	v11 =	vmul.f32 v12, v12;
	s30 =	smov.u32 s29;
	p0 =	sne.s32 s29, $0xF  }
.Ltmp4:
0x1a9: {  	s29 =	sadd.s32 $0x1, s29;
	v16 =	vmov s17;
	v7 =	vld [tilespmem:s11+$0xFFFFFFF0];
	v12 =	vsub.f32 v8, v3;
	(pc) =	sbr.rel @p0 .LBB2_12-.Ltmp4, $4  }
0x1aa: {  	s17 =	smov.u32 s10;
	s10 =	smov.u32 s8;
	s8 =	smov.u32 s9;
	v13 =	vmul.f32 v13, v13;
	v8 =	vld [tilespmem:s11+$0x0];
	v15 =	vmul.f32 v15, v15;
	v17 =	vadd.f32 v11, v18;
	v10, _, _ =	vpop (xrf2)  }
0x1ab: {  	vm0 =	veq.s32 v16, v1;
	s9 =	smov.u32 s30;
	v16 =	vbroadcast v10, $0xF  }
0x1ac: {  	v11 =	vmul.f32 v12, v12;
	v10 =	vadd.f32 v15, v13;
	v12 =	vsub.f32 v9, v2;
	(xrf2) =	vadd.scan.msk.f32 $0xffff, v17  }
0x1ad: {  	v13 =	vsub.f32 v14, v5;
	v9 =	vld [tilespmem:s11+$0x10];
	s11 =	sadd.s32 $0x40, s11;
	v6 =	vsel vm0, v16, v6  }
0x1ae: {  	v5 =	vmov s7;
	_ =	sdelay $0x4  }
0x1af: {  	v5 =	vld.idx.msk [tilespmem:v5+s12+$0x0], $0xffff  }
0x1b0: {  	v4 =	vsub.f32 v7, v4  }
0x1b1: {  	v3 =	vsub.f32 v8, v3  }
0x1b2: {  	v7 =	vmul.f32 v13, v13;
	v4 =	vmul.f32 v4, v4  }
0x1b3: {  	v3 =	vmul.f32 v3, v3  }
0x1b4: {  	v4 =	vadd.f32 v4, v7;
	v2 =	vsub.f32 v9, v2;
	v5 =	vmul.f32 $1.442695020e+00, v5  }
0x1b5: {  	v8 =	vmul.f32 v12, v12;
	v7 =	vadd.f32 v11, v10  }
0x1b6: {  	v3 =	vadd.f32 v3, v4;
	v2 =	vmul.f32 v2, v2;
	(erf) = vpow2.f32 v5  }
0x1b7: {  	v4 =	vadd.f32 v8, v7  }
0x1b8: {  	v2 =	vadd.f32 v2, v3  }
0x1b9: {  	(xrf2) =	vadd.scan.msk.f32 $0xffff, v4  }
0x1ba: {  	(xrf2) =	vadd.scan.msk.f32 $0xffff, v2;
	_ =	sdelay $0x4  }
0x1bb: {  	v4 =	vmov s17;
	v2 =	vpop (erf)  }
0x1bc: {  	vm0 =	veq.s32 v4, v1;
	v4 =	vmov s10;
	v3, _, _ =	vpop (xrf2);
	(erf) = vrcp.f32 v2  }
0x1bd: {  	v3 =	vbroadcast v3, $0xF;
	v2, _, _ =	vpop (xrf2)  }
0x1be: {  	v2 =	vbroadcast v2, $0xF  }
0x1bf: {  	vm13 =	veq.s32 v4, v1;
	v3 =	vsel vm0, v3, v6;
	v4, _, _ =	vpop (xrf2)  }
0x1c0: {  	v4 =	vbroadcast v4, $0xF;
	v5, _, _ =	vpop (xrf2);
	v2 =	vsel vm13, v2, v3;
	v3 =	vmov s8  }
0x1c1: {  	v5 =	vbroadcast v5, $0xF;
	vm14 =	veq.s32 v3, v1;
	v3 =	vmov s9  }
0x1c2: {  	v2 =	vsel vm14, v4, v2;
	vm15 =	veq.s32 v3, v1  }
0x1c3: {  	v2 =	vsel vm15, v5, v2  }
0x1c4: {  	v2 =	vsub.f32 $0.0e+00, v2  }
0x1c5: {  	v3 =	vpop (erf)  }
0x1c6: {  	v2 =	vmul.f32 v3, v2;
	_ =	sdelay $0x1  }
0x1c7: {  	(xrf0) =	vmax.scan.msk.f32 $0xffff, v2;
	_ =	sdelay $0x5  }
0x1c8: {  	v3, _, _ =	vpop (xrf0)  }
0x1c9: {  	v3 =	vbroadcast v3, $0xF;
	_ =	sdelay $0x1  }
0x1ca: {  	v2 =	vsub.f32 v2, v3;
	_ =	sdelay $0x1  }
0x1cb: {  	v2 =	vmul.f32 $1.442695020e+00, v2;
	_ =	sdelay $0x1  }
0x1cc: {  	(erf) = vpow2.f32 v2;
	_ =	sdelay $0x8  }
0x1cd: {  	v2 =	vpop (erf)  }
0x1ce: {  	(xrf2) =	vadd.scan.msk.f32 $0xffff, v2;
	_ =	sdelay $0x9  }
0x1cf: {  	v3, _, _ =	vpop (xrf2)  }
0x1d0: {  	v3 =	vbroadcast v3, $0xF;
	_ =	sdelay $0x1  }
0x1d1: {  	(erf) = vrcp.f32 v3;
	_ =	sdelay $0x8  }
0x1d2: {  	v3 =	vpop (erf)  }
0x1d3: {  	v2 =	vmul.f32 v3, v2;
	_ =	sdelay $0x1  }
0x1d4: {  	v3 =	vsub.f32 $1.000000000e+00, v2;
	_ =	sdelay $0x1  }
0x1d5: {  	v3 =	vmax.f32 v3, $1.000000010e-07  }
0x1d6: {  	v3 =	vmul.f32 v3, v2;
	_ =	sdelay $0x1  }
0x1d7: {  	(xrf2) =	vadd.scan.msk.f32 $0xffff, v3;
	_ =	sdelay $0x9  }
0x1d8: {  	v4, _, _ =	vpop (xrf2)  }
0x1d9: {  	v4 =	vbroadcast v4, $0xF;
	_ =	sdelay $0x1  }
0x1da: {  	(erf) = vrcp.f32 v4;
	_ =	sdelay $0x8  }
0x1db: {  	v4 =	vpop (erf)  }
0x1dc: {  	v3 =	vmul.f32 v4, v3;
	_ =	sdelay $0x1  }
0x1dd: {  	v4 =	vsub.f32 $1.000000000e+00, v3;
	_ =	sdelay $0x1  }
0x1de: {  	v4 =	vmax.f32 v4, $1.000000010e-07  }
0x1df: {  	v4 =	vmul.f32 v4, v3;
	_ =	sdelay $0x1  }
0x1e0: {  	(xrf2) =	vadd.scan.msk.f32 $0xffff, v4;
	_ =	sdelay $0x9  }
0x1e1: {  	v5, _, _ =	vpop (xrf2)  }
0x1e2: {  	v5 =	vbroadcast v5, $0xF;
	_ =	sdelay $0x1  }
0x1e3: {  	(erf) = vrcp.f32 v5;
	_ =	sdelay $0x8  }
0x1e4: {  	v5 =	vpop (erf)  }
0x1e5: {  	v4 =	vmul.f32 v5, v4;
	_ =	sdelay $0x1  }
0x1e6: {  	v5 =	vsub.f32 $1.000000000e+00, v4;
	_ =	sdelay $0x1  }
0x1e7: {  	v5 =	vmax.f32 v5, $1.000000010e-07  }
0x1e8: {  	v5 =	vmul.f32 v5, v4;
	_ =	sdelay $0x1  }
0x1e9: {  	(xrf2) =	vadd.scan.msk.f32 $0xffff, v5;
	_ =	sdelay $0x9  }
0x1ea: {  	v6, _, _ =	vpop (xrf2)  }
0x1eb: {  	v6 =	vbroadcast v6, $0xF;
	_ =	sdelay $0x1  }
0x1ec: {  	(erf) = vrcp.f32 v6;
	_ =	sdelay $0x8  }
0x1ed: {  	v6 =	vpop (erf)  }
0x1ee: {  	v5 =	vmul.f32 v6, v5;
	_ =	sdelay $0x1  }
0x1ef: {  	v6 =	vsub.f32 $1.000000000e+00, v5;
	_ =	sdelay $0x1  }
0x1f0: {  	v6 =	vmax.f32 v6, $1.000000010e-07  }
0x1f1: {  	v6 =	vmul.f32 v6, v5;
	_ =	sdelay $0x1  }
0x1f2: {  	(xrf2) =	vadd.scan.msk.f32 $0xffff, v6;
	_ =	sdelay $0x9  }
0x1f3: {  	v7, _, _ =	vpop (xrf2)  }
0x1f4: {  	v7 =	vbroadcast v7, $0xF;
	_ =	sdelay $0x1  }
0x1f5: {  	(erf) = vrcp.f32 v7;
	_ =	sdelay $0x8  }
0x1f6: {  	v7 =	vpop (erf)  }
0x1f7: {  	v6 =	vmul.f32 v7, v6;
	_ =	sdelay $0x1  }
0x1f8: {  	v7 =	vsub.f32 $1.000000000e+00, v6;
	_ =	sdelay $0x1  }
0x1f9: {  	v7 =	vmax.f32 v7, $1.000000010e-07  }
0x1fa: {  	v7 =	vmul.f32 v7, v6;
	_ =	sdelay $0x1  }
0x1fb: {  	(xrf2) =	vadd.scan.msk.f32 $0xffff, v7;
	_ =	sdelay $0x9  }
0x1fc: {  	v8, _, _ =	vpop (xrf2)  }
0x1fd: {  	v8 =	vbroadcast v8, $0xF;
	_ =	sdelay $0x1  }
0x1fe: {  	(erf) = vrcp.f32 v8;
	_ =	sdelay $0x8  }
0x1ff: {  	v8 =	vpop (erf)  }
0x200: {  	v7 =	vmul.f32 v8, v7;
	_ =	sdelay $0x1  }
0x201: {  	v8 =	vsub.f32 $1.000000000e+00, v7;
	_ =	sdelay $0x1  }
0x202: {  	v8 =	vmax.f32 v8, $1.000000010e-07  }
0x203: {  	v8 =	vmul.f32 v8, v7;
	_ =	sdelay $0x1  }
0x204: {  	(xrf2) =	vadd.scan.msk.f32 $0xffff, v8;
	_ =	sdelay $0x9  }
0x205: {  	v9, _, _ =	vpop (xrf2)  }
0x206: {  	v9 =	vbroadcast v9, $0xF;
	_ =	sdelay $0x1  }
0x207: {  	(erf) = vrcp.f32 v9;
	_ =	sdelay $0x5  }
0x208: {  	[tilespmem:$0xA200] =	vst v2  }
0x209: {  	[tilespmem:$0xA210] =	vst v3  }
0x20a: {  	[tilespmem:$0xA220] =	vst v4  }
0x20b: {  	[tilespmem:$0xA230] =	vst v5;
	v2 =	vpop (erf)  }
0x20c: {  	s17 =	simm.s32 $0x10;
	[tilespmem:$0xA240] =	vst v6;
	v2 =	vmul.f32 v2, v8  }
0x20d: {  	v3 =	vmov s17;
	[tilespmem:$0xA250] =	vst v7  }
0x20e: {  	s30 =	simm.s32 $0x20;
	[tilespmem:$0xA260] =	vst v2  }
0x20f: {  	v5 =	vmov s30;
	v29 =	vld [tilespmem:s15+$0x20]  }
0x210: {  	v24 =	vld [tilespmem:s15+$0xFFFFFFC0]  }
0x211: {  	s29 =	simm.s32 $0x30;
	v21 =	vld [tilespmem:s15+$0x30]  }
0x212: {  	v2 =	vmov s29;
	v17 =	vld.idx.msk [tilespmem:v3+s23+$0x0], $0xffff  }
0x213: {  	v37 =	vimm.f32 $0.0e+00;
	v26 =	vimm.f32 $0.0e+00;
	v44 =	vimm.f32 $0.0e+00;
	v31 =	vld [tilespmem:s15+$0xFFFFFFE0]  }
0x214: {  	s31 =	simm.s32 $0x0;
	v35 =	vimm.f32 $0.0e+00;
	v38 =	vimm.f32 $0.0e+00;
	v34 =	vimm.f32 $0.0e+00;
	v8 =	vld.idx.msk [tilespmem:v5+s23+$0x0], $0xffff  }
0x215: {  	v43 =	vimm.f32 $0.0e+00;
	v46 =	vimm.f32 $0.0e+00;
	v5 =	vmov s31;
	v32 =	vld [tilespmem:s15+$0x10]  }
0x216: {  	v41 =	vimm.f32 $0.0e+00;
	v27 =	vimm.f32 $0.0e+00;
	v45 =	vimm.f32 $0.0e+00  }
0x217: {  	v28 =	vimm.f32 $0.0e+00;
	v39 =	vimm.f32 $0.0e+00;
	v25 =	vimm.f32 $0.0e+00;
	v4 =	vld.idx.msk [tilespmem:v2+s23+$0x0], $0xffff  }
0x218: {  	v36 =	vimm.f32 $0.0e+00;
	v2 =	vld [tilespmem:s15+$0x0];
	v3 =	vmul.f32 v17, v24;
	v6 =	vmul.f32 v17, v21  }
0x219: {  	v33 =	vimm.f32 $0.0e+00;
	v11 =	vld [tilespmem:s15+$0xFFFFFFF0];
	v7 =	vmul.f32 v17, v31;
	v49 =	vmul.f32 v17, v29  }
0x21a: {  	v9 =	vimm.f32 $0.0e+00;
	v42 =	vld.idx.msk [tilespmem:v5+s23+$0x0], $0xffff;
	v5 =	vmul.f32 v8, v31;
	v20 =	vmul.f32 v17, v32  }
0x21b: {  	v22 =	vmul.f32 v8, v32;
	v47 =	vmul.f32 v8, v21;
	v14 =	vadd.f32 v3, v9  }
0x21c: {  	v15 =	vadd.f32 v7, v9;
	v7 =	vmul.f32 v8, v24;
	v13 =	vadd.f32 v5, v9  }
0x21d: {  	v23 =	vadd.f32 v20, v9;
	v10 =	vmul.f32 v4, v21;
	v12 =	vmul.f32 v17, v2  }
0x21e: {  	v19 =	vmul.f32 v4, v31;
	v18 =	vadd.f32 v7, v9;
	v30 =	vmul.f32 v8, v2  }
0x21f: {  	v40 =	vmul.f32 v4, v24;
	v3 =	vadd.f32 v10, v9;
	v10 =	vmul.f32 v4, v11  }
0x220: {  	v48 =	vld [tilespmem:s15+$0xFFFFFFD0];
	v50 =	vmul.f32 v42, v32;
	v16 =	vadd.f32 v12, v9;
	v12 =	vadd.f32 v6, v9  }
0x221: {  	v6 =	vmul.f32 v4, v29;
	v5 =	vadd.f32 v10, v9;
	v10 =	vmul.f32 v8, v29  }
0x222: {  	v7 =	vadd.f32 v19, v9;
	v19 =	vadd.f32 v22, v9;
	v22 =	vimm.f32 $0.0e+00  }
0x223: {  	s7 =	simm.s32 $0x1;
	s8 =	sadd.s32 $0x80, s15;
	v6 =	vadd.f32 v6, v9;
	v20 =	vadd.f32 v10, v9;
	v10 =	vimm.f32 $0.0e+00  }
.LBB2_14:
0x224: {  	s9 =	sadd.s32 $0x10, s7;
	s10 =	sadd.s32 $0x20, s7;
	s11 =	sadd.s32 $0x30, s7;
	v9 =	vadd.f32 v49, v9;
	v49 =	vmul.f32 v8, v11;
	v32 =	vmul.f32 v4, v32  }
0x225: {  	p0 =	sne.s32 s7, $0xF;
	v51 =	vmov s9;
	v52 =	vmov s10;
	v53 =	vmul.f32 v17, v48;
	s9 =	smov.u32 s7;
	s7 =	sadd.s32 $0x1, s7  }
0x226: {  	v55 =	vmul.f32 v42, v21;
	v54 =	vmov s11;
	v10 =	vadd.f32 v32, v10  }
0x227: {  	v56 =	vmul.f32 v42, v24;
	v37 =	vadd.f32 v50, v37;
	v50 =	vmul.f32 v17, v11;
	v32 =	vld [tilespmem:s8+$0x20]  }
0x228: {  	v29 =	vmul.f32 v42, v29;
	v26 =	vadd.f32 v49, v26;
	v49 =	vmul.f32 v4, v48;
	v24 =	vld [tilespmem:s8+$0xFFFFFFC0]  }
0x229: {  	v31 =	vmul.f32 v42, v31;
	v44 =	vadd.f32 v56, v44;
	v35 =	vadd.f32 v53, v35;
	v21 =	vld [tilespmem:s8+$0x30]  }
0x22a: {  	v38 =	vadd.f32 v29, v38;
	v34 =	vadd.f32 v50, v34;
	v17 =	vld.idx.msk [tilespmem:v51+s23+$0x0], $0xffff;
	v51 =	vmul.f32 v42, v48  }
0x22b: {  	v43 =	vadd.f32 v31, v43;
	v53 =	vmul.f32 v42, v2;
	v22 =	vadd.f32 v49, v22;
	v50 =	vld.idx.msk [tilespmem:v54+s23+$0x0], $0xffff  }
0x22c: {  	v11 =	vmul.f32 v42, v11;
	v42 =	vmul.f32 v8, v48;
	v31 =	vld [tilespmem:s8+$0xFFFFFFE0];
	v46 =	vadd.f32 v51, v46;
	v29 =	vmovc v32  }
0x22d: {  	v27 =	vadd.f32 v47, v27;
	v4 =	vmul.f32 v4, v2;
	v41 =	vadd.f32 v53, v41;
	v2 =	vld [tilespmem:s8+$0x0]  }
0x22e: {  	v28 =	vadd.f32 v40, v28;
	v47 =	vmov s9;
	v45 =	vadd.f32 v11, v45;
	v8 =	vld.idx.msk [tilespmem:v52+s23+$0x0], $0xffff  }
0x22f: {  	v39 =	vadd.f32 v55, v39;
	v25 =	vadd.f32 v4, v25;
	v11 =	vld [tilespmem:s8+$0xFFFFFFF0]  }
0x230: {  	v36 =	vadd.f32 v42, v36;
	v40 =	vmul.f32 v17, v24;
	v48 =	vmul.f32 v17, v21  }
0x231: {  	v33 =	vadd.f32 v30, v33;
	v51 =	vmul.f32 v50, v21;
	v4 =	vmovc v50;
	v32 =	vld [tilespmem:s8+$0x10];
	v49 =	vmul.f32 v17, v31  }
0x232: {  	v14 =	vadd.f32 v40, v14;
	v40 =	vmul.f32 v4, v31;
	v30 =	vmul.f32 v17, v2  }
0x233: {  	v3 =	vadd.f32 v51, v3;
	v42 =	vld.idx.msk [tilespmem:v47+s23+$0x0], $0xffff;
	v15 =	vadd.f32 v49, v15;
	v49 =	vmul.f32 v17, v29  }
0x234: {  	v16 =	vadd.f32 v30, v16;
	v30 =	vmul.f32 v8, v24;
	v47 =	vmul.f32 v4, v11  }
0x235: {  	v12 =	vadd.f32 v48, v12;
	v51 =	vmul.f32 v4, v29;
	v50 =	vmul.f32 v8, v31  }
.Ltmp5:
0x236: {  	v52 =	vmul.f32 v17, v32;
	v18 =	vadd.f32 v30, v18;
	v30 =	vmul.f32 v8, v2;
	(pc) =	sbr.rel @p0 .LBB2_14-.Ltmp5, $4  }
0x237: {  	v13 =	vadd.f32 v50, v13;
	v50 =	vmul.f32 v8, v32;
	v5 =	vadd.f32 v47, v5;
	v48 =	vld [tilespmem:s8+$0xFFFFFFD0]  }
0x238: {  	v7 =	vadd.f32 v40, v7;
	v6 =	vadd.f32 v51, v6;
	v47 =	vmul.f32 v8, v29  }
0x239: {  	v40 =	vmul.f32 v4, v24;
	v23 =	vadd.f32 v52, v23;
	v19 =	vadd.f32 v50, v19  }
0x23a: {  	s8 =	sadd.s32 $0x80, s8;
	v50 =	vmul.f32 v42, v32;
	v20 =	vadd.f32 v47, v20;
	v47 =	vmul.f32 v8, v21  }
0x23b: {  	s7 =	smul.u32 $0xE00, s13;
	_ =	sdelay $0x1  }
0x23c: {  	s7 =	sshra.s32 s7, $0x2  }
0x23d: {  	[tilespmem:s7+$0x17FF0] =	vst v14  }
0x23e: {  	[tilespmem:s7+$0x18010] =	vst v15  }
0x23f: {  	v9 =	vadd.f32 v49, v9;
	[tilespmem:s7+$0x18030] =	vst v16  }
0x240: {  	[tilespmem:s7+$0x18040] =	vst v23  }
0x241: {  	[tilespmem:s7+$0x18050] =	vst v9  }
0x242: {  	[tilespmem:s7+$0x18060] =	vst v12  }
0x243: {  	[tilespmem:s7+$0x18070] =	vst v18  }
0x244: {  	[tilespmem:s7+$0x18090] =	vst v13  }
0x245: {  	[tilespmem:s7+$0x180C0] =	vst v19  }
0x246: {  	[tilespmem:s7+$0x180D0] =	vst v20  }
0x247: {  	v24 =	vmul.f32 v42, v24;
	[tilespmem:s7+$0x18110] =	vst v7  }
0x248: {  	v31 =	vmul.f32 v42, v31;
	[tilespmem:s7+$0x18120] =	vst v5  }
0x249: {  	v63 =	vmul.f32 v42, v2;
	v24 =	vadd.f32 v24, v44;
	[tilespmem:s7+$0x18150] =	vst v6  }
0x24a: {  	v62 =	vmul.f32 v42, v11;
	v31 =	vadd.f32 v31, v43;
	[tilespmem:s7+$0x18160] =	vst v3  }
0x24b: {  	v21 =	vmul.f32 v42, v21;
	v2 =	vmul.f32 v4, v2;
	v41 =	vadd.f32 v63, v41;
	[tilespmem:s7+$0x17F70] =	vst v24  }
0x24c: {  	v29 =	vmul.f32 v42, v29;
	v24 =	vadd.f32 v62, v45;
	[tilespmem:s7+$0x17F90] =	vst v31  }
0x24d: {  	v51 =	vmul.f32 v42, v48;
	v21 =	vadd.f32 v21, v39;
	v2 =	vadd.f32 v2, v25;
	[tilespmem:s7+$0x17FB0] =	vst v41  }
0x24e: {  	[tilespmem:s7+$0x17FA0] =	vst v24;
	v24 =	vadd.f32 v29, v38;
	v29 =	vmul.f32 v17, v48;
	v17 =	vmul.f32 v17, v11  }
0x24f: {  	v61 =	vadd.f32 v51, v46;
	[tilespmem:s7+$0x17FE0] =	vst v21  }
0x250: {  	[tilespmem:s7+$0x18130] =	vst v2;
	v14 =	vadd.f32 v17, v34  }
0x251: {  	[tilespmem:s7+$0x17F80] =	vst v61  }
0x252: {  	v31 =	vadd.f32 v50, v37;
	[tilespmem:s7+$0x18020] =	vst v14;
	v14 =	vmul.f32 v8, v48  }
0x253: {  	[tilespmem:s7+$0x17FD0] =	vst v24;
	v24 =	vadd.f32 v29, v35;
	v8 =	vmul.f32 v8, v11  }
0x254: {  	[tilespmem:s7+$0x17FC0] =	vst v31;
	v9 =	vadd.f32 v14, v36  }
0x255: {  	[tilespmem:s7+$0x18000] =	vst v24;
	v8 =	vadd.f32 v8, v26  }
0x256: {  	[tilespmem:s7+$0x18080] =	vst v9;
	v9 =	vadd.f32 v30, v33  }
0x257: {  	v11 =	vadd.f32 v40, v28;
	[tilespmem:s7+$0x180A0] =	vst v8;
	v8 =	vmul.f32 v4, v48  }
0x258: {  	v4 =	vmul.f32 v4, v32;
	[tilespmem:s7+$0x180B0] =	vst v9;
	v9 =	vadd.f32 v47, v27  }
0x259: {  	[tilespmem:s7+$0x180F0] =	vst v11;
	v8 =	vadd.f32 v8, v22  }
0x25a: {  	v4 =	vadd.f32 v4, v10;
	[tilespmem:s7+$0x180E0] =	vst v9  }
0x25b: {  	s30 =	simm.s32 $0x60;
	[tilespmem:s7+$0x18100] =	vst v8  }
0x25c: {  	s8 =	simm.s32 $0x50;
	v5 =	vmov s30;
	[tilespmem:s7+$0x18140] =	vst v4  }
0x25d: {  	v4 =	vmov s8;
	v2 =	vld [tilespmem:s15+$0x10]  }
0x25e: {  	v8 =	vld [tilespmem:s15+$0xFFFFFFE0]  }
0x25f: {  	v22 =	vld [tilespmem:s15+$0xFFFFFFC0]  }
0x260: {  	v27 =	vld [tilespmem:s15+$0xFFFFFFD0]  }
0x261: {  	s31 =	simm.s32 $0x40;
	v9 =	vld.idx.msk [tilespmem:v5+s23+$0x0], $0xffff  }
0x262: {  	v7 =	vimm.f32 $0.0e+00;
	v13 =	vmov s31;
	v20 =	vimm.f32 $0.0e+00;
	v25 =	vld.idx.msk [tilespmem:v4+s23+$0x0], $0xffff  }
0x263: {  	v15 =	vimm.f32 $0.0e+00;
	v23 =	vimm.f32 $0.0e+00;
	v18 =	vimm.f32 $0.0e+00;
	v3 =	vld [tilespmem:s15+$0x30]  }
0x264: {  	v21 =	vimm.f32 $0.0e+00;
	v31 =	vimm.f32 $0.0e+00;
	v29 =	vimm.f32 $0.0e+00;
	v6 =	vld [tilespmem:s15+$0x0]  }
0x265: {  	v35 =	vimm.f32 $0.0e+00;
	v17 =	vimm.f32 $0.0e+00;
	v34 =	vimm.f32 $0.0e+00;
	v12 =	vld [tilespmem:s15+$0x20]  }
0x266: {  	v28 =	vimm.f32 $0.0e+00;
	v24 =	vimm.f32 $0.0e+00;
	v36 =	vimm.f32 $0.0e+00  }
0x267: {  	v30 =	vimm.f32 $0.0e+00;
	v39 =	vmul.f32 v9, v27;
	v4 =	vmul.f32 v25, v22  }
0x268: {  	v33 =	vimm.f32 $0.0e+00;
	v37 =	vld.idx.msk [tilespmem:v13+s23+$0x0], $0xffff;
	v32 =	vmul.f32 v25, v3;
	v5 =	vmul.f32 v25, v27  }
0x269: {  	v13 =	vimm.f32 $0.0e+00;
	v26 =	vld [tilespmem:s15+$0xFFFFFFF0];
	v10 =	vmul.f32 v25, v8;
	v38 =	vmul.f32 v25, v6  }
0x26a: {  	v40 =	vmul.f32 v25, v12;
	v16 =	vadd.f32 v4, v7;
	v4 =	vmul.f32 v25, v2  }
0x26b: {  	v14 =	vadd.f32 v10, v7;
	v19 =	vadd.f32 v5, v7;
	v10 =	vimm.f32 $0.0e+00  }
0x26c: {  	s10 =	simm.s32 $0x41;
	s8 =	sadd.s32 $0x80, s15;
	v5 =	vimm.f32 $0.0e+00;
	v11 =	vadd.f32 v4, v7;
	v4 =	vimm.f32 $0.0e+00  }
.LBB2_16:
0x26d: {  	s11 =	sadd.s32 $0x10, s10  }
0x26e: {  	s17 =	sadd.s32 $0x20, s10;
	v41 =	vmul.f32 v37, v26;
	v25 =	vmul.f32 v25, v26;
	v7 =	vadd.f32 v40, v7;
	s29 =	smov.u32 s10;
	s9 =	sadd.s32 $0x1, s10  }
0x26f: {  	p0 =	sne.s32 s10, $0x4F;
	v44 =	vmul.f32 v9, v12;
	v40 =	vld [tilespmem:s8+$0x10];
	v42 =	vmov s11;
	v43 =	vmov s17  }
0x270: {  	v46 =	vmul.f32 v37, v8;
	v20 =	vadd.f32 v38, v20;
	v38 =	vmul.f32 v9, v3;
	v45 =	vld [tilespmem:s8+$0x0]  }
0x271: {  	v48 =	vmul.f32 v37, v22;
	v15 =	vadd.f32 v32, v15;
	v10 =	vadd.f32 v39, v10;
	v47 =	vld [tilespmem:s8+$0xFFFFFFE0]  }
0x272: {  	v32 =	vmov s29;
	v28 =	vadd.f32 v46, v28;
	v24 =	vadd.f32 v25, v24;
	v39 =	vld [tilespmem:s8+$0xFFFFFFC0]  }
0x273: {  	v49 =	vmul.f32 v37, v27;
	v50 =	vmul.f32 v9, v2;
	v4 =	vadd.f32 v44, v4;
	v46 =	vld [tilespmem:s8+$0x30]  }
0x274: {  	v29 =	vadd.f32 v41, v29;
	v41 =	vmul.f32 v37, v6;
	v5 =	vadd.f32 v38, v5;
	v25 =	vld.idx.msk [tilespmem:v42+s23+$0x0], $0xffff  }
0x275: {  	v22 =	vmul.f32 v9, v22;
	v35 =	vadd.f32 v48, v35;
	v38 =	vmul.f32 v37, v2;
	v42 =	vld.idx.msk [tilespmem:v43+s23+$0x0], $0xffff  }
0x276: {  	v51 =	vmul.f32 v9, v8;
	v48 =	vmul.f32 v9, v6;
	v30 =	vadd.f32 v41, v30;
	v2 =	vmovc v40;
	v27 =	vld [tilespmem:s8+$0xFFFFFFD0]  }
0x277: {  	v36 =	vadd.f32 v49, v36;
	v23 =	vadd.f32 v22, v23;
	v9 =	vmul.f32 v9, v26;
	v41 =	vld.idx.msk [tilespmem:v32+s23+$0x0], $0xffff  }
0x278: {  	v44 =	vmul.f32 v37, v3;
	v31 =	vadd.f32 v38, v31;
	v13 =	vadd.f32 v48, v13;
	v6 =	vmovc v45;
	v43 =	vld [tilespmem:s8+$0x20]  }
0x279: {  	v21 =	vadd.f32 v51, v21;
	v38 =	vmul.f32 v37, v12;
	v18 =	vadd.f32 v9, v18;
	v8 =	vmovc v47  }
.Ltmp6:
0x27a: {  	v17 =	vadd.f32 v50, v17;
	v22 =	vmovc v39;
	v40 =	vmul.f32 v25, v39;
	v32 =	vmul.f32 v25, v46;
	v26 =	vld [tilespmem:s8+$0xFFFFFFF0];
	(pc) =	sbr.rel @p0 .LBB2_16-.Ltmp6, $4  }
0x27b: {  	v34 =	vadd.f32 v38, v34;
	v3 =	vmovc v46;
	v45 =	vmul.f32 v25, v8;
	v47 =	vmul.f32 v25, v27  }
0x27c: {  	v38 =	vmul.f32 v25, v6;
	v39 =	vmul.f32 v25, v2;
	v9 =	vmovc v42;
	v16 =	vadd.f32 v40, v16  }
0x27d: {  	v33 =	vadd.f32 v44, v33;
	v14 =	vadd.f32 v45, v14;
	v37 =	vmovc v41;
	v40 =	vmul.f32 v25, v43  }
0x27e: {  	s10 =	smov.u32 s9;
	s8 =	sadd.s32 $0x80, s8;
	v11 =	vadd.f32 v39, v11;
	v39 =	vmul.f32 v9, v27;
	v19 =	vadd.f32 v47, v19;
	v12 =	vmovc v43  }
0x27f: {  	[tilespmem:s7+$0x181F0] =	vst v16  }
0x280: {  	[tilespmem:s7+$0x18210] =	vst v14  }
0x281: {  	v56 =	vadd.f32 v38, v20;
	[tilespmem:s7+$0x18200] =	vst v19  }
0x282: {  	v7 =	vadd.f32 v40, v7;
	[tilespmem:s7+$0x18240] =	vst v11  }
0x283: {  	v41 =	vmul.f32 v37, v22;
	v15 =	vadd.f32 v32, v15;
	[tilespmem:s7+$0x18230] =	vst v56  }
0x284: {  	v27 =	vmul.f32 v37, v27;
	v60 =	vadd.f32 v39, v10;
	[tilespmem:s7+$0x18250] =	vst v7  }
0x285: {  	v42 =	vmul.f32 v37, v8;
	v35 =	vadd.f32 v41, v35;
	[tilespmem:s7+$0x18260] =	vst v15  }
0x286: {  	v46 =	vmul.f32 v37, v26;
	v27 =	vadd.f32 v27, v36;
	[tilespmem:s7+$0x18280] =	vst v60  }
0x287: {  	v47 =	vmul.f32 v37, v6;
	v28 =	vadd.f32 v42, v28;
	[tilespmem:s7+$0x18170] =	vst v35  }
0x288: {  	v48 =	vmul.f32 v37, v2;
	v29 =	vadd.f32 v46, v29;
	[tilespmem:s7+$0x18180] =	vst v27  }
0x289: {  	v50 =	vmul.f32 v37, v12;
	v49 =	vadd.f32 v47, v30;
	[tilespmem:s7+$0x18190] =	vst v28  }
0x28a: {  	v52 =	vmul.f32 v37, v3;
	v51 =	vadd.f32 v48, v31;
	[tilespmem:s7+$0x181A0] =	vst v29  }
0x28b: {  	v25 =	vmul.f32 v25, v26;
	v53 =	vadd.f32 v50, v34;
	[tilespmem:s7+$0x181B0] =	vst v49  }
0x28c: {  	v57 =	vmul.f32 v9, v22;
	v54 =	vadd.f32 v52, v33;
	[tilespmem:s7+$0x181C0] =	vst v51  }
0x28d: {  	v58 =	vmul.f32 v9, v8;
	v55 =	vadd.f32 v25, v24;
	[tilespmem:s7+$0x181D0] =	vst v53  }
0x28e: {  	v61 =	vmul.f32 v9, v26;
	v59 =	vadd.f32 v57, v23;
	[tilespmem:s7+$0x181E0] =	vst v54  }
0x28f: {  	v62 =	vmul.f32 v9, v6;
	v8 =	vadd.f32 v58, v21;
	[tilespmem:s7+$0x18220] =	vst v55  }
0x290: {  	v2 =	vmul.f32 v9, v2;
	s13 =	sadd.s32 $0x1, s13;
	v10 =	vadd.f32 v61, v18;
	[tilespmem:s7+$0x18270] =	vst v59  }
0x291: {  	v63 =	vmul.f32 v9, v12;
	p0 =	sne.s32 s13, $0x8;
	v6 =	vadd.f32 v62, v13;
	[tilespmem:s7+$0x18290] =	vst v8  }
.Ltmp7:
0x292: {  	v3 =	vmul.f32 v9, v3;
	v2 =	vadd.f32 v2, v17;
	[tilespmem:s7+$0x182A0] =	vst v10;
	(pc) =	sbr.rel @p0 .LBB2_11-.Ltmp7, $4  }
0x293: {  	v4 =	vadd.f32 v63, v4;
	[tilespmem:s7+$0x182B0] =	vst v6  }
0x294: {  	v3 =	vadd.f32 v3, v5;
	[tilespmem:s7+$0x182C0] =	vst v2  }
0x295: {  	[tilespmem:s7+$0x182D0] =	vst v4  }
0x296: {  	s16 =	sadd.s32 $0x400, s16;
	s15 =	sadd.s32 $0x800, s15;
	[tilespmem:s7+$0x182E0] =	vst v3  }
0x297: {  	s0 =	sadd.s32 $0x1, s0  }
0x298: {  	p0 =	sne.s32 s0, $0x20  }
.Ltmp8:
0x299: {  	s2 =	sadd.s32 s4, s2;
	(pc) =	sbr.rel @p0 .LBB2_2-.Ltmp8, $3  }
0x29a: {  	s2 =	smul.u32 $0x70, s2;
	_ =	sdelay $0x1  }
0x29b: {  	s2 =	sadd.s32 s6, s2  }
0x29c: {  	[hbm4b:s2+s3] =	stream.linear.scatter [tilespmem:s28], [sflag:$0x6], $0x1C00, $0x38;
	[tilespmem:$0x19B70] =	vst v63  }
0x29d: {  	s0 =	simm.s32 $0x3  }
0x29e: {  	_ =	swait.ge [sflag:s0], $0x1C00  }
0x29f: {  	[sflag:s0] =	ssyncset.done $0x0  }
0x2a0: {  	s2 =	simm.s32 $0x6;
	[sflag:s0] =	ssyncadd.s32 $0xFFFFE400  }
0x2a1: {  	_ =	swait.ge [sflag:s2], $0x1C00  }
0x2a2: {  	s7 =	rddreg [dreg:$0x9]  }
0x2a3: {  	s31 =	rddreg [dreg:$0x8];
	s7 =	sadd.s32 $0x1, s7  }
0x2a4: {  	p0 =	sne.s32 s7, s31  }
.Ltmp9:
0x2a5: {  	_ = 	snop;
	(pc) =	sbr.rel @p0 .LBB2_1-.Ltmp9, $3  }
0x2a6: {  	_ =	sdelay $0x1  }
0x2a7: {  	[sflag:s2] =	ssyncset.done $0x0  }
0x2a8: {  	[sflag:s2] =	ssyncadd.s32 $0xFFFFE400  }
0x2a9: {  	_ =	sfence.sel $0x180000  }
0x2aa: {  	[bflag:$0x0] =	sbarrier.arrive $0xFFFF  }
0x2ab: {  	_ =	strace $0x90000047  }
0x2ac: {  	s0 =	stileid.u32;
	[bflag:$0x2] =	sbarrier.arrive $0xFFFF  }
0x2ad: {  	p0 =	sne.s32 s0, $0x0;
	s0 =	rddreg [dreg:$0x4]  }
0x2ae: {  	s0 =	sadd.s32 @!p0 $0x100000, s0  }
0x2af: {  	[sflag:s0] =	ssyncadd.tile.s32 @!p0 $0x1;
	_ =	shalt  }
.Lfunc_end2:
_tile_overlayer_lowered:
.L_overlay_start_2:
0x2b0: {  	(tag) =	ssettag $0x2  }
0x2b1: {  	s0 =	rddreg [dreg:$0x0];
	s2 =	stileid.u32  }
0x2b2: {  	s1 =	rddreg [dreg:$0x1];
	p0 =	sne.s32 s2, $0x0  }
0x2b3: {  	s3 =	rddreg [dreg:$0x2];
	[bflag:$0x3] =	sbarrier.arrive $0xFFFF;
	s2 =	simm.s32 @!p0 $0x1C07  }
0x2b4: {  	[timem:s3], [sflag:s2] =	dma.local @!p0 [hbm:s0], s1  }
0x2b5: {  	s0 =	simm.s32 @!p0 $0x7  }
0x2b6: {  	_ =	swait.ge @!p0 [sflag:s0], s1  }
0x2b7: {  	s1 =	ssub.s32 @!p0 $0x0, s1;
	[sflag:s0] =	ssyncset.done @!p0 $0x0  }
0x2b8: {  	[sflag:s0] =	ssyncadd.s32 @!p0 s1  }
0x2b9: {  	[bflag:$0x3] =	sbarrier.arrive $0xFFFF  }
0x2ba: {  	_ =	shalt  }

</sc_bundles>
